<compile_context>
chip_gen: v7x
topology: tpu7x:2x2x1
jax: 0.10.2.dev20260603
libtpu: 0.0.44.dev20260713+nightly
codegen_flags: <defaults>
</compile_context>

<pallas_src>
import functools

import jax
import jax.numpy as jnp
from jax import lax
from jax.experimental import pallas as pl
from jax.experimental.pallas import tpu as pltpu
from jax.experimental.pallas import tpu_sc as plsc

SC_NC = 2
SC_NS = 16
SC_NW = SC_NC * SC_NS
SC_L = 16

N_TOK = 2048
HID = 768
EDIM = 512
NE = 64
BLK = 64
RPAD = 8192
NBLK = RPAD // BLK
_RSPLIT = 2048


def _gelu_tanh(x):
    return 0.5 * x * (1.0 + jnp.tanh(jnp.sqrt(2.0 / jnp.pi) * (x + 0.044715 * x ** 3)))


def _router_plan_body(x_ref, rs_ref, pes_ref, rw_ref, post_ref, wt_ref,
                      b2e_ref, nb_ref):
    x = x_ref[...]
    xr = x * lax.rsqrt(jnp.mean(x * x, axis=-1, keepdims=True) + 1e-6)
    ri = xr * rs_ref[...] * (HID ** -0.5)
    logits = lax.dot_general(ri, rw_ref[...], (((1,), (1,)), ((), ())),
                             preferred_element_type=jnp.float32)
    m = jnp.max(logits, axis=-1, keepdims=True)
    p = jnp.exp(logits - m)
    probs = p / jnp.sum(p, axis=-1, keepdims=True)

    e_iota = lax.broadcasted_iota(jnp.int32, (N_TOK, NE), 1)
    l1 = jnp.max(logits, axis=-1, keepdims=True)
    i1 = jnp.min(jnp.where(logits == l1, e_iota, NE), axis=-1, keepdims=True)
    masked = jnp.where(e_iota == i1, -jnp.inf, logits)
    l2 = jnp.max(masked, axis=-1, keepdims=True)
    i2 = jnp.min(jnp.where(masked == l2, e_iota, NE), axis=-1, keepdims=True)

    oh1 = (e_iota == i1).astype(jnp.float32)
    oh2 = (e_iota == i2).astype(jnp.float32)
    pes = pes_ref[...]
    p1 = jnp.sum(oh1 * probs, axis=-1, keepdims=True)
    p2 = jnp.sum(oh2 * probs, axis=-1, keepdims=True)
    s = p1 + p2
    w1 = p1 / s * jnp.sum(oh1 * pes, axis=-1, keepdims=True)
    w2 = p2 / s * jnp.sum(oh2 * pes, axis=-1, keepdims=True)

    M = jnp.concatenate([oh1, oh2], axis=0)
    c = M
    sh = 1
    while sh < 2 * N_TOK:
        c = c + jnp.concatenate(
            [jnp.zeros((sh, NE), jnp.float32), c[:2 * N_TOK - sh]], axis=0)
        sh *= 2
    rank = jnp.sum(M * (c - M), axis=-1, keepdims=True)

    counts = jnp.sum(M, axis=0, keepdims=True)
    bpe = jnp.floor((counts + (BLK - 1)) * (1.0 / BLK))
    ut = (lax.broadcasted_iota(jnp.int32, (NE, NE), 0)
          <= lax.broadcasted_iota(jnp.int32, (NE, NE), 1)).astype(jnp.float32)
    cumb = lax.dot_general(bpe, ut, (((1,), (0,)), ((), ())),
                           preferred_element_type=jnp.float32)
    row_off = (cumb - bpe) * float(BLK)
    pos = jnp.sum(M * row_off, axis=-1, keepdims=True) + rank
    post_ref[...] = pos.astype(jnp.int32).reshape(2, N_TOK)
    wt_ref[...] = jnp.concatenate([w1, w2], axis=0).reshape(2, N_TOK)

    b_iota = lax.broadcasted_iota(jnp.int32, (NBLK, NE), 0)
    b2e = jnp.sum((cumb.astype(jnp.int32) <= b_iota).astype(jnp.int32),
                  axis=-1, keepdims=True)
    last_used = jnp.max(jnp.where(counts > 0,
                                  lax.broadcasted_iota(jnp.int32, (1, NE), 1),
                                  0), axis=-1, keepdims=True)
    b2e = jnp.minimum(b2e, last_used)
    b2e_ref[...] = b2e.reshape(1, NBLK)
    nb_ref[...] = cumb[:, NE - 1:].astype(jnp.int32)


def _router_plan(x, router_scale, per_expert_scale, router_w):
    return pl.pallas_call(
        _router_plan_body,
        out_shape=[
            jax.ShapeDtypeStruct((2, N_TOK), jnp.int32),
            jax.ShapeDtypeStruct((2, N_TOK), jnp.float32),
            jax.ShapeDtypeStruct((1, NBLK), jnp.int32),
            jax.ShapeDtypeStruct((1, 1), jnp.int32),
        ],
    )(x, router_scale.reshape(1, HID), per_expert_scale.reshape(1, NE),
      router_w)


_HBLK = _RSPLIT // BLK


def _make_mlp_half(off, ngrid, aliased):

    def body(b2e_ref, nb_ref, xs_ref, gate_ref, up_ref, dna_ref, dnb_ref,
             ws_ref, *rest):
        del b2e_ref
        out_ref = rest[-1]

        @pl.when(pl.program_id(0) + off < nb_ref[0])
        def _():
            xb = xs_ref[...]

            def dot(a, wref):
                return lax.dot_general(a, wref[0, 0],
                                       (((1,), (1,)), ((), ())),
                                       preferred_element_type=jnp.float32)
            h = _gelu_tanh(dot(xb, gate_ref)) * dot(xb, up_ref)
            w = ws_ref[...]
            for i, dref in enumerate((dna_ref, dnb_ref)):
                out_ref[:, i * (HID // 2):(i + 1) * (HID // 2)] = (
                    dot(h, dref) * w)

    def gmap(b, nb):
        if off == 0:
            return jnp.minimum(b, jnp.minimum(nb[0], _HBLK) - 1)
        return jnp.clip(jnp.minimum(b + off, nb[0] - 1), off, NBLK - 1)

    def _xs_map(b, s, nb):
        return (gmap(b, nb) - off, 0)

    def _ws_map(b, s, nb):
        return (gmap(b, nb), 0)

    def _w_map(split):
        def m(b, s, nb):
            return (s[gmap(b, nb)], split, 0, 0)
        return m

    in_specs = [
        pl.BlockSpec((BLK, HID), _xs_map),
        pl.BlockSpec((1, 1, EDIM, HID), _w_map(0)),
        pl.BlockSpec((1, 1, EDIM, HID), _w_map(1)),
        pl.BlockSpec((1, 1, HID // 2, EDIM), _w_map(0)),
        pl.BlockSpec((1, 1, HID // 2, EDIM), _w_map(1)),
        pl.BlockSpec((BLK, 1), _ws_map),
    ]
    kwargs = {}
    if aliased:
        in_specs.append(pl.BlockSpec(memory_space=pl.ANY))
        kwargs["input_output_aliases"] = {8: 0}

    grid_spec = pltpu.PrefetchScalarGridSpec(
        num_scalar_prefetch=2,
        grid=(ngrid,),
        in_specs=in_specs,
        out_specs=pl.BlockSpec((BLK, HID),
                               lambda b, s, nb: (gmap(b, nb), 0)),
    )

    def call(xs_half, gup4, dn4, ws2d, b2e, nbv, hw_in=None):
        args = [b2e, nbv, xs_half, gup4, gup4, dn4, dn4, ws2d]
        if aliased:
            args.append(hw_in)
        return pl.pallas_call(
            body,
            grid_spec=grid_spec,
            out_shape=jax.ShapeDtypeStruct((RPAD, HID), jnp.float32),
            **kwargs,
        )(*args)
    return call


_mlp_half0 = _make_mlp_half(0, _HBLK, aliased=False)
_mlp_half1 = _make_mlp_half(_HBLK, NBLK - _HBLK, aliased=True)


def _grouped_mlp(xs_a, xs_b, gate_up_proj, down_proj, w_sorted, b2e, nbv):
    gup4 = gate_up_proj.reshape(NE, 2, EDIM, HID)
    dn4 = down_proj.reshape(NE, 2, HID // 2, EDIM)
    ws2d = w_sorted.reshape(RPAD, 1)
    hw_a = _mlp_half0(xs_a, gup4, dn4, ws2d, b2e, nbv)
    return _mlp_half1(xs_b, gup4, dn4, ws2d, b2e, nbv, hw_in=hw_a)


_SC_MESH = plsc.VectorSubcoreMesh(core_axis_name="c", subcore_axis_name="s")


def _sc_wid():
    return lax.axis_index("s") * SC_NC + lax.axis_index("c")


@functools.partial(
    pl.kernel,
    out_type=[jax.ShapeDtypeStruct((RPAD,), jnp.int32),
              jax.ShapeDtypeStruct((RPAD,), jnp.float32)],
    mesh=_SC_MESH,
    scratch_types=[pltpu.VMEM((2 * N_TOK,), jnp.int32),
                   pltpu.VMEM((2 * N_TOK,), jnp.float32),
                   pltpu.VMEM((RPAD,), jnp.int32),
                   pltpu.VMEM((RPAD,), jnp.float32)],
    compiler_params=pltpu.CompilerParams(needs_layout_passes=False),
)
def _sc_scatter_plan(pos_hbm, w_hbm, ts_hbm, ws_hbm, pos_v, w_v, ts_v, ws_v):
    @pl.when(_sc_wid() == 0)
    def _():
        pltpu.sync_copy(pos_hbm, pos_v)
        pltpu.sync_copy(w_hbm, w_v)

        def init(i, carry):
            ts_v[pl.ds(i * SC_L, SC_L)] = (
                (lax.iota(jnp.int32, SC_L) + i * SC_L) & (N_TOK - 1))
            ws_v[pl.ds(i * SC_L, SC_L)] = jnp.zeros((SC_L,), jnp.float32)
            return carry
        lax.fori_loop(0, RPAD // SC_L, init, 0)

        def scat(i, carry):
            sl = pl.ds(i * SC_L, SC_L)
            idx = pos_v[sl]
            tok = (lax.iota(jnp.int32, SC_L) + i * SC_L) & (N_TOK - 1)
            plsc.store_scatter(ts_v, [idx], tok)
            plsc.store_scatter(ws_v, [idx], w_v[sl])
            return carry
        lax.fori_loop(0, 2 * N_TOK // SC_L, scat, 0)
        pltpu.sync_copy(ts_v, ts_hbm)
        pltpu.sync_copy(ws_v, ws_hbm)


_GCH = 32
_GNB = 4


def _make_sc_gather_piece(row0, nrows, tag):
    gpt = nrows // SC_NW

    @functools.partial(
        pl.kernel,
        out_type=jax.ShapeDtypeStruct((nrows, HID), jnp.float32),
        mesh=_SC_MESH,
        scratch_types=[pltpu.VMEM((gpt,), jnp.int32),
                       [pltpu.VMEM((_GCH, HID), jnp.float32)] * _GNB,
                       [pltpu.SemaphoreType.DMA] * _GNB,
                       [pltpu.SemaphoreType.DMA] * _GNB],
        name=f"sc_gather_x_{tag}",
    )
    def _sc_gather_x(x_hbm, ts_hbm, xs_hbm, idx_v, rows_bufs, gsems, wsems):
        wid = _sc_wid()
        base = wid * gpt
        pltpu.sync_copy(ts_hbm.at[pl.ds(row0 + base, gpt)], idx_v)
        nch = gpt // _GCH
        nring = min(_GNB, nch)

        def issue_gather(i, b):
            pltpu.async_copy(x_hbm.at[idx_v.at[pl.ds(i * _GCH, _GCH)]],
                             rows_bufs[b], gsems[b])

        for b in range(nring):
            issue_gather(b, b)

        def step(i, carry):
            for b in range(_GNB):
                @pl.when(i % _GNB == b)
                def _():
                    pltpu.make_async_copy(
                        x_hbm.at[idx_v.at[pl.ds(0, _GCH)]], rows_bufs[b],
                        gsems[b]).wait()
                    pltpu.async_copy(rows_bufs[b],
                                     xs_hbm.at[pl.ds(base + i * _GCH, _GCH)],
                                     wsems[b])

                    @pl.when(i + _GNB < nch)
                    def _():
                        pltpu.make_async_copy(
                            rows_bufs[b], xs_hbm.at[pl.ds(base, _GCH)],
                            wsems[b]).wait()
                        issue_gather(i + _GNB, b)
            return carry
        lax.fori_loop(0, nch, step, 0)

        for b in range(nring):
            pltpu.make_async_copy(rows_bufs[b], xs_hbm.at[pl.ds(0, _GCH)],
                                  wsems[b]).wait()
    return _sc_gather_x


_sc_gather_half0 = _make_sc_gather_piece(0, _RSPLIT, 0)
_sc_gather_half1 = _make_sc_gather_piece(_RSPLIT, RPAD - _RSPLIT, 1)


_CCH = 32


@functools.partial(
    pl.kernel,
    out_type=jax.ShapeDtypeStruct((N_TOK, HID), jnp.float32),
    mesh=_SC_MESH,
    scratch_types=[pltpu.VMEM((_CCH,), jnp.int32),
                   pltpu.VMEM((_CCH,), jnp.int32),
                   pltpu.VMEM((_CCH, HID), jnp.float32),
                   pltpu.VMEM((_CCH, HID), jnp.float32),
                   pltpu.SemaphoreType.DMA,
                   pltpu.SemaphoreType.DMA],
)
def _sc_combine(hw_hbm, p0_hbm, p1_hbm, out_hbm, i0_v, i1_v, b0_v, b1_v,
                s0, s1):
    wid = _sc_wid()

    def chunk(i, carry):
        base = wid * (N_TOK // SC_NW) + i * _CCH
        pltpu.sync_copy(p0_hbm.at[pl.ds(base, _CCH)], i0_v)
        pltpu.sync_copy(p1_hbm.at[pl.ds(base, _CCH)], i1_v)
        c0 = pltpu.async_copy(hw_hbm.at[i0_v], b0_v, s0)
        c1 = pltpu.async_copy(hw_hbm.at[i1_v], b1_v, s1)
        c0.wait()
        c1.wait()

        def addrow(r, carry2):
            for cc in range(HID // SC_L):
                sl = pl.ds(cc * SC_L, SC_L)
                b0_v[r, sl] = b0_v[r, sl] + b1_v[r, sl]
            return carry2
        lax.fori_loop(0, _CCH, addrow, 0)
        pltpu.sync_copy(b0_v, out_hbm.at[pl.ds(base, _CCH)])
        return carry
    lax.fori_loop(0, N_TOK // SC_NW // _CCH, chunk, 0)


def kernel(x, router_scale, per_expert_scale, router_w, gate_up_proj,
           down_proj):
    pos2, w2, b2e, nb = _router_plan(x, router_scale, per_expert_scale,
                                     router_w)
    pos_flat = pos2.reshape(2 * N_TOK)
    w_flat = w2.reshape(2 * N_TOK)

    tok_sorted, w_sorted = _sc_scatter_plan(pos_flat, w_flat)
    xs_a = _sc_gather_half0(x, tok_sorted)
    xs_b = _sc_gather_half1(x, tok_sorted)
    hw = _grouped_mlp(xs_a, xs_b, gate_up_proj, down_proj, w_sorted,
                      b2e.reshape(NBLK), nb.reshape(1))
    out = _sc_combine(hw, pos2[0], pos2[1])
    return out

# --- scband reference (transcript-rebuilt; emitter-appended) ---
"""Pipeline reference for scband-gemma4-mo-e-53601191854593 (READ-ONLY COPY).

The authoritative reference and input builder live on the scoring server;
editing this copy changes nothing except your own understanding.
"""

import jax, jax.numpy as jnp
import numpy as np

HIDDEN = 768
EXPERT_DIM = 512
NUM_EXPERTS = 64
TOP_K = 2
INIT_STD = 0.02
N_TOKENS = 2048


def _rms_norm(x, eps=1e-6):
    return x * jax.lax.rsqrt(jnp.mean(x * x, axis=-1, keepdims=True) + eps)


def _gelu_tanh(x):
    return 0.5 * x * (1.0 + jnp.tanh(jnp.sqrt(2.0 / jnp.pi) * (x + 0.044715 * x ** 3)))


def setup_inputs(seed: int = 0) -> dict:
    key = jax.random.key(seed)
    ks = jax.random.split(key, 4)
    x = jax.random.normal(ks[0], (N_TOKENS, HIDDEN), dtype=jnp.float32)
    router_scale = jnp.ones((HIDDEN,), dtype=jnp.float32)
    per_expert_scale = jnp.ones((NUM_EXPERTS,), dtype=jnp.float32)
    router_w = jax.random.normal(ks[1], (NUM_EXPERTS, HIDDEN), dtype=jnp.float32) * INIT_STD
    gate_up_proj = jax.random.normal(ks[2], (NUM_EXPERTS, 2 * EXPERT_DIM, HIDDEN), dtype=jnp.float32) * INIT_STD
    down_proj = jax.random.normal(ks[3], (NUM_EXPERTS, HIDDEN, EXPERT_DIM), dtype=jnp.float32) * INIT_STD
    return {
        "x": x,
        "router_scale": router_scale,
        "per_expert_scale": per_expert_scale,
        "router_w": router_w,
        "gate_up_proj": gate_up_proj,
        "down_proj": down_proj,
    }


def reference(x, router_scale, per_expert_scale, router_w, gate_up_proj, down_proj):
    # router path
    router_input = _rms_norm(x)
    router_input = router_input * router_scale * (HIDDEN ** -0.5)
    router_logits = (router_input @ router_w.T).astype(jnp.float32)
    router_probs = jax.nn.softmax(router_logits, axis=-1)
    _, topk_index = jax.lax.top_k(router_logits, TOP_K)
    topk_weights = jnp.take_along_axis(router_probs, topk_index, axis=-1)
    topk_weights = topk_weights / jnp.sum(topk_weights, axis=-1, keepdims=True)
    topk_weights = topk_weights * per_expert_scale[topk_index]
    # per-token combine weights over experts: [N, E]
    combine = jnp.sum(
        jax.nn.one_hot(topk_index, NUM_EXPERTS, dtype=topk_weights.dtype) * topk_weights[..., None],
        axis=1,
    )
    out = jnp.zeros_like(x)
    for e in range(NUM_EXPERTS):
        gu = x @ gate_up_proj[e].T
        gate, up = jnp.split(gu, 2, axis=-1)
        hidden = _gelu_tanh(gate) * up
        hidden = hidden @ down_proj[e].T
        out = out + combine[:, e:e + 1] * hidden
    return out

if __name__ == "__main__":
    import jax
    _d = setup_inputs()
    print(jax.jit(kernel)(*tuple(_d.values())))

</pallas_src>

<mosaic_0001>
#map = affine_map<(d0, d1) -> (0)>
module attributes {stable_mosaic.version = 14 : i64} {
  func.func @_sc_scatter_plan(%arg0: i32, %arg1: i32, %arg2: memref<4096xi32, #tpu.memory_space<hbm>>, %arg3: memref<4096xf32, #tpu.memory_space<hbm>>, %arg4: memref<8192xi32, #tpu.memory_space<hbm>>, %arg5: memref<8192xf32, #tpu.memory_space<hbm>>, %arg6: memref<4096xi32, #tpu.memory_space<vmem>>, %arg7: memref<4096xf32, #tpu.memory_space<vmem>>, %arg8: memref<8192xi32, #tpu.memory_space<vmem>>, %arg9: memref<8192xf32, #tpu.memory_space<vmem>>) attributes {dimension_semantics = [#tpu.dimension_semantics<core_parallel>, #tpu.dimension_semantics<subcore_parallel>], iteration_bounds = array<i64: 2, 16>, scalar_prefetch = 0 : i64, scratch_operands = 4 : i64, tpu.core_type = #tpu.core_type<sc_vector_subcore>, window_params = [{transform_indices = #map}, {transform_indices = #map}, {transform_indices = #map}, {transform_indices = #map}]} {
    %mul3A = arith.constant 2 : i32
    %mul3A_0 = arith.muli %arg1, %mul3A : i32
    %add3A = arith.addi %mul3A_0, %arg0 : i32
    %eq3A = arith.constant 0 : i32
    %eq3A_1 = arith.cmpi eq, %add3A, %eq3A : i32
    %convert_element_type3A = arith.extui %eq3A_1 : i1 to i32
    %cond3A = arith.constant 0 : i32
    %cond3A_2 = arith.cmpi ne, %convert_element_type3A, %cond3A : i32
    scf.if %cond3A_2 {
      "tpu.region"() ({
        %run_scoped3A = tpu.sem_alloc : memref<!tpu.dma_semaphore, #tpu.memory_space<semaphore_mem>>
        tpu.enqueue_dma source(%arg2 : memref<4096xi32, #tpu.memory_space<hbm>>) target(%arg6 : memref<4096xi32, #tpu.memory_space<vmem>>) target_semaphore(%run_scoped3A : memref<!tpu.dma_semaphore, #tpu.memory_space<semaphore_mem>>)
        tpu.wait_dma2 semaphore(%run_scoped3A : memref<!tpu.dma_semaphore, #tpu.memory_space<semaphore_mem>>) src(%arg2 : memref<4096xi32, #tpu.memory_space<hbm>>) dst(%arg6 : memref<4096xi32, #tpu.memory_space<vmem>>)
        tpu.yield
      }) : () -> ()
      "tpu.region"() ({
        %run_scoped3A = tpu.sem_alloc : memref<!tpu.dma_semaphore, #tpu.memory_space<semaphore_mem>>
        tpu.enqueue_dma source(%arg3 : memref<4096xf32, #tpu.memory_space<hbm>>) target(%arg7 : memref<4096xf32, #tpu.memory_space<vmem>>) target_semaphore(%run_scoped3A : memref<!tpu.dma_semaphore, #tpu.memory_space<semaphore_mem>>)
        tpu.wait_dma2 semaphore(%run_scoped3A : memref<!tpu.dma_semaphore, #tpu.memory_space<semaphore_mem>>) src(%arg3 : memref<4096xf32, #tpu.memory_space<hbm>>) dst(%arg7 : memref<4096xf32, #tpu.memory_space<vmem>>)
        tpu.yield
      }) : () -> ()
      %scan3A = arith.constant 0 : i32
      %scan3A_3 = arith.constant 0 : i32
      %scan3A_4 = arith.constant 512 : i32
      %scan3A_5 = arith.addi %scan3A_3, %scan3A_4 : i32
      %scan3A_6 = arith.constant 1 : i32
      scf.for %scan3A_14 = %scan3A_3 to %scan3A_5 step %scan3A_6  : i32 {
        %iota3A = tpu.iota {dimensions = array<i32: 0>} : vector<16xi32>
        %mul3A_15 = arith.constant 16 : i32
        %mul3A_16 = arith.muli %scan3A_14, %mul3A_15 : i32
        %add3A_17 = vector.broadcast %mul3A_16 : i32 to vector<16xi32>
        %add3A_18 = arith.addi %iota3A, %add3A_17 : vector<16xi32>
        %and3A = arith.constant 2047 : i32
        %and3A_19 = vector.broadcast %and3A : i32 to vector<16xi32>
        %and3A_20 = arith.andi %add3A_18, %and3A_19 : vector<16xi32>
        %mul3A_21 = arith.constant 16 : i32
        %mul3A_22 = arith.muli %scan3A_14, %mul3A_21 : i32
        %swap3A = arith.index_cast %mul3A_22 : i32 to index
        %swap3A_23 = tpu.vector_load %arg8[%swap3A] {strides = array<i32>} : memref<8192xi32, #tpu.memory_space<vmem>>, vector<16xi32>,
        tpu.vector_store %arg8[%swap3A], %and3A_20 {strides = array<i32>} : memref<8192xi32, #tpu.memory_space<vmem>>, vector<16xi32>,
        %broadcast_in_dim3A = arith.constant 0.000000e+00 : f32
        %broadcast_in_dim3A_24 = vector.broadcast %broadcast_in_dim3A : f32 to vector<16xf32>
        %mul3A_25 = arith.constant 16 : i32
        %mul3A_26 = arith.muli %scan3A_14, %mul3A_25 : i32
        %swap3A_27 = arith.index_cast %mul3A_26 : i32 to index
        %swap3A_28 = tpu.vector_load %arg9[%swap3A_27] {strides = array<i32>} : memref<8192xf32, #tpu.memory_space<vmem>>, vector<16xf32>,
        tpu.vector_store %arg9[%swap3A_27], %broadcast_in_dim3A_24 {strides = array<i32>} : memref<8192xf32, #tpu.memory_space<vmem>>, vector<16xf32>,
      }
      %scan3A_7 = arith.constant 512 : i32
      %scan3A_8 = arith.constant 0 : i32
      %scan3A_9 = arith.constant 0 : i32
      %scan3A_10 = arith.constant 256 : i32
      %scan3A_11 = arith.addi %scan3A_9, %scan3A_10 : i32
      %scan3A_12 = arith.constant 1 : i32
      scf.for %scan3A_14 = %scan3A_9 to %scan3A_11 step %scan3A_12  : i32 {
        %mul3A_15 = arith.constant 16 : i32
        %mul3A_16 = arith.muli %scan3A_14, %mul3A_15 : i32
        %get3A = arith.index_cast %mul3A_16 : i32 to index
        %get3A_17 = tpu.vector_load %arg6[%get3A] {strides = array<i32>} : memref<4096xi32, #tpu.memory_space<vmem>>, vector<16xi32>,
        %iota3A = tpu.iota {dimensions = array<i32: 0>} : vector<16xi32>
        %mul3A_18 = arith.constant 16 : i32
        %mul3A_19 = arith.muli %scan3A_14, %mul3A_18 : i32
        %add3A_20 = vector.broadcast %mul3A_19 : i32 to vector<16xi32>
        %add3A_21 = arith.addi %iota3A, %add3A_20 : vector<16xi32>
        %and3A = arith.constant 2047 : i32
        %and3A_22 = vector.broadcast %and3A : i32 to vector<16xi32>
        %and3A_23 = arith.andi %add3A_21, %and3A_22 : vector<16xi32>
        tpu.vector_store_idx %arg8[%get3A_17], %and3A_23 : memref<8192xi32, #tpu.memory_space<vmem>>[vector<16xi32>], vector<16xi32>,
        %get3A_24 = arith.index_cast %mul3A_16 : i32 to index
        %get3A_25 = tpu.vector_load %arg7[%get3A_24] {strides = array<i32>} : memref<4096xf32, #tpu.memory_space<vmem>>, vector<16xf32>,
        tpu.vector_store_idx %arg9[%get3A_17], %get3A_25 : memref<8192xf32, #tpu.memory_space<vmem>>[vector<16xi32>], vector<16xf32>,
      }
      %scan3A_13 = arith.constant 256 : i32
      "tpu.region"() ({
        %run_scoped3A = tpu.sem_alloc : memref<!tpu.dma_semaphore, #tpu.memory_space<semaphore_mem>>
        tpu.enqueue_dma source(%arg8 : memref<8192xi32, #tpu.memory_space<vmem>>) target(%arg4 : memref<8192xi32, #tpu.memory_space<hbm>>) target_semaphore(%run_scoped3A : memref<!tpu.dma_semaphore, #tpu.memory_space<semaphore_mem>>)
        tpu.wait_dma2 semaphore(%run_scoped3A : memref<!tpu.dma_semaphore, #tpu.memory_space<semaphore_mem>>) src(%arg8 : memref<8192xi32, #tpu.memory_space<vmem>>) dst(%arg4 : memref<8192xi32, #tpu.memory_space<hbm>>)
        tpu.yield
      }) : () -> ()
      "tpu.region"() ({
        %run_scoped3A = tpu.sem_alloc : memref<!tpu.dma_semaphore, #tpu.memory_space<semaphore_mem>>
        tpu.enqueue_dma source(%arg9 : memref<8192xf32, #tpu.memory_space<vmem>>) target(%arg5 : memref<8192xf32, #tpu.memory_space<hbm>>) target_semaphore(%run_scoped3A : memref<!tpu.dma_semaphore, #tpu.memory_space<semaphore_mem>>)
        tpu.wait_dma2 semaphore(%run_scoped3A : memref<!tpu.dma_semaphore, #tpu.memory_space<semaphore_mem>>) src(%arg9 : memref<8192xf32, #tpu.memory_space<vmem>>) dst(%arg5 : memref<8192xf32, #tpu.memory_space<hbm>>)
        tpu.yield
      }) : () -> ()
    } else {
    }
    return
  }
}

#map = affine_map<(d0, d1) -> (0, 0)>
#map1 = affine_map<(d0, d1) -> (0)>
module attributes {stable_mosaic.version = 14 : i64} {
  func.func @sc_gather_x_0(%arg0: i32, %arg1: i32, %arg2: memref<2048x768xf32, #tpu.memory_space<hbm>>, %arg3: memref<8192xi32, #tpu.memory_space<hbm>>, %arg4: memref<2048x768xf32, #tpu.memory_space<hbm>>, %arg5: memref<64xi32, #tpu.memory_space<vmem>>, %arg6: memref<32x768xf32, #tpu.memory_space<vmem>>, %arg7: memref<32x768xf32, #tpu.memory_space<vmem>>, %arg8: memref<32x768xf32, #tpu.memory_space<vmem>>, %arg9: memref<32x768xf32, #tpu.memory_space<vmem>>, %arg10: memref<!tpu.dma_semaphore, #tpu.memory_space<semaphore_mem>>, %arg11: memref<!tpu.dma_semaphore, #tpu.memory_space<semaphore_mem>>, %arg12: memref<!tpu.dma_semaphore, #tpu.memory_space<semaphore_mem>>, %arg13: memref<!tpu.dma_semaphore, #tpu.memory_space<semaphore_mem>>, %arg14: memref<!tpu.dma_semaphore, #tpu.memory_space<semaphore_mem>>, %arg15: memref<!tpu.dma_semaphore, #tpu.memory_space<semaphore_mem>>, %arg16: memref<!tpu.dma_semaphore, #tpu.memory_space<semaphore_mem>>, %arg17: memref<!tpu.dma_semaphore, #tpu.memory_space<semaphore_mem>>) attributes {dimension_semantics = [#tpu.dimension_semantics<core_parallel>, #tpu.dimension_semantics<subcore_parallel>], iteration_bounds = array<i64: 2, 16>, scalar_prefetch = 0 : i64, scratch_operands = 13 : i64, tpu.core_type = #tpu.core_type<sc_vector_subcore>, window_params = [{transform_indices = #map}, {transform_indices = #map1}, {transform_indices = #map}]} {
    %mul3A = arith.constant 2 : i32
    %mul3A_0 = arith.muli %arg1, %mul3A : i32
    %add3A = arith.addi %mul3A_0, %arg0 : i32
    %mul3A_1 = arith.constant 64 : i32
    %mul3A_2 = arith.muli %add3A, %mul3A_1 : i32
    %add3A_3 = arith.constant 0 : i32
    %add3A_4 = arith.addi %add3A_3, %mul3A_2 : i32
    "tpu.region"() ({
      %run_scoped3A = tpu.sem_alloc : memref<!tpu.dma_semaphore, #tpu.memory_space<semaphore_mem>>
      %dma_start3A_30 = tpu.memref_slice %arg3[%add3A_4] : memref<8192xi32, #tpu.memory_space<hbm>> -> memref<64xi32, #tpu.memory_space<hbm>>
      %dma_start3A_31 = tpu.memref_slice %arg3[%add3A_4] : memref<8192xi32, #tpu.memory_space<hbm>> -> memref<64xi32, #tpu.memory_space<hbm>>
      tpu.enqueue_dma source(%dma_start3A_31 : memref<64xi32, #tpu.memory_space<hbm>>) target(%arg5 : memref<64xi32, #tpu.memory_space<vmem>>) target_semaphore(%run_scoped3A : memref<!tpu.dma_semaphore, #tpu.memory_space<semaphore_mem>>)
      %dma_wait3A_32 = tpu.memref_slice %arg3[%add3A_4] : memref<8192xi32, #tpu.memory_space<hbm>> -> memref<64xi32, #tpu.memory_space<hbm>>
      %dma_wait3A_33 = tpu.memref_slice %arg3[%add3A_4] : memref<8192xi32, #tpu.memory_space<hbm>> -> memref<64xi32, #tpu.memory_space<hbm>>
      tpu.wait_dma2 semaphore(%run_scoped3A : memref<!tpu.dma_semaphore, #tpu.memory_space<semaphore_mem>>) src(%dma_wait3A_33 : memref<64xi32, #tpu.memory_space<hbm>>) dst(%arg5 : memref<64xi32, #tpu.memory_space<vmem>>)
      tpu.yield
    }) : () -> ()
    %dma_start3A = arith.constant 0 : i32
    %dma_start3A_5 = tpu.memref_slice %arg5[%dma_start3A] : memref<64xi32, #tpu.memory_space<vmem>> -> memref<32xi32, #tpu.memory_space<vmem>>
    %dma_start3A_6 = arith.constant 0 : i32
    %dma_start3A_7 = arith.constant 0 : i32
    %dma_start3A_8 = tpu.memref_slice %arg2[%dma_start3A_6, %dma_start3A_7] : memref<2048x768xf32, #tpu.memory_space<hbm>> -> memref<2048x768xf32, #tpu.memory_space<hbm>>
    tpu.enqueue_indirect_dma source(%dma_start3A_8 : memref<2048x768xf32, #tpu.memory_space<hbm>>) target(%arg6 : memref<32x768xf32, #tpu.memory_space<vmem>>) offsets(%dma_start3A_5 : memref<32xi32, #tpu.memory_space<vmem>>) semaphore(%arg10 : memref<!tpu.dma_semaphore, #tpu.memory_space<semaphore_mem>>)
    %dma_start3A_9 = arith.constant 32 : i32
    %dma_start3A_10 = tpu.memref_slice %arg5[%dma_start3A_9] : memref<64xi32, #tpu.memory_space<vmem>> -> memref<32xi32, #tpu.memory_space<vmem>>
    %dma_start3A_11 = arith.constant 0 : i32
    %dma_start3A_12 = arith.constant 0 : i32
    %dma_start3A_13 = tpu.memref_slice %arg2[%dma_start3A_11, %dma_start3A_12] : memref<2048x768xf32, #tpu.memory_space<hbm>> -> memref<2048x768xf32, #tpu.memory_space<hbm>>
    tpu.enqueue_indirect_dma source(%dma_start3A_13 : memref<2048x768xf32, #tpu.memory_space<hbm>>) target(%arg7 : memref<32x768xf32, #tpu.memory_space<vmem>>) offsets(%dma_start3A_10 : memref<32xi32, #tpu.memory_space<vmem>>) semaphore(%arg11 : memref<!tpu.dma_semaphore, #tpu.memory_space<semaphore_mem>>)
    %scan3A = arith.constant 0 : i32
    %scan3A_14 = arith.constant 0 : i32
    %scan3A_15 = arith.constant 2 : i32
    %scan3A_16 = arith.addi %scan3A_14, %scan3A_15 : i32
    %scan3A_17 = arith.constant 1 : i32
    scf.for %scan3A_30 = %scan3A_14 to %scan3A_16 step %scan3A_17  : i32 {
      %jit3A = arith.constant 4 : i32
      %eq3A = arith.constant 0 : i32
      %eq3A_31 = arith.cmpi eq, %jit3A, %eq3A : i32
      %jit3A_32 = arith.constant 1 : i32
      %select_n3A = arith.select %eq3A_31, %jit3A_32, %jit3A : i32
      %rem3A = arith.remsi %scan3A_30, %select_n3A : i32
      %ne3A = arith.constant 0 : i32
      %ne3A_33 = arith.cmpi ne, %rem3A, %ne3A : i32
      %lt3A = arith.constant 0 : i32
      %lt3A_34 = arith.cmpi slt, %rem3A, %lt3A : i32
      %lt3A_35 = arith.constant 0 : i32
      %lt3A_36 = arith.cmpi slt, %select_n3A, %lt3A_35 : i32
      %ne3A_37 = arith.xori %lt3A_34, %lt3A_36 : i1
      %and3A = arith.andi %ne3A_37, %ne3A_33 : i1
      %add3A_38 = arith.addi %rem3A, %select_n3A : i32
      %select_n3A_39 = arith.select %and3A, %add3A_38, %rem3A : i32
      %eq3A_40 = arith.constant 0 : i32
      %eq3A_41 = arith.cmpi eq, %select_n3A_39, %eq3A_40 : i32
      %convert_element_type3A = arith.extui %eq3A_41 : i1 to i32
      %cond3A = arith.constant 0 : i32
      %cond3A_42 = arith.cmpi ne, %convert_element_type3A, %cond3A : i32
      scf.if %cond3A_42 {
        %dma_wait3A_106 = arith.constant 0 : i32
        %dma_wait3A_107 = tpu.memref_slice %arg5[%dma_wait3A_106] : memref<64xi32, #tpu.memory_space<vmem>> -> memref<32xi32, #tpu.memory_space<vmem>>
        %dma_wait3A_108 = arith.constant 0 : i32
        %dma_wait3A_109 = arith.constant 0 : i32
        %dma_wait3A_110 = tpu.memref_slice %arg2[%dma_wait3A_108, %dma_wait3A_109] : memref<2048x768xf32, #tpu.memory_space<hbm>> -> memref<2048x768xf32, #tpu.memory_space<hbm>>
        tpu.wait_indirect_dma semaphore(%arg10 : memref<!tpu.dma_semaphore, #tpu.memory_space<semaphore_mem>>) src(%dma_wait3A_110 : memref<2048x768xf32, #tpu.memory_space<hbm>>) dst(%arg6 : memref<32x768xf32, #tpu.memory_space<vmem>>)
        %mul3A_111 = arith.constant 32 : i32
        %mul3A_112 = arith.muli %scan3A_30, %mul3A_111 : i32
        %add3A_113 = arith.addi %mul3A_2, %mul3A_112 : i32
        %dma_start3A_114 = arith.constant 0 : i32
        %dma_start3A_115 = tpu.memref_slice %arg4[%add3A_113, %dma_start3A_114] : memref<2048x768xf32, #tpu.memory_space<hbm>> -> memref<32x768xf32, #tpu.memory_space<hbm>>
        %dma_start3A_116 = arith.constant 0 : i32
        %dma_start3A_117 = tpu.memref_slice %arg4[%add3A_113, %dma_start3A_116] : memref<2048x768xf32, #tpu.memory_space<hbm>> -> memref<32x768xf32, #tpu.memory_space<hbm>>
        tpu.enqueue_dma source(%arg6 : memref<32x768xf32, #tpu.memory_space<vmem>>) target(%dma_start3A_117 : memref<32x768xf32, #tpu.memory_space<hbm>>) target_semaphore(%arg14 : memref<!tpu.dma_semaphore, #tpu.memory_space<semaphore_mem>>)
        %add3A_118 = arith.constant 4 : i32
        %add3A_119 = arith.addi %scan3A_30, %add3A_118 : i32
        %lt3A_120 = arith.constant 2 : i32
        %lt3A_121 = arith.cmpi slt, %add3A_119, %lt3A_120 : i32
        %convert_element_type3A_122 = arith.extui %lt3A_121 : i1 to i32
        %cond3A_123 = arith.constant 0 : i32
        %cond3A_124 = arith.cmpi ne, %convert_element_type3A_122, %cond3A_123 : i32
        scf.if %cond3A_124 {
          %dma_wait3A_125 = arith.constant 0 : i32
          %dma_wait3A_126 = tpu.memref_slice %arg4[%mul3A_2, %dma_wait3A_125] : memref<2048x768xf32, #tpu.memory_space<hbm>> -> memref<32x768xf32, #tpu.memory_space<hbm>>
          %dma_wait3A_127 = arith.constant 0 : i32
          %dma_wait3A_128 = tpu.memref_slice %arg4[%mul3A_2, %dma_wait3A_127] : memref<2048x768xf32, #tpu.memory_space<hbm>> -> memref<32x768xf32, #tpu.memory_space<hbm>>
          tpu.wait_dma2 semaphore(%arg14 : memref<!tpu.dma_semaphore, #tpu.memory_space<semaphore_mem>>) src(%arg6 : memref<32x768xf32, #tpu.memory_space<vmem>>) dst(%dma_wait3A_128 : memref<32x768xf32, #tpu.memory_space<hbm>>)
          %add3A_129 = arith.constant 4 : i32
          %add3A_130 = arith.addi %scan3A_30, %add3A_129 : i32
          %mul3A_131 = arith.constant 32 : i32
          %mul3A_132 = arith.muli %add3A_130, %mul3A_131 : i32
          %dma_start3A_133 = tpu.memref_slice %arg5[%mul3A_132] : memref<64xi32, #tpu.memory_space<vmem>> -> memref<32xi32, #tpu.memory_space<vmem>>
          %dma_start3A_134 = arith.constant 0 : i32
          %dma_start3A_135 = arith.constant 0 : i32
          %dma_start3A_136 = tpu.memref_slice %arg2[%dma_start3A_134, %dma_start3A_135] : memref<2048x768xf32, #tpu.memory_space<hbm>> -> memref<2048x768xf32, #tpu.memory_space<hbm>>
          tpu.enqueue_indirect_dma source(%dma_start3A_136 : memref<2048x768xf32, #tpu.memory_space<hbm>>) target(%arg6 : memref<32x768xf32, #tpu.memory_space<vmem>>) offsets(%dma_start3A_133 : memref<32xi32, #tpu.memory_space<vmem>>) semaphore(%arg10 : memref<!tpu.dma_semaphore, #tpu.memory_space<semaphore_mem>>)
        } else {
        }
      } else {
      }
      %jit3A_43 = arith.constant 4 : i32
      %eq3A_44 = arith.constant 0 : i32
      %eq3A_45 = arith.cmpi eq, %jit3A_43, %eq3A_44 : i32
      %jit3A_46 = arith.constant 1 : i32
      %select_n3A_47 = arith.select %eq3A_45, %jit3A_46, %jit3A_43 : i32
      %rem3A_48 = arith.remsi %scan3A_30, %select_n3A_47 : i32
      %ne3A_49 = arith.constant 0 : i32
      %ne3A_50 = arith.cmpi ne, %rem3A_48, %ne3A_49 : i32
      %lt3A_51 = arith.constant 0 : i32
      %lt3A_52 = arith.cmpi slt, %rem3A_48, %lt3A_51 : i32
      %lt3A_53 = arith.constant 0 : i32
      %lt3A_54 = arith.cmpi slt, %select_n3A_47, %lt3A_53 : i32
      %ne3A_55 = arith.xori %lt3A_52, %lt3A_54 : i1
      %and3A_56 = arith.andi %ne3A_55, %ne3A_50 : i1
      %add3A_57 = arith.addi %rem3A_48, %select_n3A_47 : i32
      %select_n3A_58 = arith.select %and3A_56, %add3A_57, %rem3A_48 : i32
      %eq3A_59 = arith.constant 1 : i32
      %eq3A_60 = arith.cmpi eq, %select_n3A_58, %eq3A_59 : i32
      %convert_element_type3A_61 = arith.extui %eq3A_60 : i1 to i32
      %cond3A_62 = arith.constant 0 : i32
      %cond3A_63 = arith.cmpi ne, %convert_element_type3A_61, %cond3A_62 : i32
      scf.if %cond3A_63 {
        %dma_wait3A_106 = arith.constant 0 : i32
        %dma_wait3A_107 = tpu.memref_slice %arg5[%dma_wait3A_106] : memref<64xi32, #tpu.memory_space<vmem>> -> memref<32xi32, #tpu.memory_space<vmem>>
        %dma_wait3A_108 = arith.constant 0 : i32
        %dma_wait3A_109 = arith.constant 0 : i32
        %dma_wait3A_110 = tpu.memref_slice %arg2[%dma_wait3A_108, %dma_wait3A_109] : memref<2048x768xf32, #tpu.memory_space<hbm>> -> memref<2048x768xf32, #tpu.memory_space<hbm>>
        tpu.wait_indirect_dma semaphore(%arg11 : memref<!tpu.dma_semaphore, #tpu.memory_space<semaphore_mem>>) src(%dma_wait3A_110 : memref<2048x768xf32, #tpu.memory_space<hbm>>) dst(%arg7 : memref<32x768xf32, #tpu.memory_space<vmem>>)
        %mul3A_111 = arith.constant 32 : i32
        %mul3A_112 = arith.muli %scan3A_30, %mul3A_111 : i32
        %add3A_113 = arith.addi %mul3A_2, %mul3A_112 : i32
        %dma_start3A_114 = arith.constant 0 : i32
        %dma_start3A_115 = tpu.memref_slice %arg4[%add3A_113, %dma_start3A_114] : memref<2048x768xf32, #tpu.memory_space<hbm>> -> memref<32x768xf32, #tpu.memory_space<hbm>>
        %dma_start3A_116 = arith.constant 0 : i32
        %dma_start3A_117 = tpu.memref_slice %arg4[%add3A_113, %dma_start3A_116] : memref<2048x768xf32, #tpu.memory_space<hbm>> -> memref<32x768xf32, #tpu.memory_space<hbm>>
        tpu.enqueue_dma source(%arg7 : memref<32x768xf32, #tpu.memory_space<vmem>>) target(%dma_start3A_117 : memref<32x768xf32, #tpu.memory_space<hbm>>) target_semaphore(%arg15 : memref<!tpu.dma_semaphore, #tpu.memory_space<semaphore_mem>>)
        %add3A_118 = arith.constant 4 : i32
        %add3A_119 = arith.addi %scan3A_30, %add3A_118 : i32
        %lt3A_120 = arith.constant 2 : i32
        %lt3A_121 = arith.cmpi slt, %add3A_119, %lt3A_120 : i32
        %convert_element_type3A_122 = arith.extui %lt3A_121 : i1 to i32
        %cond3A_123 = arith.constant 0 : i32
        %cond3A_124 = arith.cmpi ne, %convert_element_type3A_122, %cond3A_123 : i32
        scf.if %cond3A_124 {
          %dma_wait3A_125 = arith.constant 0 : i32
          %dma_wait3A_126 = tpu.memref_slice %arg4[%mul3A_2, %dma_wait3A_125] : memref<2048x768xf32, #tpu.memory_space<hbm>> -> memref<32x768xf32, #tpu.memory_space<hbm>>
          %dma_wait3A_127 = arith.constant 0 : i32
          %dma_wait3A_128 = tpu.memref_slice %arg4[%mul3A_2, %dma_wait3A_127] : memref<2048x768xf32, #tpu.memory_space<hbm>> -> memref<32x768xf32, #tpu.memory_space<hbm>>
          tpu.wait_dma2 semaphore(%arg15 : memref<!tpu.dma_semaphore, #tpu.memory_space<semaphore_mem>>) src(%arg7 : memref<32x768xf32, #tpu.memory_space<vmem>>) dst(%dma_wait3A_128 : memref<32x768xf32, #tpu.memory_space<hbm>>)
          %add3A_129 = arith.constant 4 : i32
          %add3A_130 = arith.addi %scan3A_30, %add3A_129 : i32
          %mul3A_131 = arith.constant 32 : i32
          %mul3A_132 = arith.muli %add3A_130, %mul3A_131 : i32
          %dma_start3A_133 = tpu.memref_slice %arg5[%mul3A_132] : memref<64xi32, #tpu.memory_space<vmem>> -> memref<32xi32, #tpu.memory_space<vmem>>
          %dma_start3A_134 = arith.constant 0 : i32
          %dma_start3A_135 = arith.constant 0 : i32
          %dma_start3A_136 = tpu.memref_slice %arg2[%dma_start3A_134, %dma_start3A_135] : memref<2048x768xf32, #tpu.memory_space<hbm>> -> memref<2048x768xf32, #tpu.memory_space<hbm>>
          tpu.enqueue_indirect_dma source(%dma_start3A_136 : memref<2048x768xf32, #tpu.memory_space<hbm>>) target(%arg7 : memref<32x768xf32, #tpu.memory_space<vmem>>) offsets(%dma_start3A_133 : memref<32xi32, #tpu.memory_space<vmem>>) semaphore(%arg11 : memref<!tpu.dma_semaphore, #tpu.memory_space<semaphore_mem>>)
        } else {
        }
      } else {
      }
      %jit3A_64 = arith.constant 4 : i32
      %eq3A_65 = arith.constant 0 : i32
      %eq3A_66 = arith.cmpi eq, %jit3A_64, %eq3A_65 : i32
      %jit3A_67 = arith.constant 1 : i32
      %select_n3A_68 = arith.select %eq3A_66, %jit3A_67, %jit3A_64 : i32
      %rem3A_69 = arith.remsi %scan3A_30, %select_n3A_68 : i32
      %ne3A_70 = arith.constant 0 : i32
      %ne3A_71 = arith.cmpi ne, %rem3A_69, %ne3A_70 : i32
      %lt3A_72 = arith.constant 0 : i32
      %lt3A_73 = arith.cmpi slt, %rem3A_69, %lt3A_72 : i32
      %lt3A_74 = arith.constant 0 : i32
      %lt3A_75 = arith.cmpi slt, %select_n3A_68, %lt3A_74 : i32
      %ne3A_76 = arith.xori %lt3A_73, %lt3A_75 : i1
      %and3A_77 = arith.andi %ne3A_76, %ne3A_71 : i1
      %add3A_78 = arith.addi %rem3A_69, %select_n3A_68 : i32
      %select_n3A_79 = arith.select %and3A_77, %add3A_78, %rem3A_69 : i32
      %eq3A_80 = arith.constant 2 : i32
      %eq3A_81 = arith.cmpi eq, %select_n3A_79, %eq3A_80 : i32
      %convert_element_type3A_82 = arith.extui %eq3A_81 : i1 to i32
      %cond3A_83 = arith.constant 0 : i32
      %cond3A_84 = arith.cmpi ne, %convert_element_type3A_82, %cond3A_83 : i32
      scf.if %cond3A_84 {
        %dma_wait3A_106 = arith.constant 0 : i32
        %dma_wait3A_107 = tpu.memref_slice %arg5[%dma_wait3A_106] : memref<64xi32, #tpu.memory_space<vmem>> -> memref<32xi32, #tpu.memory_space<vmem>>
        %dma_wait3A_108 = arith.constant 0 : i32
        %dma_wait3A_109 = arith.constant 0 : i32
        %dma_wait3A_110 = tpu.memref_slice %arg2[%dma_wait3A_108, %dma_wait3A_109] : memref<2048x768xf32, #tpu.memory_space<hbm>> -> memref<2048x768xf32, #tpu.memory_space<hbm>>
        tpu.wait_indirect_dma semaphore(%arg12 : memref<!tpu.dma_semaphore, #tpu.memory_space<semaphore_mem>>) src(%dma_wait3A_110 : memref<2048x768xf32, #tpu.memory_space<hbm>>) dst(%arg8 : memref<32x768xf32, #tpu.memory_space<vmem>>)
        %mul3A_111 = arith.constant 32 : i32
        %mul3A_112 = arith.muli %scan3A_30, %mul3A_111 : i32
        %add3A_113 = arith.addi %mul3A_2, %mul3A_112 : i32
        %dma_start3A_114 = arith.constant 0 : i32
        %dma_start3A_115 = tpu.memref_slice %arg4[%add3A_113, %dma_start3A_114] : memref<2048x768xf32, #tpu.memory_space<hbm>> -> memref<32x768xf32, #tpu.memory_space<hbm>>
        %dma_start3A_116 = arith.constant 0 : i32
        %dma_start3A_117 = tpu.memref_slice %arg4[%add3A_113, %dma_start3A_116] : memref<2048x768xf32, #tpu.memory_space<hbm>> -> memref<32x768xf32, #tpu.memory_space<hbm>>
        tpu.enqueue_dma source(%arg8 : memref<32x768xf32, #tpu.memory_space<vmem>>) target(%dma_start3A_117 : memref<32x768xf32, #tpu.memory_space<hbm>>) target_semaphore(%arg16 : memref<!tpu.dma_semaphore, #tpu.memory_space<semaphore_mem>>)
        %add3A_118 = arith.constant 4 : i32
        %add3A_119 = arith.addi %scan3A_30, %add3A_118 : i32
        %lt3A_120 = arith.constant 2 : i32
        %lt3A_121 = arith.cmpi slt, %add3A_119, %lt3A_120 : i32
        %convert_element_type3A_122 = arith.extui %lt3A_121 : i1 to i32
        %cond3A_123 = arith.constant 0 : i32
        %cond3A_124 = arith.cmpi ne, %convert_element_type3A_122, %cond3A_123 : i32
        scf.if %cond3A_124 {
          %dma_wait3A_125 = arith.constant 0 : i32
          %dma_wait3A_126 = tpu.memref_slice %arg4[%mul3A_2, %dma_wait3A_125] : memref<2048x768xf32, #tpu.memory_space<hbm>> -> memref<32x768xf32, #tpu.memory_space<hbm>>
          %dma_wait3A_127 = arith.constant 0 : i32
          %dma_wait3A_128 = tpu.memref_slice %arg4[%mul3A_2, %dma_wait3A_127] : memref<2048x768xf32, #tpu.memory_space<hbm>> -> memref<32x768xf32, #tpu.memory_space<hbm>>
          tpu.wait_dma2 semaphore(%arg16 : memref<!tpu.dma_semaphore, #tpu.memory_space<semaphore_mem>>) src(%arg8 : memref<32x768xf32, #tpu.memory_space<vmem>>) dst(%dma_wait3A_128 : memref<32x768xf32, #tpu.memory_space<hbm>>)
          %add3A_129 = arith.constant 4 : i32
          %add3A_130 = arith.addi %scan3A_30, %add3A_129 : i32
          %mul3A_131 = arith.constant 32 : i32
          %mul3A_132 = arith.muli %add3A_130, %mul3A_131 : i32
          %dma_start3A_133 = tpu.memref_slice %arg5[%mul3A_132] : memref<64xi32, #tpu.memory_space<vmem>> -> memref<32xi32, #tpu.memory_space<vmem>>
          %dma_start3A_134 = arith.constant 0 : i32
          %dma_start3A_135 = arith.constant 0 : i32
          %dma_start3A_136 = tpu.memref_slice %arg2[%dma_start3A_134, %dma_start3A_135] : memref<2048x768xf32, #tpu.memory_space<hbm>> -> memref<2048x768xf32, #tpu.memory_space<hbm>>
          tpu.enqueue_indirect_dma source(%dma_start3A_136 : memref<2048x768xf32, #tpu.memory_space<hbm>>) target(%arg8 : memref<32x768xf32, #tpu.memory_space<vmem>>) offsets(%dma_start3A_133 : memref<32xi32, #tpu.memory_space<vmem>>) semaphore(%arg12 : memref<!tpu.dma_semaphore, #tpu.memory_space<semaphore_mem>>)
        } else {
        }
      } else {
      }
      %jit3A_85 = arith.constant 4 : i32
      %eq3A_86 = arith.constant 0 : i32
      %eq3A_87 = arith.cmpi eq, %jit3A_85, %eq3A_86 : i32
      %jit3A_88 = arith.constant 1 : i32
      %select_n3A_89 = arith.select %eq3A_87, %jit3A_88, %jit3A_85 : i32
      %rem3A_90 = arith.remsi %scan3A_30, %select_n3A_89 : i32
      %ne3A_91 = arith.constant 0 : i32
      %ne3A_92 = arith.cmpi ne, %rem3A_90, %ne3A_91 : i32
      %lt3A_93 = arith.constant 0 : i32
      %lt3A_94 = arith.cmpi slt, %rem3A_90, %lt3A_93 : i32
      %lt3A_95 = arith.constant 0 : i32
      %lt3A_96 = arith.cmpi slt, %select_n3A_89, %lt3A_95 : i32
      %ne3A_97 = arith.xori %lt3A_94, %lt3A_96 : i1
      %and3A_98 = arith.andi %ne3A_97, %ne3A_92 : i1
      %add3A_99 = arith.addi %rem3A_90, %select_n3A_89 : i32
      %select_n3A_100 = arith.select %and3A_98, %add3A_99, %rem3A_90 : i32
      %eq3A_101 = arith.constant 3 : i32
      %eq3A_102 = arith.cmpi eq, %select_n3A_100, %eq3A_101 : i32
      %convert_element_type3A_103 = arith.extui %eq3A_102 : i1 to i32
      %cond3A_104 = arith.constant 0 : i32
      %cond3A_105 = arith.cmpi ne, %convert_element_type3A_103, %cond3A_104 : i32
      scf.if %cond3A_105 {
        %dma_wait3A_106 = arith.constant 0 : i32
        %dma_wait3A_107 = tpu.memref_slice %arg5[%dma_wait3A_106] : memref<64xi32, #tpu.memory_space<vmem>> -> memref<32xi32, #tpu.memory_space<vmem>>
        %dma_wait3A_108 = arith.constant 0 : i32
        %dma_wait3A_109 = arith.constant 0 : i32
        %dma_wait3A_110 = tpu.memref_slice %arg2[%dma_wait3A_108, %dma_wait3A_109] : memref<2048x768xf32, #tpu.memory_space<hbm>> -> memref<2048x768xf32, #tpu.memory_space<hbm>>
        tpu.wait_indirect_dma semaphore(%arg13 : memref<!tpu.dma_semaphore, #tpu.memory_space<semaphore_mem>>) src(%dma_wait3A_110 : memref<2048x768xf32, #tpu.memory_space<hbm>>) dst(%arg9 : memref<32x768xf32, #tpu.memory_space<vmem>>)
        %mul3A_111 = arith.constant 32 : i32
        %mul3A_112 = arith.muli %scan3A_30, %mul3A_111 : i32
        %add3A_113 = arith.addi %mul3A_2, %mul3A_112 : i32
        %dma_start3A_114 = arith.constant 0 : i32
        %dma_start3A_115 = tpu.memref_slice %arg4[%add3A_113, %dma_start3A_114] : memref<2048x768xf32, #tpu.memory_space<hbm>> -> memref<32x768xf32, #tpu.memory_space<hbm>>
        %dma_start3A_116 = arith.constant 0 : i32
        %dma_start3A_117 = tpu.memref_slice %arg4[%add3A_113, %dma_start3A_116] : memref<2048x768xf32, #tpu.memory_space<hbm>> -> memref<32x768xf32, #tpu.memory_space<hbm>>
        tpu.enqueue_dma source(%arg9 : memref<32x768xf32, #tpu.memory_space<vmem>>) target(%dma_start3A_117 : memref<32x768xf32, #tpu.memory_space<hbm>>) target_semaphore(%arg17 : memref<!tpu.dma_semaphore, #tpu.memory_space<semaphore_mem>>)
        %add3A_118 = arith.constant 4 : i32
        %add3A_119 = arith.addi %scan3A_30, %add3A_118 : i32
        %lt3A_120 = arith.constant 2 : i32
        %lt3A_121 = arith.cmpi slt, %add3A_119, %lt3A_120 : i32
        %convert_element_type3A_122 = arith.extui %lt3A_121 : i1 to i32
        %cond3A_123 = arith.constant 0 : i32
        %cond3A_124 = arith.cmpi ne, %convert_element_type3A_122, %cond3A_123 : i32
        scf.if %cond3A_124 {
          %dma_wait3A_125 = arith.constant 0 : i32
          %dma_wait3A_126 = tpu.memref_slice %arg4[%mul3A_2, %dma_wait3A_125] : memref<2048x768xf32, #tpu.memory_space<hbm>> -> memref<32x768xf32, #tpu.memory_space<hbm>>
          %dma_wait3A_127 = arith.constant 0 : i32
          %dma_wait3A_128 = tpu.memref_slice %arg4[%mul3A_2, %dma_wait3A_127] : memref<2048x768xf32, #tpu.memory_space<hbm>> -> memref<32x768xf32, #tpu.memory_space<hbm>>
          tpu.wait_dma2 semaphore(%arg17 : memref<!tpu.dma_semaphore, #tpu.memory_space<semaphore_mem>>) src(%arg9 : memref<32x768xf32, #tpu.memory_space<vmem>>) dst(%dma_wait3A_128 : memref<32x768xf32, #tpu.memory_space<hbm>>)
          %add3A_129 = arith.constant 4 : i32
          %add3A_130 = arith.addi %scan3A_30, %add3A_129 : i32
          %mul3A_131 = arith.constant 32 : i32
          %mul3A_132 = arith.muli %add3A_130, %mul3A_131 : i32
          %dma_start3A_133 = tpu.memref_slice %arg5[%mul3A_132] : memref<64xi32, #tpu.memory_space<vmem>> -> memref<32xi32, #tpu.memory_space<vmem>>
          %dma_start3A_134 = arith.constant 0 : i32
          %dma_start3A_135 = arith.constant 0 : i32
          %dma_start3A_136 = tpu.memref_slice %arg2[%dma_start3A_134, %dma_start3A_135] : memref<2048x768xf32, #tpu.memory_space<hbm>> -> memref<2048x768xf32, #tpu.memory_space<hbm>>
          tpu.enqueue_indirect_dma source(%dma_start3A_136 : memref<2048x768xf32, #tpu.memory_space<hbm>>) target(%arg9 : memref<32x768xf32, #tpu.memory_space<vmem>>) offsets(%dma_start3A_133 : memref<32xi32, #tpu.memory_space<vmem>>) semaphore(%arg13 : memref<!tpu.dma_semaphore, #tpu.memory_space<semaphore_mem>>)
        } else {
        }
      } else {
      }
    }
    %scan3A_18 = arith.constant 2 : i32
    %dma_wait3A = arith.constant 0 : i32
    %dma_wait3A_19 = arith.constant 0 : i32
    %dma_wait3A_20 = tpu.memref_slice %arg4[%dma_wait3A, %dma_wait3A_19] : memref<2048x768xf32, #tpu.memory_space<hbm>> -> memref<32x768xf32, #tpu.memory_space<hbm>>
    %dma_wait3A_21 = arith.constant 0 : i32
    %dma_wait3A_22 = arith.constant 0 : i32
    %dma_wait3A_23 = tpu.memref_slice %arg4[%dma_wait3A_21, %dma_wait3A_22] : memref<2048x768xf32, #tpu.memory_space<hbm>> -> memref<32x768xf32, #tpu.memory_space<hbm>>
    tpu.wait_dma2 semaphore(%arg14 : memref<!tpu.dma_semaphore, #tpu.memory_space<semaphore_mem>>) src(%arg6 : memref<32x768xf32, #tpu.memory_space<vmem>>) dst(%dma_wait3A_23 : memref<32x768xf32, #tpu.memory_space<hbm>>)
    %dma_wait3A_24 = arith.constant 0 : i32
    %dma_wait3A_25 = arith.constant 0 : i32
    %dma_wait3A_26 = tpu.memref_slice %arg4[%dma_wait3A_24, %dma_wait3A_25] : memref<2048x768xf32, #tpu.memory_space<hbm>> -> memref<32x768xf32, #tpu.memory_space<hbm>>
    %dma_wait3A_27 = arith.constant 0 : i32
    %dma_wait3A_28 = arith.constant 0 : i32
    %dma_wait3A_29 = tpu.memref_slice %arg4[%dma_wait3A_27, %dma_wait3A_28] : memref<2048x768xf32, #tpu.memory_space<hbm>> -> memref<32x768xf32, #tpu.memory_space<hbm>>
    tpu.wait_dma2 semaphore(%arg15 : memref<!tpu.dma_semaphore, #tpu.memory_space<semaphore_mem>>) src(%arg7 : memref<32x768xf32, #tpu.memory_space<vmem>>) dst(%dma_wait3A_29 : memref<32x768xf32, #tpu.memory_space<hbm>>)
    return
  }
}

#map = affine_map<(d0, d1) -> (0, 0)>
#map1 = affine_map<(d0, d1) -> (0)>
module attributes {stable_mosaic.version = 14 : i64} {
  func.func @_sc_combine(%arg0: i32, %arg1: i32, %arg2: memref<8192x768xf32, #tpu.memory_space<hbm>>, %arg3: memref<2048xi32, #tpu.memory_space<hbm>>, %arg4: memref<2048xi32, #tpu.memory_space<hbm>>, %arg5: memref<2048x768xf32, #tpu.memory_space<hbm>>, %arg6: memref<32xi32, #tpu.memory_space<vmem>>, %arg7: memref<32xi32, #tpu.memory_space<vmem>>, %arg8: memref<32x768xf32, #tpu.memory_space<vmem>>, %arg9: memref<32x768xf32, #tpu.memory_space<vmem>>, %arg10: memref<!tpu.dma_semaphore, #tpu.memory_space<semaphore_mem>>, %arg11: memref<!tpu.dma_semaphore, #tpu.memory_space<semaphore_mem>>) attributes {dimension_semantics = [#tpu.dimension_semantics<core_parallel>, #tpu.dimension_semantics<subcore_parallel>], iteration_bounds = array<i64: 2, 16>, scalar_prefetch = 0 : i64, scratch_operands = 6 : i64, tpu.core_type = #tpu.core_type<sc_vector_subcore>, window_params = [{transform_indices = #map}, {transform_indices = #map1}, {transform_indices = #map1}, {transform_indices = #map}]} {
    %mul3A = arith.constant 2 : i32
    %mul3A_0 = arith.muli %arg1, %mul3A : i32
    %add3A = arith.addi %mul3A_0, %arg0 : i32
    %scan3A = arith.constant 0 : i32
    %scan3A_1 = arith.constant 0 : i32
    %scan3A_2 = arith.constant 2 : i32
    %scan3A_3 = arith.addi %scan3A_1, %scan3A_2 : i32
    %scan3A_4 = arith.constant 1 : i32
    scf.for %scan3A_6 = %scan3A_1 to %scan3A_3 step %scan3A_4  : i32 {
      %mul3A_7 = arith.constant 64 : i32
      %mul3A_8 = arith.muli %add3A, %mul3A_7 : i32
      %mul3A_9 = arith.constant 32 : i32
      %mul3A_10 = arith.muli %scan3A_6, %mul3A_9 : i32
      %add3A_11 = arith.addi %mul3A_8, %mul3A_10 : i32
      "tpu.region"() ({
        %run_scoped3A = tpu.sem_alloc : memref<!tpu.dma_semaphore, #tpu.memory_space<semaphore_mem>>
        %dma_start3A_28 = tpu.memref_slice %arg3[%add3A_11] : memref<2048xi32, #tpu.memory_space<hbm>> -> memref<32xi32, #tpu.memory_space<hbm>>
        %dma_start3A_29 = tpu.memref_slice %arg3[%add3A_11] : memref<2048xi32, #tpu.memory_space<hbm>> -> memref<32xi32, #tpu.memory_space<hbm>>
        tpu.enqueue_dma source(%dma_start3A_29 : memref<32xi32, #tpu.memory_space<hbm>>) target(%arg6 : memref<32xi32, #tpu.memory_space<vmem>>) target_semaphore(%run_scoped3A : memref<!tpu.dma_semaphore, #tpu.memory_space<semaphore_mem>>)
        %dma_wait3A_30 = tpu.memref_slice %arg3[%add3A_11] : memref<2048xi32, #tpu.memory_space<hbm>> -> memref<32xi32, #tpu.memory_space<hbm>>
        %dma_wait3A_31 = tpu.memref_slice %arg3[%add3A_11] : memref<2048xi32, #tpu.memory_space<hbm>> -> memref<32xi32, #tpu.memory_space<hbm>>
        tpu.wait_dma2 semaphore(%run_scoped3A : memref<!tpu.dma_semaphore, #tpu.memory_space<semaphore_mem>>) src(%dma_wait3A_31 : memref<32xi32, #tpu.memory_space<hbm>>) dst(%arg6 : memref<32xi32, #tpu.memory_space<vmem>>)
        tpu.yield
      }) : () -> ()
      "tpu.region"() ({
        %run_scoped3A = tpu.sem_alloc : memref<!tpu.dma_semaphore, #tpu.memory_space<semaphore_mem>>
        %dma_start3A_28 = tpu.memref_slice %arg4[%add3A_11] : memref<2048xi32, #tpu.memory_space<hbm>> -> memref<32xi32, #tpu.memory_space<hbm>>
        %dma_start3A_29 = tpu.memref_slice %arg4[%add3A_11] : memref<2048xi32, #tpu.memory_space<hbm>> -> memref<32xi32, #tpu.memory_space<hbm>>
        tpu.enqueue_dma source(%dma_start3A_29 : memref<32xi32, #tpu.memory_space<hbm>>) target(%arg7 : memref<32xi32, #tpu.memory_space<vmem>>) target_semaphore(%run_scoped3A : memref<!tpu.dma_semaphore, #tpu.memory_space<semaphore_mem>>)
        %dma_wait3A_30 = tpu.memref_slice %arg4[%add3A_11] : memref<2048xi32, #tpu.memory_space<hbm>> -> memref<32xi32, #tpu.memory_space<hbm>>
        %dma_wait3A_31 = tpu.memref_slice %arg4[%add3A_11] : memref<2048xi32, #tpu.memory_space<hbm>> -> memref<32xi32, #tpu.memory_space<hbm>>
        tpu.wait_dma2 semaphore(%run_scoped3A : memref<!tpu.dma_semaphore, #tpu.memory_space<semaphore_mem>>) src(%dma_wait3A_31 : memref<32xi32, #tpu.memory_space<hbm>>) dst(%arg7 : memref<32xi32, #tpu.memory_space<vmem>>)
        tpu.yield
      }) : () -> ()
      %dma_start3A = arith.constant 0 : i32
      %dma_start3A_12 = arith.constant 0 : i32
      %dma_start3A_13 = tpu.memref_slice %arg2[%dma_start3A, %dma_start3A_12] : memref<8192x768xf32, #tpu.memory_space<hbm>> -> memref<8192x768xf32, #tpu.memory_space<hbm>>
      tpu.enqueue_indirect_dma source(%dma_start3A_13 : memref<8192x768xf32, #tpu.memory_space<hbm>>) target(%arg8 : memref<32x768xf32, #tpu.memory_space<vmem>>) offsets(%arg6 : memref<32xi32, #tpu.memory_space<vmem>>) semaphore(%arg10 : memref<!tpu.dma_semaphore, #tpu.memory_space<semaphore_mem>>)
      %dma_start3A_14 = arith.constant 0 : i32
      %dma_start3A_15 = arith.constant 0 : i32
      %dma_start3A_16 = tpu.memref_slice %arg2[%dma_start3A_14, %dma_start3A_15] : memref<8192x768xf32, #tpu.memory_space<hbm>> -> memref<8192x768xf32, #tpu.memory_space<hbm>>
      tpu.enqueue_indirect_dma source(%dma_start3A_16 : memref<8192x768xf32, #tpu.memory_space<hbm>>) target(%arg9 : memref<32x768xf32, #tpu.memory_space<vmem>>) offsets(%arg7 : memref<32xi32, #tpu.memory_space<vmem>>) semaphore(%arg11 : memref<!tpu.dma_semaphore, #tpu.memory_space<semaphore_mem>>)
      %dma_wait3A = arith.constant 0 : i32
      %dma_wait3A_17 = arith.constant 0 : i32
      %dma_wait3A_18 = tpu.memref_slice %arg2[%dma_wait3A, %dma_wait3A_17] : memref<8192x768xf32, #tpu.memory_space<hbm>> -> memref<8192x768xf32, #tpu.memory_space<hbm>>
      tpu.wait_indirect_dma semaphore(%arg10 : memref<!tpu.dma_semaphore, #tpu.memory_space<semaphore_mem>>) src(%dma_wait3A_18 : memref<8192x768xf32, #tpu.memory_space<hbm>>) dst(%arg8 : memref<32x768xf32, #tpu.memory_space<vmem>>)
      %dma_wait3A_19 = arith.constant 0 : i32
      %dma_wait3A_20 = arith.constant 0 : i32
      %dma_wait3A_21 = tpu.memref_slice %arg2[%dma_wait3A_19, %dma_wait3A_20] : memref<8192x768xf32, #tpu.memory_space<hbm>> -> memref<8192x768xf32, #tpu.memory_space<hbm>>
      tpu.wait_indirect_dma semaphore(%arg11 : memref<!tpu.dma_semaphore, #tpu.memory_space<semaphore_mem>>) src(%dma_wait3A_21 : memref<8192x768xf32, #tpu.memory_space<hbm>>) dst(%arg9 : memref<32x768xf32, #tpu.memory_space<vmem>>)
      %scan3A_22 = arith.constant 0 : i32
      %scan3A_23 = arith.constant 0 : i32
      %scan3A_24 = arith.constant 32 : i32
      %scan3A_25 = arith.addi %scan3A_23, %scan3A_24 : i32
      %scan3A_26 = arith.constant 1 : i32
      scf.for %scan3A_28 = %scan3A_23 to %scan3A_25 step %scan3A_26  : i32 {
        %get3A = arith.index_cast %scan3A_28 : i32 to index
        %get3A_29 = arith.constant 0 : index
        %get3A_30 = tpu.vector_load %arg8[%get3A, %get3A_29] {strides = array<i32>} : memref<32x768xf32, #tpu.memory_space<vmem>>, vector<1x16xf32>,
        %get3A_31 = vector.shape_cast %get3A_30 : vector<1x16xf32> to vector<16xf32>
        %get3A_32 = arith.index_cast %scan3A_28 : i32 to index
        %get3A_33 = arith.constant 0 : index
        %get3A_34 = tpu.vector_load %arg9[%get3A_32, %get3A_33] {strides = array<i32>} : memref<32x768xf32, #tpu.memory_space<vmem>>, vector<1x16xf32>,
        %get3A_35 = vector.shape_cast %get3A_34 : vector<1x16xf32> to vector<16xf32>
        %add3A_36 = arith.addf %get3A_31, %get3A_35 : vector<16xf32>
        %swap3A = arith.index_cast %scan3A_28 : i32 to index
        %swap3A_37 = arith.constant 0 : index
        %swap3A_38 = tpu.vector_load %arg8[%swap3A, %swap3A_37] {strides = array<i32>} : memref<32x768xf32, #tpu.memory_space<vmem>>, vector<1x16xf32>,
        %swap3A_39 = vector.shape_cast %swap3A_38 : vector<1x16xf32> to vector<16xf32>
        %swap3A_40 = vector.shape_cast %add3A_36 : vector<16xf32> to vector<1x16xf32>
        tpu.vector_store %arg8[%swap3A, %swap3A_37], %swap3A_40 {strides = array<i32>} : memref<32x768xf32, #tpu.memory_space<vmem>>, vector<1x16xf32>,
        %get3A_41 = arith.index_cast %scan3A_28 : i32 to index
        %get3A_42 = arith.constant 16 : index
        %get3A_43 = tpu.vector_load %arg8[%get3A_41, %get3A_42] {strides = array<i32>} : memref<32x768xf32, #tpu.memory_space<vmem>>, vector<1x16xf32>,
        %get3A_44 = vector.shape_cast %get3A_43 : vector<1x16xf32> to vector<16xf32>
        %get3A_45 = arith.index_cast %scan3A_28 : i32 to index
        %get3A_46 = arith.constant 16 : index
        %get3A_47 = tpu.vector_load %arg9[%get3A_45, %get3A_46] {strides = array<i32>} : memref<32x768xf32, #tpu.memory_space<vmem>>, vector<1x16xf32>,
        %get3A_48 = vector.shape_cast %get3A_47 : vector<1x16xf32> to vector<16xf32>
        %add3A_49 = arith.addf %get3A_44, %get3A_48 : vector<16xf32>
        %swap3A_50 = arith.index_cast %scan3A_28 : i32 to index
        %swap3A_51 = arith.constant 16 : index
        %swap3A_52 = tpu.vector_load %arg8[%swap3A_50, %swap3A_51] {strides = array<i32>} : memref<32x768xf32, #tpu.memory_space<vmem>>, vector<1x16xf32>,
        %swap3A_53 = vector.shape_cast %swap3A_52 : vector<1x16xf32> to vector<16xf32>
        %swap3A_54 = vector.shape_cast %add3A_49 : vector<16xf32> to vector<1x16xf32>
        tpu.vector_store %arg8[%swap3A_50, %swap3A_51], %swap3A_54 {strides = array<i32>} : memref<32x768xf32, #tpu.memory_space<vmem>>, vector<1x16xf32>,
        %get3A_55 = arith.index_cast %scan3A_28 : i32 to index
        %get3A_56 = arith.constant 32 : index
        %get3A_57 = tpu.vector_load %arg8[%get3A_55, %get3A_56] {strides = array<i32>} : memref<32x768xf32, #tpu.memory_space<vmem>>, vector<1x16xf32>,
        %get3A_58 = vector.shape_cast %get3A_57 : vector<1x16xf32> to vector<16xf32>
        %get3A_59 = arith.index_cast %scan3A_28 : i32 to index
        %get3A_60 = arith.constant 32 : index
        %get3A_61 = tpu.vector_load %arg9[%get3A_59, %get3A_60] {strides = array<i32>} : memref<32x768xf32, #tpu.memory_space<vmem>>, vector<1x16xf32>,
        %get3A_62 = vector.shape_cast %get3A_61 : vector<1x16xf32> to vector<16xf32>
        %add3A_63 = arith.addf %get3A_58, %get3A_62 : vector<16xf32>
        %swap3A_64 = arith.index_cast %scan3A_28 : i32 to index
        %swap3A_65 = arith.constant 32 : index
        %swap3A_66 = tpu.vector_load %arg8[%swap3A_64, %swap3A_65] {strides = array<i32>} : memref<32x768xf32, #tpu.memory_space<vmem>>, vector<1x16xf32>,
        %swap3A_67 = vector.shape_cast %swap3A_66 : vector<1x16xf32> to vector<16xf32>
        %swap3A_68 = vector.shape_cast %add3A_63 : vector<16xf32> to vector<1x16xf32>
        tpu.vector_store %arg8[%swap3A_64, %swap3A_65], %swap3A_68 {strides = array<i32>} : memref<32x768xf32, #tpu.memory_space<vmem>>, vector<1x16xf32>,
        %get3A_69 = arith.index_cast %scan3A_28 : i32 to index
        %get3A_70 = arith.constant 48 : index
        %get3A_71 = tpu.vector_load %arg8[%get3A_69, %get3A_70] {strides = array<i32>} : memref<32x768xf32, #tpu.memory_space<vmem>>, vector<1x16xf32>,
        %get3A_72 = vector.shape_cast %get3A_71 : vector<1x16xf32> to vector<16xf32>
        %get3A_73 = arith.index_cast %scan3A_28 : i32 to index
        %get3A_74 = arith.constant 48 : index
        %get3A_75 = tpu.vector_load %arg9[%get3A_73, %get3A_74] {strides = array<i32>} : memref<32x768xf32, #tpu.memory_space<vmem>>, vector<1x16xf32>,
        %get3A_76 = vector.shape_cast %get3A_75 : vector<1x16xf32> to vector<16xf32>
        %add3A_77 = arith.addf %get3A_72, %get3A_76 : vector<16xf32>
        %swap3A_78 = arith.index_cast %scan3A_28 : i32 to index
        %swap3A_79 = arith.constant 48 : index
        %swap3A_80 = tpu.vector_load %arg8[%swap3A_78, %swap3A_79] {strides = array<i32>} : memref<32x768xf32, #tpu.memory_space<vmem>>, vector<1x16xf32>,
        %swap3A_81 = vector.shape_cast %swap3A_80 : vector<1x16xf32> to vector<16xf32>
        %swap3A_82 = vector.shape_cast %add3A_77 : vector<16xf32> to vector<1x16xf32>
        tpu.vector_store %arg8[%swap3A_78, %swap3A_79], %swap3A_82 {strides = array<i32>} : memref<32x768xf32, #tpu.memory_space<vmem>>, vector<1x16xf32>,
        %get3A_83 = arith.index_cast %scan3A_28 : i32 to index
        %get3A_84 = arith.constant 64 : index
        %get3A_85 = tpu.vector_load %arg8[%get3A_83, %get3A_84] {strides = array<i32>} : memref<32x768xf32, #tpu.memory_space<vmem>>, vector<1x16xf32>,
        %get3A_86 = vector.shape_cast %get3A_85 : vector<1x16xf32> to vector<16xf32>
        %get3A_87 = arith.index_cast %scan3A_28 : i32 to index
        %get3A_88 = arith.constant 64 : index
        %get3A_89 = tpu.vector_load %arg9[%get3A_87, %get3A_88] {strides = array<i32>} : memref<32x768xf32, #tpu.memory_space<vmem>>, vector<1x16xf32>,
        %get3A_90 = vector.shape_cast %get3A_89 : vector<1x16xf32> to vector<16xf32>
        %add3A_91 = arith.addf %get3A_86, %get3A_90 : vector<16xf32>
        %swap3A_92 = arith.index_cast %scan3A_28 : i32 to index
        %swap3A_93 = arith.constant 64 : index
        %swap3A_94 = tpu.vector_load %arg8[%swap3A_92, %swap3A_93] {strides = array<i32>} : memref<32x768xf32, #tpu.memory_space<vmem>>, vector<1x16xf32>,
        %swap3A_95 = vector.shape_cast %swap3A_94 : vector<1x16xf32> to vector<16xf32>
        %swap3A_96 = vector.shape_cast %add3A_91 : vector<16xf32> to vector<1x16xf32>
        tpu.vector_store %arg8[%swap3A_92, %swap3A_93], %swap3A_96 {strides = array<i32>} : memref<32x768xf32, #tpu.memory_space<vmem>>, vector<1x16xf32>,
        %get3A_97 = arith.index_cast %scan3A_28 : i32 to index
        %get3A_98 = arith.constant 80 : index
        %get3A_99 = tpu.vector_load %arg8[%get3A_97, %get3A_98] {strides = array<i32>} : memref<32x768xf32, #tpu.memory_space<vmem>>, vector<1x16xf32>,
        %get3A_100 = vector.shape_cast %get3A_99 : vector<1x16xf32> to vector<16xf32>
        %get3A_101 = arith.index_cast %scan3A_28 : i32 to index
        %get3A_102 = arith.constant 80 : index
        %get3A_103 = tpu.vector_load %arg9[%get3A_101, %get3A_102] {strides = array<i32>} : memref<32x768xf32, #tpu.memory_space<vmem>>, vector<1x16xf32>,
        %get3A_104 = vector.shape_cast %get3A_103 : vector<1x16xf32> to vector<16xf32>
        %add3A_105 = arith.addf %get3A_100, %get3A_104 : vector<16xf32>
        %swap3A_106 = arith.index_cast %scan3A_28 : i32 to index
        %swap3A_107 = arith.constant 80 : index
        %swap3A_108 = tpu.vector_load %arg8[%swap3A_106, %swap3A_107] {strides = array<i32>} : memref<32x768xf32, #tpu.memory_space<vmem>>, vector<1x16xf32>,
        %swap3A_109 = vector.shape_cast %swap3A_108 : vector<1x16xf32> to vector<16xf32>
        %swap3A_110 = vector.shape_cast %add3A_105 : vector<16xf32> to vector<1x16xf32>
        tpu.vector_store %arg8[%swap3A_106, %swap3A_107], %swap3A_110 {strides = array<i32>} : memref<32x768xf32, #tpu.memory_space<vmem>>, vector<1x16xf32>,
        %get3A_111 = arith.index_cast %scan3A_28 : i32 to index
        %get3A_112 = arith.constant 96 : index
        %get3A_113 = tpu.vector_load %arg8[%get3A_111, %get3A_112] {strides = array<i32>} : memref<32x768xf32, #tpu.memory_space<vmem>>, vector<1x16xf32>,
        %get3A_114 = vector.shape_cast %get3A_113 : vector<1x16xf32> to vector<16xf32>
        %get3A_115 = arith.index_cast %scan3A_28 : i32 to index
        %get3A_116 = arith.constant 96 : index
        %get3A_117 = tpu.vector_load %arg9[%get3A_115, %get3A_116] {strides = array<i32>} : memref<32x768xf32, #tpu.memory_space<vmem>>, vector<1x16xf32>,
        %get3A_118 = vector.shape_cast %get3A_117 : vector<1x16xf32> to vector<16xf32>
        %add3A_119 = arith.addf %get3A_114, %get3A_118 : vector<16xf32>
        %swap3A_120 = arith.index_cast %scan3A_28 : i32 to index
        %swap3A_121 = arith.constant 96 : index
        %swap3A_122 = tpu.vector_load %arg8[%swap3A_120, %swap3A_121] {strides = array<i32>} : memref<32x768xf32, #tpu.memory_space<vmem>>, vector<1x16xf32>,
        %swap3A_123 = vector.shape_cast %swap3A_122 : vector<1x16xf32> to vector<16xf32>
        %swap3A_124 = vector.shape_cast %add3A_119 : vector<16xf32> to vector<1x16xf32>
        tpu.vector_store %arg8[%swap3A_120, %swap3A_121], %swap3A_124 {strides = array<i32>} : memref<32x768xf32, #tpu.memory_space<vmem>>, vector<1x16xf32>,
        %get3A_125 = arith.index_cast %scan3A_28 : i32 to index
        %get3A_126 = arith.constant 112 : index
        %get3A_127 = tpu.vector_load %arg8[%get3A_125, %get3A_126] {strides = array<i32>} : memref<32x768xf32, #tpu.memory_space<vmem>>, vector<1x16xf32>,
        %get3A_128 = vector.shape_cast %get3A_127 : vector<1x16xf32> to vector<16xf32>
        %get3A_129 = arith.index_cast %scan3A_28 : i32 to index
        %get3A_130 = arith.constant 112 : index
        %get3A_131 = tpu.vector_load %arg9[%get3A_129, %get3A_130] {strides = array<i32>} : memref<32x768xf32, #tpu.memory_space<vmem>>, vector<1x16xf32>,
        %get3A_132 = vector.shape_cast %get3A_131 : vector<1x16xf32> to vector<16xf32>
        %add3A_133 = arith.addf %get3A_128, %get3A_132 : vector<16xf32>
        %swap3A_134 = arith.index_cast %scan3A_28 : i32 to index
        %swap3A_135 = arith.constant 112 : index
        %swap3A_136 = tpu.vector_load %arg8[%swap3A_134, %swap3A_135] {strides = array<i32>} : memref<32x768xf32, #tpu.memory_space<vmem>>, vector<1x16xf32>,
        %swap3A_137 = vector.shape_cast %swap3A_136 : vector<1x16xf32> to vector<16xf32>
        %swap3A_138 = vector.shape_cast %add3A_133 : vector<16xf32> to vector<1x16xf32>
        tpu.vector_store %arg8[%swap3A_134, %swap3A_135], %swap3A_138 {strides = array<i32>} : memref<32x768xf32, #tpu.memory_space<vmem>>, vector<1x16xf32>,
        %get3A_139 = arith.index_cast %scan3A_28 : i32 to index
        %get3A_140 = arith.constant 128 : index
        %get3A_141 = tpu.vector_load %arg8[%get3A_139, %get3A_140] {strides = array<i32>} : memref<32x768xf32, #tpu.memory_space<vmem>>, vector<1x16xf32>,
        %get3A_142 = vector.shape_cast %get3A_141 : vector<1x16xf32> to vector<16xf32>
        %get3A_143 = arith.index_cast %scan3A_28 : i32 to index
        %get3A_144 = arith.constant 128 : index
        %get3A_145 = tpu.vector_load %arg9[%get3A_143, %get3A_144] {strides = array<i32>} : memref<32x768xf32, #tpu.memory_space<vmem>>, vector<1x16xf32>,
        %get3A_146 = vector.shape_cast %get3A_145 : vector<1x16xf32> to vector<16xf32>
        %add3A_147 = arith.addf %get3A_142, %get3A_146 : vector<16xf32>
        %swap3A_148 = arith.index_cast %scan3A_28 : i32 to index
        %swap3A_149 = arith.constant 128 : index
        %swap3A_150 = tpu.vector_load %arg8[%swap3A_148, %swap3A_149] {strides = array<i32>} : memref<32x768xf32, #tpu.memory_space<vmem>>, vector<1x16xf32>,
        %swap3A_151 = vector.shape_cast %swap3A_150 : vector<1x16xf32> to vector<16xf32>
        %swap3A_152 = vector.shape_cast %add3A_147 : vector<16xf32> to vector<1x16xf32>
        tpu.vector_store %arg8[%swap3A_148, %swap3A_149], %swap3A_152 {strides = array<i32>} : memref<32x768xf32, #tpu.memory_space<vmem>>, vector<1x16xf32>,
        %get3A_153 = arith.index_cast %scan3A_28 : i32 to index
        %get3A_154 = arith.constant 144 : index
        %get3A_155 = tpu.vector_load %arg8[%get3A_153, %get3A_154] {strides = array<i32>} : memref<32x768xf32, #tpu.memory_space<vmem>>, vector<1x16xf32>,
        %get3A_156 = vector.shape_cast %get3A_155 : vector<1x16xf32> to vector<16xf32>
        %get3A_157 = arith.index_cast %scan3A_28 : i32 to index
        %get3A_158 = arith.constant 144 : index
        %get3A_159 = tpu.vector_load %arg9[%get3A_157, %get3A_158] {strides = array<i32>} : memref<32x768xf32, #tpu.memory_space<vmem>>, vector<1x16xf32>,
        %get3A_160 = vector.shape_cast %get3A_159 : vector<1x16xf32> to vector<16xf32>
        %add3A_161 = arith.addf %get3A_156, %get3A_160 : vector<16xf32>
        %swap3A_162 = arith.index_cast %scan3A_28 : i32 to index
        %swap3A_163 = arith.constant 144 : index
        %swap3A_164 = tpu.vector_load %arg8[%swap3A_162, %swap3A_163] {strides = array<i32>} : memref<32x768xf32, #tpu.memory_space<vmem>>, vector<1x16xf32>,
        %swap3A_165 = vector.shape_cast %swap3A_164 : vector<1x16xf32> to vector<16xf32>
        %swap3A_166 = vector.shape_cast %add3A_161 : vector<16xf32> to vector<1x16xf32>
        tpu.vector_store %arg8[%swap3A_162, %swap3A_163], %swap3A_166 {strides = array<i32>} : memref<32x768xf32, #tpu.memory_space<vmem>>, vector<1x16xf32>,
        %get3A_167 = arith.index_cast %scan3A_28 : i32 to index
        %get3A_168 = arith.constant 160 : index
        %get3A_169 = tpu.vector_load %arg8[%get3A_167, %get3A_168] {strides = array<i32>} : memref<32x768xf32, #tpu.memory_space<vmem>>, vector<1x16xf32>,
        %get3A_170 = vector.shape_cast %get3A_169 : vector<1x16xf32> to vector<16xf32>
        %get3A_171 = arith.index_cast %scan3A_28 : i32 to index
        %get3A_172 = arith.constant 160 : index
        %get3A_173 = tpu.vector_load %arg9[%get3A_171, %get3A_172] {strides = array<i32>} : memref<32x768xf32, #tpu.memory_space<vmem>>, vector<1x16xf32>,
        %get3A_174 = vector.shape_cast %get3A_173 : vector<1x16xf32> to vector<16xf32>
        %add3A_175 = arith.addf %get3A_170, %get3A_174 : vector<16xf32>
        %swap3A_176 = arith.index_cast %scan3A_28 : i32 to index
        %swap3A_177 = arith.constant 160 : index
        %swap3A_178 = tpu.vector_load %arg8[%swap3A_176, %swap3A_177] {strides = array<i32>} : memref<32x768xf32, #tpu.memory_space<vmem>>, vector<1x16xf32>,
        %swap3A_179 = vector.shape_cast %swap3A_178 : vector<1x16xf32> to vector<16xf32>
        %swap3A_180 = vector.shape_cast %add3A_175 : vector<16xf32> to vector<1x16xf32>
        tpu.vector_store %arg8[%swap3A_176, %swap3A_177], %swap3A_180 {strides = array<i32>} : memref<32x768xf32, #tpu.memory_space<vmem>>, vector<1x16xf32>,
        %get3A_181 = arith.index_cast %scan3A_28 : i32 to index
        %get3A_182 = arith.constant 176 : index
        %get3A_183 = tpu.vector_load %arg8[%get3A_181, %get3A_182] {strides = array<i32>} : memref<32x768xf32, #tpu.memory_space<vmem>>, vector<1x16xf32>,
        %get3A_184 = vector.shape_cast %get3A_183 : vector<1x16xf32> to vector<16xf32>
        %get3A_185 = arith.index_cast %scan3A_28 : i32 to index
        %get3A_186 = arith.constant 176 : index
        %get3A_187 = tpu.vector_load %arg9[%get3A_185, %get3A_186] {strides = array<i32>} : memref<32x768xf32, #tpu.memory_space<vmem>>, vector<1x16xf32>,
        %get3A_188 = vector.shape_cast %get3A_187 : vector<1x16xf32> to vector<16xf32>
        %add3A_189 = arith.addf %get3A_184, %get3A_188 : vector<16xf32>
        %swap3A_190 = arith.index_cast %scan3A_28 : i32 to index
        %swap3A_191 = arith.constant 176 : index
        %swap3A_192 = tpu.vector_load %arg8[%swap3A_190, %swap3A_191] {strides = array<i32>} : memref<32x768xf32, #tpu.memory_space<vmem>>, vector<1x16xf32>,
        %swap3A_193 = vector.shape_cast %swap3A_192 : vector<1x16xf32> to vector<16xf32>
        %swap3A_194 = vector.shape_cast %add3A_189 : vector<16xf32> to vector<1x16xf32>
        tpu.vector_store %arg8[%swap3A_190, %swap3A_191], %swap3A_194 {strides = array<i32>} : memref<32x768xf32, #tpu.memory_space<vmem>>, vector<1x16xf32>,
        %get3A_195 = arith.index_cast %scan3A_28 : i32 to index
        %get3A_196 = arith.constant 192 : index
        %get3A_197 = tpu.vector_load %arg8[%get3A_195, %get3A_196] {strides = array<i32>} : memref<32x768xf32, #tpu.memory_space<vmem>>, vector<1x16xf32>,
        %get3A_198 = vector.shape_cast %get3A_197 : vector<1x16xf32> to vector<16xf32>
        %get3A_199 = arith.index_cast %scan3A_28 : i32 to index
        %get3A_200 = arith.constant 192 : index
        %get3A_201 = tpu.vector_load %arg9[%get3A_199, %get3A_200] {strides = array<i32>} : memref<32x768xf32, #tpu.memory_space<vmem>>, vector<1x16xf32>,
        %get3A_202 = vector.shape_cast %get3A_201 : vector<1x16xf32> to vector<16xf32>
        %add3A_203 = arith.addf %get3A_198, %get3A_202 : vector<16xf32>
        %swap3A_204 = arith.index_cast %scan3A_28 : i32 to index
        %swap3A_205 = arith.constant 192 : index
        %swap3A_206 = tpu.vector_load %arg8[%swap3A_204, %swap3A_205] {strides = array<i32>} : memref<32x768xf32, #tpu.memory_space<vmem>>, vector<1x16xf32>,
        %swap3A_207 = vector.shape_cast %swap3A_206 : vector<1x16xf32> to vector<16xf32>
        %swap3A_208 = vector.shape_cast %add3A_203 : vector<16xf32> to vector<1x16xf32>
        tpu.vector_store %arg8[%swap3A_204, %swap3A_205], %swap3A_208 {strides = array<i32>} : memref<32x768xf32, #tpu.memory_space<vmem>>, vector<1x16xf32>,
        %get3A_209 = arith.index_cast %scan3A_28 : i32 to index
        %get3A_210 = arith.constant 208 : index
        %get3A_211 = tpu.vector_load %arg8[%get3A_209, %get3A_210] {strides = array<i32>} : memref<32x768xf32, #tpu.memory_space<vmem>>, vector<1x16xf32>,
        %get3A_212 = vector.shape_cast %get3A_211 : vector<1x16xf32> to vector<16xf32>
        %get3A_213 = arith.index_cast %scan3A_28 : i32 to index
        %get3A_214 = arith.constant 208 : index
        %get3A_215 = tpu.vector_load %arg9[%get3A_213, %get3A_214] {strides = array<i32>} : memref<32x768xf32, #tpu.memory_space<vmem>>, vector<1x16xf32>,
        %get3A_216 = vector.shape_cast %get3A_215 : vector<1x16xf32> to vector<16xf32>
        %add3A_217 = arith.addf %get3A_212, %get3A_216 : vector<16xf32>
        %swap3A_218 = arith.index_cast %scan3A_28 : i32 to index
        %swap3A_219 = arith.constant 208 : index
        %swap3A_220 = tpu.vector_load %arg8[%swap3A_218, %swap3A_219] {strides = array<i32>} : memref<32x768xf32, #tpu.memory_space<vmem>>, vector<1x16xf32>,
        %swap3A_221 = vector.shape_cast %swap3A_220 : vector<1x16xf32> to vector<16xf32>
        %swap3A_222 = vector.shape_cast %add3A_217 : vector<16xf32> to vector<1x16xf32>
        tpu.vector_store %arg8[%swap3A_218, %swap3A_219], %swap3A_222 {strides = array<i32>} : memref<32x768xf32, #tpu.memory_space<vmem>>, vector<1x16xf32>,
        %get3A_223 = arith.index_cast %scan3A_28 : i32 to index
        %get3A_224 = arith.constant 224 : index
        %get3A_225 = tpu.vector_load %arg8[%get3A_223, %get3A_224] {strides = array<i32>} : memref<32x768xf32, #tpu.memory_space<vmem>>, vector<1x16xf32>,
        %get3A_226 = vector.shape_cast %get3A_225 : vector<1x16xf32> to vector<16xf32>
        %get3A_227 = arith.index_cast %scan3A_28 : i32 to index
        %get3A_228 = arith.constant 224 : index
        %get3A_229 = tpu.vector_load %arg9[%get3A_227, %get3A_228] {strides = array<i32>} : memref<32x768xf32, #tpu.memory_space<vmem>>, vector<1x16xf32>,
        %get3A_230 = vector.shape_cast %get3A_229 : vector<1x16xf32> to vector<16xf32>
        %add3A_231 = arith.addf %get3A_226, %get3A_230 : vector<16xf32>
        %swap3A_232 = arith.index_cast %scan3A_28 : i32 to index
        %swap3A_233 = arith.constant 224 : index
        %swap3A_234 = tpu.vector_load %arg8[%swap3A_232, %swap3A_233] {strides = array<i32>} : memref<32x768xf32, #tpu.memory_space<vmem>>, vector<1x16xf32>,
        %swap3A_235 = vector.shape_cast %swap3A_234 : vector<1x16xf32> to vector<16xf32>
        %swap3A_236 = vector.shape_cast %add3A_231 : vector<16xf32> to vector<1x16xf32>
        tpu.vector_store %arg8[%swap3A_232, %swap3A_233], %swap3A_236 {strides = array<i32>} : memref<32x768xf32, #tpu.memory_space<vmem>>, vector<1x16xf32>,
        %get3A_237 = arith.index_cast %scan3A_28 : i32 to index
        %get3A_238 = arith.constant 240 : index
        %get3A_239 = tpu.vector_load %arg8[%get3A_237, %get3A_238] {strides = array<i32>} : memref<32x768xf32, #tpu.memory_space<vmem>>, vector<1x16xf32>,
        %get3A_240 = vector.shape_cast %get3A_239 : vector<1x16xf32> to vector<16xf32>
        %get3A_241 = arith.index_cast %scan3A_28 : i32 to index
        %get3A_242 = arith.constant 240 : index
        %get3A_243 = tpu.vector_load %arg9[%get3A_241, %get3A_242] {strides = array<i32>} : memref<32x768xf32, #tpu.memory_space<vmem>>, vector<1x16xf32>,
        %get3A_244 = vector.shape_cast %get3A_243 : vector<1x16xf32> to vector<16xf32>
        %add3A_245 = arith.addf %get3A_240, %get3A_244 : vector<16xf32>
        %swap3A_246 = arith.index_cast %scan3A_28 : i32 to index
        %swap3A_247 = arith.constant 240 : index
        %swap3A_248 = tpu.vector_load %arg8[%swap3A_246, %swap3A_247] {strides = array<i32>} : memref<32x768xf32, #tpu.memory_space<vmem>>, vector<1x16xf32>,
        %swap3A_249 = vector.shape_cast %swap3A_248 : vector<1x16xf32> to vector<16xf32>
        %swap3A_250 = vector.shape_cast %add3A_245 : vector<16xf32> to vector<1x16xf32>
        tpu.vector_store %arg8[%swap3A_246, %swap3A_247], %swap3A_250 {strides = array<i32>} : memref<32x768xf32, #tpu.memory_space<vmem>>, vector<1x16xf32>,
        %get3A_251 = arith.index_cast %scan3A_28 : i32 to index
        %get3A_252 = arith.constant 256 : index
        %get3A_253 = tpu.vector_load %arg8[%get3A_251, %get3A_252] {strides = array<i32>} : memref<32x768xf32, #tpu.memory_space<vmem>>, vector<1x16xf32>,
        %get3A_254 = vector.shape_cast %get3A_253 : vector<1x16xf32> to vector<16xf32>
        %get3A_255 = arith.index_cast %scan3A_28 : i32 to index
        %get3A_256 = arith.constant 256 : index
        %get3A_257 = tpu.vector_load %arg9[%get3A_255, %get3A_256] {strides = array<i32>} : memref<32x768xf32, #tpu.memory_space<vmem>>, vector<1x16xf32>,
        %get3A_258 = vector.shape_cast %get3A_257 : vector<1x16xf32> to vector<16xf32>
        %add3A_259 = arith.addf %get3A_254, %get3A_258 : vector<16xf32>
        %swap3A_260 = arith.index_cast %scan3A_28 : i32 to index
        %swap3A_261 = arith.constant 256 : index
        %swap3A_262 = tpu.vector_load %arg8[%swap3A_260, %swap3A_261] {strides = array<i32>} : memref<32x768xf32, #tpu.memory_space<vmem>>, vector<1x16xf32>,
        %swap3A_263 = vector.shape_cast %swap3A_262 : vector<1x16xf32> to vector<16xf32>
        %swap3A_264 = vector.shape_cast %add3A_259 : vector<16xf32> to vector<1x16xf32>
        tpu.vector_store %arg8[%swap3A_260, %swap3A_261], %swap3A_264 {strides = array<i32>} : memref<32x768xf32, #tpu.memory_space<vmem>>, vector<1x16xf32>,
        %get3A_265 = arith.index_cast %scan3A_28 : i32 to index
        %get3A_266 = arith.constant 272 : index
        %get3A_267 = tpu.vector_load %arg8[%get3A_265, %get3A_266] {strides = array<i32>} : memref<32x768xf32, #tpu.memory_space<vmem>>, vector<1x16xf32>,
        %get3A_268 = vector.shape_cast %get3A_267 : vector<1x16xf32> to vector<16xf32>
        %get3A_269 = arith.index_cast %scan3A_28 : i32 to index
        %get3A_270 = arith.constant 272 : index
        %get3A_271 = tpu.vector_load %arg9[%get3A_269, %get3A_270] {strides = array<i32>} : memref<32x768xf32, #tpu.memory_space<vmem>>, vector<1x16xf32>,
        %get3A_272 = vector.shape_cast %get3A_271 : vector<1x16xf32> to vector<16xf32>
        %add3A_273 = arith.addf %get3A_268, %get3A_272 : vector<16xf32>
        %swap3A_274 = arith.index_cast %scan3A_28 : i32 to index
        %swap3A_275 = arith.constant 272 : index
        %swap3A_276 = tpu.vector_load %arg8[%swap3A_274, %swap3A_275] {strides = array<i32>} : memref<32x768xf32, #tpu.memory_space<vmem>>, vector<1x16xf32>,
        %swap3A_277 = vector.shape_cast %swap3A_276 : vector<1x16xf32> to vector<16xf32>
        %swap3A_278 = vector.shape_cast %add3A_273 : vector<16xf32> to vector<1x16xf32>
        tpu.vector_store %arg8[%swap3A_274, %swap3A_275], %swap3A_278 {strides = array<i32>} : memref<32x768xf32, #tpu.memory_space<vmem>>, vector<1x16xf32>,
        %get3A_279 = arith.index_cast %scan3A_28 : i32 to index
        %get3A_280 = arith.constant 288 : index
        %get3A_281 = tpu.vector_load %arg8[%get3A_279, %get3A_280] {strides = array<i32>} : memref<32x768xf32, #tpu.memory_space<vmem>>, vector<1x16xf32>,
        %get3A_282 = vector.shape_cast %get3A_281 : vector<1x16xf32> to vector<16xf32>
        %get3A_283 = arith.index_cast %scan3A_28 : i32 to index
        %get3A_284 = arith.constant 288 : index
        %get3A_285 = tpu.vector_load %arg9[%get3A_283, %get3A_284] {strides = array<i32>} : memref<32x768xf32, #tpu.memory_space<vmem>>, vector<1x16xf32>,
        %get3A_286 = vector.shape_cast %get3A_285 : vector<1x16xf32> to vector<16xf32>
        %add3A_287 = arith.addf %get3A_282, %get3A_286 : vector<16xf32>
        %swap3A_288 = arith.index_cast %scan3A_28 : i32 to index
        %swap3A_289 = arith.constant 288 : index
        %swap3A_290 = tpu.vector_load %arg8[%swap3A_288, %swap3A_289] {strides = array<i32>} : memref<32x768xf32, #tpu.memory_space<vmem>>, vector<1x16xf32>,
        %swap3A_291 = vector.shape_cast %swap3A_290 : vector<1x16xf32> to vector<16xf32>
        %swap3A_292 = vector.shape_cast %add3A_287 : vector<16xf32> to vector<1x16xf32>
        tpu.vector_store %arg8[%swap3A_288, %swap3A_289], %swap3A_292 {strides = array<i32>} : memref<32x768xf32, #tpu.memory_space<vmem>>, vector<1x16xf32>,
        %get3A_293 = arith.index_cast %scan3A_28 : i32 to index
        %get3A_294 = arith.constant 304 : index
        %get3A_295 = tpu.vector_load %arg8[%get3A_293, %get3A_294] {strides = array<i32>} : memref<32x768xf32, #tpu.memory_space<vmem>>, vector<1x16xf32>,
        %get3A_296 = vector.shape_cast %get3A_295 : vector<1x16xf32> to vector<16xf32>
        %get3A_297 = arith.index_cast %scan3A_28 : i32 to index
        %get3A_298 = arith.constant 304 : index
        %get3A_299 = tpu.vector_load %arg9[%get3A_297, %get3A_298] {strides = array<i32>} : memref<32x768xf32, #tpu.memory_space<vmem>>, vector<1x16xf32>,
        %get3A_300 = vector.shape_cast %get3A_299 : vector<1x16xf32> to vector<16xf32>
        %add3A_301 = arith.addf %get3A_296, %get3A_300 : vector<16xf32>
        %swap3A_302 = arith.index_cast %scan3A_28 : i32 to index
        %swap3A_303 = arith.constant 304 : index
        %swap3A_304 = tpu.vector_load %arg8[%swap3A_302, %swap3A_303] {strides = array<i32>} : memref<32x768xf32, #tpu.memory_space<vmem>>, vector<1x16xf32>,
        %swap3A_305 = vector.shape_cast %swap3A_304 : vector<1x16xf32> to vector<16xf32>
        %swap3A_306 = vector.shape_cast %add3A_301 : vector<16xf32> to vector<1x16xf32>
        tpu.vector_store %arg8[%swap3A_302, %swap3A_303], %swap3A_306 {strides = array<i32>} : memref<32x768xf32, #tpu.memory_space<vmem>>, vector<1x16xf32>,
        %get3A_307 = arith.index_cast %scan3A_28 : i32 to index
        %get3A_308 = arith.constant 320 : index
        %get3A_309 = tpu.vector_load %arg8[%get3A_307, %get3A_308] {strides = array<i32>} : memref<32x768xf32, #tpu.memory_space<vmem>>, vector<1x16xf32>,
        %get3A_310 = vector.shape_cast %get3A_309 : vector<1x16xf32> to vector<16xf32>
        %get3A_311 = arith.index_cast %scan3A_28 : i32 to index
        %get3A_312 = arith.constant 320 : index
        %get3A_313 = tpu.vector_load %arg9[%get3A_311, %get3A_312] {strides = array<i32>} : memref<32x768xf32, #tpu.memory_space<vmem>>, vector<1x16xf32>,
        %get3A_314 = vector.shape_cast %get3A_313 : vector<1x16xf32> to vector<16xf32>
        %add3A_315 = arith.addf %get3A_310, %get3A_314 : vector<16xf32>
        %swap3A_316 = arith.index_cast %scan3A_28 : i32 to index
        %swap3A_317 = arith.constant 320 : index
        %swap3A_318 = tpu.vector_load %arg8[%swap3A_316, %swap3A_317] {strides = array<i32>} : memref<32x768xf32, #tpu.memory_space<vmem>>, vector<1x16xf32>,
        %swap3A_319 = vector.shape_cast %swap3A_318 : vector<1x16xf32> to vector<16xf32>
        %swap3A_320 = vector.shape_cast %add3A_315 : vector<16xf32> to vector<1x16xf32>
        tpu.vector_store %arg8[%swap3A_316, %swap3A_317], %swap3A_320 {strides = array<i32>} : memref<32x768xf32, #tpu.memory_space<vmem>>, vector<1x16xf32>,
        %get3A_321 = arith.index_cast %scan3A_28 : i32 to index
        %get3A_322 = arith.constant 336 : index
        %get3A_323 = tpu.vector_load %arg8[%get3A_321, %get3A_322] {strides = array<i32>} : memref<32x768xf32, #tpu.memory_space<vmem>>, vector<1x16xf32>,
        %get3A_324 = vector.shape_cast %get3A_323 : vector<1x16xf32> to vector<16xf32>
        %get3A_325 = arith.index_cast %scan3A_28 : i32 to index
        %get3A_326 = arith.constant 336 : index
        %get3A_327 = tpu.vector_load %arg9[%get3A_325, %get3A_326] {strides = array<i32>} : memref<32x768xf32, #tpu.memory_space<vmem>>, vector<1x16xf32>,
        %get3A_328 = vector.shape_cast %get3A_327 : vector<1x16xf32> to vector<16xf32>
        %add3A_329 = arith.addf %get3A_324, %get3A_328 : vector<16xf32>
        %swap3A_330 = arith.index_cast %scan3A_28 : i32 to index
        %swap3A_331 = arith.constant 336 : index
        %swap3A_332 = tpu.vector_load %arg8[%swap3A_330, %swap3A_331] {strides = array<i32>} : memref<32x768xf32, #tpu.memory_space<vmem>>, vector<1x16xf32>,
        %swap3A_333 = vector.shape_cast %swap3A_332 : vector<1x16xf32> to vector<16xf32>
        %swap3A_334 = vector.shape_cast %add3A_329 : vector<16xf32> to vector<1x16xf32>
        tpu.vector_store %arg8[%swap3A_330, %swap3A_331], %swap3A_334 {strides = array<i32>} : memref<32x768xf32, #tpu.memory_space<vmem>>, vector<1x16xf32>,
        %get3A_335 = arith.index_cast %scan3A_28 : i32 to index
        %get3A_336 = arith.constant 352 : index
        %get3A_337 = tpu.vector_load %arg8[%get3A_335, %get3A_336] {strides = array<i32>} : memref<32x768xf32, #tpu.memory_space<vmem>>, vector<1x16xf32>,
        %get3A_338 = vector.shape_cast %get3A_337 : vector<1x16xf32> to vector<16xf32>
        %get3A_339 = arith.index_cast %scan3A_28 : i32 to index
        %get3A_340 = arith.constant 352 : index
        %get3A_341 = tpu.vector_load %arg9[%get3A_339, %get3A_340] {strides = array<i32>} : memref<32x768xf32, #tpu.memory_space<vmem>>, vector<1x16xf32>,
        %get3A_342 = vector.shape_cast %get3A_341 : vector<1x16xf32> to vector<16xf32>
        %add3A_343 = arith.addf %get3A_338, %get3A_342 : vector<16xf32>
        %swap3A_344 = arith.index_cast %scan3A_28 : i32 to index
        %swap3A_345 = arith.constant 352 : index
        %swap3A_346 = tpu.vector_load %arg8[%swap3A_344, %swap3A_345] {strides = array<i32>} : memref<32x768xf32, #tpu.memory_space<vmem>>, vector<1x16xf32>,
        %swap3A_347 = vector.shape_cast %swap3A_346 : vector<1x16xf32> to vector<16xf32>
        %swap3A_348 = vector.shape_cast %add3A_343 : vector<16xf32> to vector<1x16xf32>
        tpu.vector_store %arg8[%swap3A_344, %swap3A_345], %swap3A_348 {strides = array<i32>} : memref<32x768xf32, #tpu.memory_space<vmem>>, vector<1x16xf32>,
        %get3A_349 = arith.index_cast %scan3A_28 : i32 to index
        %get3A_350 = arith.constant 368 : index
        %get3A_351 = tpu.vector_load %arg8[%get3A_349, %get3A_350] {strides = array<i32>} : memref<32x768xf32, #tpu.memory_space<vmem>>, vector<1x16xf32>,
        %get3A_352 = vector.shape_cast %get3A_351 : vector<1x16xf32> to vector<16xf32>
        %get3A_353 = arith.index_cast %scan3A_28 : i32 to index
        %get3A_354 = arith.constant 368 : index
        %get3A_355 = tpu.vector_load %arg9[%get3A_353, %get3A_354] {strides = array<i32>} : memref<32x768xf32, #tpu.memory_space<vmem>>, vector<1x16xf32>,
        %get3A_356 = vector.shape_cast %get3A_355 : vector<1x16xf32> to vector<16xf32>
        %add3A_357 = arith.addf %get3A_352, %get3A_356 : vector<16xf32>
        %swap3A_358 = arith.index_cast %scan3A_28 : i32 to index
        %swap3A_359 = arith.constant 368 : index
        %swap3A_360 = tpu.vector_load %arg8[%swap3A_358, %swap3A_359] {strides = array<i32>} : memref<32x768xf32, #tpu.memory_space<vmem>>, vector<1x16xf32>,
        %swap3A_361 = vector.shape_cast %swap3A_360 : vector<1x16xf32> to vector<16xf32>
        %swap3A_362 = vector.shape_cast %add3A_357 : vector<16xf32> to vector<1x16xf32>
        tpu.vector_store %arg8[%swap3A_358, %swap3A_359], %swap3A_362 {strides = array<i32>} : memref<32x768xf32, #tpu.memory_space<vmem>>, vector<1x16xf32>,
        %get3A_363 = arith.index_cast %scan3A_28 : i32 to index
        %get3A_364 = arith.constant 384 : index
        %get3A_365 = tpu.vector_load %arg8[%get3A_363, %get3A_364] {strides = array<i32>} : memref<32x768xf32, #tpu.memory_space<vmem>>, vector<1x16xf32>,
        %get3A_366 = vector.shape_cast %get3A_365 : vector<1x16xf32> to vector<16xf32>
        %get3A_367 = arith.index_cast %scan3A_28 : i32 to index
        %get3A_368 = arith.constant 384 : index
        %get3A_369 = tpu.vector_load %arg9[%get3A_367, %get3A_368] {strides = array<i32>} : memref<32x768xf32, #tpu.memory_space<vmem>>, vector<1x16xf32>,
        %get3A_370 = vector.shape_cast %get3A_369 : vector<1x16xf32> to vector<16xf32>
        %add3A_371 = arith.addf %get3A_366, %get3A_370 : vector<16xf32>
        %swap3A_372 = arith.index_cast %scan3A_28 : i32 to index
        %swap3A_373 = arith.constant 384 : index
        %swap3A_374 = tpu.vector_load %arg8[%swap3A_372, %swap3A_373] {strides = array<i32>} : memref<32x768xf32, #tpu.memory_space<vmem>>, vector<1x16xf32>,
        %swap3A_375 = vector.shape_cast %swap3A_374 : vector<1x16xf32> to vector<16xf32>
        %swap3A_376 = vector.shape_cast %add3A_371 : vector<16xf32> to vector<1x16xf32>
        tpu.vector_store %arg8[%swap3A_372, %swap3A_373], %swap3A_376 {strides = array<i32>} : memref<32x768xf32, #tpu.memory_space<vmem>>, vector<1x16xf32>,
        %get3A_377 = arith.index_cast %scan3A_28 : i32 to index
        %get3A_378 = arith.constant 400 : index
        %get3A_379 = tpu.vector_load %arg8[%get3A_377, %get3A_378] {strides = array<i32>} : memref<32x768xf32, #tpu.memory_space<vmem>>, vector<1x16xf32>,
        %get3A_380 = vector.shape_cast %get3A_379 : vector<1x16xf32> to vector<16xf32>
        %get3A_381 = arith.index_cast %scan3A_28 : i32 to index
        %get3A_382 = arith.constant 400 : index
        %get3A_383 = tpu.vector_load %arg9[%get3A_381, %get3A_382] {strides = array<i32>} : memref<32x768xf32, #tpu.memory_space<vmem>>, vector<1x16xf32>,
        %get3A_384 = vector.shape_cast %get3A_383 : vector<1x16xf32> to vector<16xf32>
        %add3A_385 = arith.addf %get3A_380, %get3A_384 : vector<16xf32>
        %swap3A_386 = arith.index_cast %scan3A_28 : i32 to index
        %swap3A_387 = arith.constant 400 : index
        %swap3A_388 = tpu.vector_load %arg8[%swap3A_386, %swap3A_387] {strides = array<i32>} : memref<32x768xf32, #tpu.memory_space<vmem>>, vector<1x16xf32>,
        %swap3A_389 = vector.shape_cast %swap3A_388 : vector<1x16xf32> to vector<16xf32>
        %swap3A_390 = vector.shape_cast %add3A_385 : vector<16xf32> to vector<1x16xf32>
        tpu.vector_store %arg8[%swap3A_386, %swap3A_387], %swap3A_390 {strides = array<i32>} : memref<32x768xf32, #tpu.memory_space<vmem>>, vector<1x16xf32>,
        %get3A_391 = arith.index_cast %scan3A_28 : i32 to index
        %get3A_392 = arith.constant 416 : index
        %get3A_393 = tpu.vector_load %arg8[%get3A_391, %get3A_392] {strides = array<i32>} : memref<32x768xf32, #tpu.memory_space<vmem>>, vector<1x16xf32>,
        %get3A_394 = vector.shape_cast %get3A_393 : vector<1x16xf32> to vector<16xf32>
        %get3A_395 = arith.index_cast %scan3A_28 : i32 to index
        %get3A_396 = arith.constant 416 : index
        %get3A_397 = tpu.vector_load %arg9[%get3A_395, %get3A_396] {strides = array<i32>} : memref<32x768xf32, #tpu.memory_space<vmem>>, vector<1x16xf32>,
        %get3A_398 = vector.shape_cast %get3A_397 : vector<1x16xf32> to vector<16xf32>
        %add3A_399 = arith.addf %get3A_394, %get3A_398 : vector<16xf32>
        %swap3A_400 = arith.index_cast %scan3A_28 : i32 to index
        %swap3A_401 = arith.constant 416 : index
        %swap3A_402 = tpu.vector_load %arg8[%swap3A_400, %swap3A_401] {strides = array<i32>} : memref<32x768xf32, #tpu.memory_space<vmem>>, vector<1x16xf32>,
        %swap3A_403 = vector.shape_cast %swap3A_402 : vector<1x16xf32> to vector<16xf32>
        %swap3A_404 = vector.shape_cast %add3A_399 : vector<16xf32> to vector<1x16xf32>
        tpu.vector_store %arg8[%swap3A_400, %swap3A_401], %swap3A_404 {strides = array<i32>} : memref<32x768xf32, #tpu.memory_space<vmem>>, vector<1x16xf32>,
        %get3A_405 = arith.index_cast %scan3A_28 : i32 to index
        %get3A_406 = arith.constant 432 : index
        %get3A_407 = tpu.vector_load %arg8[%get3A_405, %get3A_406] {strides = array<i32>} : memref<32x768xf32, #tpu.memory_space<vmem>>, vector<1x16xf32>,
        %get3A_408 = vector.shape_cast %get3A_407 : vector<1x16xf32> to vector<16xf32>
        %get3A_409 = arith.index_cast %scan3A_28 : i32 to index
        %get3A_410 = arith.constant 432 : index
        %get3A_411 = tpu.vector_load %arg9[%get3A_409, %get3A_410] {strides = array<i32>} : memref<32x768xf32, #tpu.memory_space<vmem>>, vector<1x16xf32>,
        %get3A_412 = vector.shape_cast %get3A_411 : vector<1x16xf32> to vector<16xf32>
        %add3A_413 = arith.addf %get3A_408, %get3A_412 : vector<16xf32>
        %swap3A_414 = arith.index_cast %scan3A_28 : i32 to index
        %swap3A_415 = arith.constant 432 : index
        %swap3A_416 = tpu.vector_load %arg8[%swap3A_414, %swap3A_415] {strides = array<i32>} : memref<32x768xf32, #tpu.memory_space<vmem>>, vector<1x16xf32>,
        %swap3A_417 = vector.shape_cast %swap3A_416 : vector<1x16xf32> to vector<16xf32>
        %swap3A_418 = vector.shape_cast %add3A_413 : vector<16xf32> to vector<1x16xf32>
        tpu.vector_store %arg8[%swap3A_414, %swap3A_415], %swap3A_418 {strides = array<i32>} : memref<32x768xf32, #tpu.memory_space<vmem>>, vector<1x16xf32>,
        %get3A_419 = arith.index_cast %scan3A_28 : i32 to index
        %get3A_420 = arith.constant 448 : index
        %get3A_421 = tpu.vector_load %arg8[%get3A_419, %get3A_420] {strides = array<i32>} : memref<32x768xf32, #tpu.memory_space<vmem>>, vector<1x16xf32>,
        %get3A_422 = vector.shape_cast %get3A_421 : vector<1x16xf32> to vector<16xf32>
        %get3A_423 = arith.index_cast %scan3A_28 : i32 to index
        %get3A_424 = arith.constant 448 : index
        %get3A_425 = tpu.vector_load %arg9[%get3A_423, %get3A_424] {strides = array<i32>} : memref<32x768xf32, #tpu.memory_space<vmem>>, vector<1x16xf32>,
        %get3A_426 = vector.shape_cast %get3A_425 : vector<1x16xf32> to vector<16xf32>
        %add3A_427 = arith.addf %get3A_422, %get3A_426 : vector<16xf32>
        %swap3A_428 = arith.index_cast %scan3A_28 : i32 to index
        %swap3A_429 = arith.constant 448 : index
        %swap3A_430 = tpu.vector_load %arg8[%swap3A_428, %swap3A_429] {strides = array<i32>} : memref<32x768xf32, #tpu.memory_space<vmem>>, vector<1x16xf32>,
        %swap3A_431 = vector.shape_cast %swap3A_430 : vector<1x16xf32> to vector<16xf32>
        %swap3A_432 = vector.shape_cast %add3A_427 : vector<16xf32> to vector<1x16xf32>
        tpu.vector_store %arg8[%swap3A_428, %swap3A_429], %swap3A_432 {strides = array<i32>} : memref<32x768xf32, #tpu.memory_space<vmem>>, vector<1x16xf32>,
        %get3A_433 = arith.index_cast %scan3A_28 : i32 to index
        %get3A_434 = arith.constant 464 : index
        %get3A_435 = tpu.vector_load %arg8[%get3A_433, %get3A_434] {strides = array<i32>} : memref<32x768xf32, #tpu.memory_space<vmem>>, vector<1x16xf32>,
        %get3A_436 = vector.shape_cast %get3A_435 : vector<1x16xf32> to vector<16xf32>
        %get3A_437 = arith.index_cast %scan3A_28 : i32 to index
        %get3A_438 = arith.constant 464 : index
        %get3A_439 = tpu.vector_load %arg9[%get3A_437, %get3A_438] {strides = array<i32>} : memref<32x768xf32, #tpu.memory_space<vmem>>, vector<1x16xf32>,
        %get3A_440 = vector.shape_cast %get3A_439 : vector<1x16xf32> to vector<16xf32>
        %add3A_441 = arith.addf %get3A_436, %get3A_440 : vector<16xf32>
        %swap3A_442 = arith.index_cast %scan3A_28 : i32 to index
        %swap3A_443 = arith.constant 464 : index
        %swap3A_444 = tpu.vector_load %arg8[%swap3A_442, %swap3A_443] {strides = array<i32>} : memref<32x768xf32, #tpu.memory_space<vmem>>, vector<1x16xf32>,
        %swap3A_445 = vector.shape_cast %swap3A_444 : vector<1x16xf32> to vector<16xf32>
        %swap3A_446 = vector.shape_cast %add3A_441 : vector<16xf32> to vector<1x16xf32>
        tpu.vector_store %arg8[%swap3A_442, %swap3A_443], %swap3A_446 {strides = array<i32>} : memref<32x768xf32, #tpu.memory_space<vmem>>, vector<1x16xf32>,
        %get3A_447 = arith.index_cast %scan3A_28 : i32 to index
        %get3A_448 = arith.constant 480 : index
        %get3A_449 = tpu.vector_load %arg8[%get3A_447, %get3A_448] {strides = array<i32>} : memref<32x768xf32, #tpu.memory_space<vmem>>, vector<1x16xf32>,
        %get3A_450 = vector.shape_cast %get3A_449 : vector<1x16xf32> to vector<16xf32>
        %get3A_451 = arith.index_cast %scan3A_28 : i32 to index
        %get3A_452 = arith.constant 480 : index
        %get3A_453 = tpu.vector_load %arg9[%get3A_451, %get3A_452] {strides = array<i32>} : memref<32x768xf32, #tpu.memory_space<vmem>>, vector<1x16xf32>,
        %get3A_454 = vector.shape_cast %get3A_453 : vector<1x16xf32> to vector<16xf32>
        %add3A_455 = arith.addf %get3A_450, %get3A_454 : vector<16xf32>
        %swap3A_456 = arith.index_cast %scan3A_28 : i32 to index
        %swap3A_457 = arith.constant 480 : index
        %swap3A_458 = tpu.vector_load %arg8[%swap3A_456, %swap3A_457] {strides = array<i32>} : memref<32x768xf32, #tpu.memory_space<vmem>>, vector<1x16xf32>,
        %swap3A_459 = vector.shape_cast %swap3A_458 : vector<1x16xf32> to vector<16xf32>
        %swap3A_460 = vector.shape_cast %add3A_455 : vector<16xf32> to vector<1x16xf32>
        tpu.vector_store %arg8[%swap3A_456, %swap3A_457], %swap3A_460 {strides = array<i32>} : memref<32x768xf32, #tpu.memory_space<vmem>>, vector<1x16xf32>,
        %get3A_461 = arith.index_cast %scan3A_28 : i32 to index
        %get3A_462 = arith.constant 496 : index
        %get3A_463 = tpu.vector_load %arg8[%get3A_461, %get3A_462] {strides = array<i32>} : memref<32x768xf32, #tpu.memory_space<vmem>>, vector<1x16xf32>,
        %get3A_464 = vector.shape_cast %get3A_463 : vector<1x16xf32> to vector<16xf32>
        %get3A_465 = arith.index_cast %scan3A_28 : i32 to index
        %get3A_466 = arith.constant 496 : index
        %get3A_467 = tpu.vector_load %arg9[%get3A_465, %get3A_466] {strides = array<i32>} : memref<32x768xf32, #tpu.memory_space<vmem>>, vector<1x16xf32>,
        %get3A_468 = vector.shape_cast %get3A_467 : vector<1x16xf32> to vector<16xf32>
        %add3A_469 = arith.addf %get3A_464, %get3A_468 : vector<16xf32>
        %swap3A_470 = arith.index_cast %scan3A_28 : i32 to index
        %swap3A_471 = arith.constant 496 : index
        %swap3A_472 = tpu.vector_load %arg8[%swap3A_470, %swap3A_471] {strides = array<i32>} : memref<32x768xf32, #tpu.memory_space<vmem>>, vector<1x16xf32>,
        %swap3A_473 = vector.shape_cast %swap3A_472 : vector<1x16xf32> to vector<16xf32>
        %swap3A_474 = vector.shape_cast %add3A_469 : vector<16xf32> to vector<1x16xf32>
        tpu.vector_store %arg8[%swap3A_470, %swap3A_471], %swap3A_474 {strides = array<i32>} : memref<32x768xf32, #tpu.memory_space<vmem>>, vector<1x16xf32>,
        %get3A_475 = arith.index_cast %scan3A_28 : i32 to index
        %get3A_476 = arith.constant 512 : index
        %get3A_477 = tpu.vector_load %arg8[%get3A_475, %get3A_476] {strides = array<i32>} : memref<32x768xf32, #tpu.memory_space<vmem>>, vector<1x16xf32>,
        %get3A_478 = vector.shape_cast %get3A_477 : vector<1x16xf32> to vector<16xf32>
        %get3A_479 = arith.index_cast %scan3A_28 : i32 to index
        %get3A_480 = arith.constant 512 : index
        %get3A_481 = tpu.vector_load %arg9[%get3A_479, %get3A_480] {strides = array<i32>} : memref<32x768xf32, #tpu.memory_space<vmem>>, vector<1x16xf32>,
        %get3A_482 = vector.shape_cast %get3A_481 : vector<1x16xf32> to vector<16xf32>
        %add3A_483 = arith.addf %get3A_478, %get3A_482 : vector<16xf32>
        %swap3A_484 = arith.index_cast %scan3A_28 : i32 to index
        %swap3A_485 = arith.constant 512 : index
        %swap3A_486 = tpu.vector_load %arg8[%swap3A_484, %swap3A_485] {strides = array<i32>} : memref<32x768xf32, #tpu.memory_space<vmem>>, vector<1x16xf32>,
        %swap3A_487 = vector.shape_cast %swap3A_486 : vector<1x16xf32> to vector<16xf32>
        %swap3A_488 = vector.shape_cast %add3A_483 : vector<16xf32> to vector<1x16xf32>
        tpu.vector_store %arg8[%swap3A_484, %swap3A_485], %swap3A_488 {strides = array<i32>} : memref<32x768xf32, #tpu.memory_space<vmem>>, vector<1x16xf32>,
        %get3A_489 = arith.index_cast %scan3A_28 : i32 to index
        %get3A_490 = arith.constant 528 : index
        %get3A_491 = tpu.vector_load %arg8[%get3A_489, %get3A_490] {strides = array<i32>} : memref<32x768xf32, #tpu.memory_space<vmem>>, vector<1x16xf32>,
        %get3A_492 = vector.shape_cast %get3A_491 : vector<1x16xf32> to vector<16xf32>
        %get3A_493 = arith.index_cast %scan3A_28 : i32 to index
        %get3A_494 = arith.constant 528 : index
        %get3A_495 = tpu.vector_load %arg9[%get3A_493, %get3A_494] {strides = array<i32>} : memref<32x768xf32, #tpu.memory_space<vmem>>, vector<1x16xf32>,
        %get3A_496 = vector.shape_cast %get3A_495 : vector<1x16xf32> to vector<16xf32>
        %add3A_497 = arith.addf %get3A_492, %get3A_496 : vector<16xf32>
        %swap3A_498 = arith.index_cast %scan3A_28 : i32 to index
        %swap3A_499 = arith.constant 528 : index
        %swap3A_500 = tpu.vector_load %arg8[%swap3A_498, %swap3A_499] {strides = array<i32>} : memref<32x768xf32, #tpu.memory_space<vmem>>, vector<1x16xf32>,
        %swap3A_501 = vector.shape_cast %swap3A_500 : vector<1x16xf32> to vector<16xf32>
        %swap3A_502 = vector.shape_cast %add3A_497 : vector<16xf32> to vector<1x16xf32>
        tpu.vector_store %arg8[%swap3A_498, %swap3A_499], %swap3A_502 {strides = array<i32>} : memref<32x768xf32, #tpu.memory_space<vmem>>, vector<1x16xf32>,
        %get3A_503 = arith.index_cast %scan3A_28 : i32 to index
        %get3A_504 = arith.constant 544 : index
        %get3A_505 = tpu.vector_load %arg8[%get3A_503, %get3A_504] {strides = array<i32>} : memref<32x768xf32, #tpu.memory_space<vmem>>, vector<1x16xf32>,
        %get3A_506 = vector.shape_cast %get3A_505 : vector<1x16xf32> to vector<16xf32>
        %get3A_507 = arith.index_cast %scan3A_28 : i32 to index
        %get3A_508 = arith.constant 544 : index
        %get3A_509 = tpu.vector_load %arg9[%get3A_507, %get3A_508] {strides = array<i32>} : memref<32x768xf32, #tpu.memory_space<vmem>>, vector<1x16xf32>,
        %get3A_510 = vector.shape_cast %get3A_509 : vector<1x16xf32> to vector<16xf32>
        %add3A_511 = arith.addf %get3A_506, %get3A_510 : vector<16xf32>
        %swap3A_512 = arith.index_cast %scan3A_28 : i32 to index
        %swap3A_513 = arith.constant 544 : index
        %swap3A_514 = tpu.vector_load %arg8[%swap3A_512, %swap3A_513] {strides = array<i32>} : memref<32x768xf32, #tpu.memory_space<vmem>>, vector<1x16xf32>,
        %swap3A_515 = vector.shape_cast %swap3A_514 : vector<1x16xf32> to vector<16xf32>
        %swap3A_516 = vector.shape_cast %add3A_511 : vector<16xf32> to vector<1x16xf32>
        tpu.vector_store %arg8[%swap3A_512, %swap3A_513], %swap3A_516 {strides = array<i32>} : memref<32x768xf32, #tpu.memory_space<vmem>>, vector<1x16xf32>,
        %get3A_517 = arith.index_cast %scan3A_28 : i32 to index
        %get3A_518 = arith.constant 560 : index
        %get3A_519 = tpu.vector_load %arg8[%get3A_517, %get3A_518] {strides = array<i32>} : memref<32x768xf32, #tpu.memory_space<vmem>>, vector<1x16xf32>,
        %get3A_520 = vector.shape_cast %get3A_519 : vector<1x16xf32> to vector<16xf32>
        %get3A_521 = arith.index_cast %scan3A_28 : i32 to index
        %get3A_522 = arith.constant 560 : index
        %get3A_523 = tpu.vector_load %arg9[%get3A_521, %get3A_522] {strides = array<i32>} : memref<32x768xf32, #tpu.memory_space<vmem>>, vector<1x16xf32>,
        %get3A_524 = vector.shape_cast %get3A_523 : vector<1x16xf32> to vector<16xf32>
        %add3A_525 = arith.addf %get3A_520, %get3A_524 : vector<16xf32>
        %swap3A_526 = arith.index_cast %scan3A_28 : i32 to index
        %swap3A_527 = arith.constant 560 : index
        %swap3A_528 = tpu.vector_load %arg8[%swap3A_526, %swap3A_527] {strides = array<i32>} : memref<32x768xf32, #tpu.memory_space<vmem>>, vector<1x16xf32>,
        %swap3A_529 = vector.shape_cast %swap3A_528 : vector<1x16xf32> to vector<16xf32>
        %swap3A_530 = vector.shape_cast %add3A_525 : vector<16xf32> to vector<1x16xf32>
        tpu.vector_store %arg8[%swap3A_526, %swap3A_527], %swap3A_530 {strides = array<i32>} : memref<32x768xf32, #tpu.memory_space<vmem>>, vector<1x16xf32>,
        %get3A_531 = arith.index_cast %scan3A_28 : i32 to index
        %get3A_532 = arith.constant 576 : index
        %get3A_533 = tpu.vector_load %arg8[%get3A_531, %get3A_532] {strides = array<i32>} : memref<32x768xf32, #tpu.memory_space<vmem>>, vector<1x16xf32>,
        %get3A_534 = vector.shape_cast %get3A_533 : vector<1x16xf32> to vector<16xf32>
        %get3A_535 = arith.index_cast %scan3A_28 : i32 to index
        %get3A_536 = arith.constant 576 : index
        %get3A_537 = tpu.vector_load %arg9[%get3A_535, %get3A_536] {strides = array<i32>} : memref<32x768xf32, #tpu.memory_space<vmem>>, vector<1x16xf32>,
        %get3A_538 = vector.shape_cast %get3A_537 : vector<1x16xf32> to vector<16xf32>
        %add3A_539 = arith.addf %get3A_534, %get3A_538 : vector<16xf32>
        %swap3A_540 = arith.index_cast %scan3A_28 : i32 to index
        %swap3A_541 = arith.constant 576 : index
        %swap3A_542 = tpu.vector_load %arg8[%swap3A_540, %swap3A_541] {strides = array<i32>} : memref<32x768xf32, #tpu.memory_space<vmem>>, vector<1x16xf32>,
        %swap3A_543 = vector.shape_cast %swap3A_542 : vector<1x16xf32> to vector<16xf32>
        %swap3A_544 = vector.shape_cast %add3A_539 : vector<16xf32> to vector<1x16xf32>
        tpu.vector_store %arg8[%swap3A_540, %swap3A_541], %swap3A_544 {strides = array<i32>} : memref<32x768xf32, #tpu.memory_space<vmem>>, vector<1x16xf32>,
        %get3A_545 = arith.index_cast %scan3A_28 : i32 to index
        %get3A_546 = arith.constant 592 : index
        %get3A_547 = tpu.vector_load %arg8[%get3A_545, %get3A_546] {strides = array<i32>} : memref<32x768xf32, #tpu.memory_space<vmem>>, vector<1x16xf32>,
        %get3A_548 = vector.shape_cast %get3A_547 : vector<1x16xf32> to vector<16xf32>
        %get3A_549 = arith.index_cast %scan3A_28 : i32 to index
        %get3A_550 = arith.constant 592 : index
        %get3A_551 = tpu.vector_load %arg9[%get3A_549, %get3A_550] {strides = array<i32>} : memref<32x768xf32, #tpu.memory_space<vmem>>, vector<1x16xf32>,
        %get3A_552 = vector.shape_cast %get3A_551 : vector<1x16xf32> to vector<16xf32>
        %add3A_553 = arith.addf %get3A_548, %get3A_552 : vector<16xf32>
        %swap3A_554 = arith.index_cast %scan3A_28 : i32 to index
        %swap3A_555 = arith.constant 592 : index
        %swap3A_556 = tpu.vector_load %arg8[%swap3A_554, %swap3A_555] {strides = array<i32>} : memref<32x768xf32, #tpu.memory_space<vmem>>, vector<1x16xf32>,
        %swap3A_557 = vector.shape_cast %swap3A_556 : vector<1x16xf32> to vector<16xf32>
        %swap3A_558 = vector.shape_cast %add3A_553 : vector<16xf32> to vector<1x16xf32>
        tpu.vector_store %arg8[%swap3A_554, %swap3A_555], %swap3A_558 {strides = array<i32>} : memref<32x768xf32, #tpu.memory_space<vmem>>, vector<1x16xf32>,
        %get3A_559 = arith.index_cast %scan3A_28 : i32 to index
        %get3A_560 = arith.constant 608 : index
        %get3A_561 = tpu.vector_load %arg8[%get3A_559, %get3A_560] {strides = array<i32>} : memref<32x768xf32, #tpu.memory_space<vmem>>, vector<1x16xf32>,
        %get3A_562 = vector.shape_cast %get3A_561 : vector<1x16xf32> to vector<16xf32>
        %get3A_563 = arith.index_cast %scan3A_28 : i32 to index
        %get3A_564 = arith.constant 608 : index
        %get3A_565 = tpu.vector_load %arg9[%get3A_563, %get3A_564] {strides = array<i32>} : memref<32x768xf32, #tpu.memory_space<vmem>>, vector<1x16xf32>,
        %get3A_566 = vector.shape_cast %get3A_565 : vector<1x16xf32> to vector<16xf32>
        %add3A_567 = arith.addf %get3A_562, %get3A_566 : vector<16xf32>
        %swap3A_568 = arith.index_cast %scan3A_28 : i32 to index
        %swap3A_569 = arith.constant 608 : index
        %swap3A_570 = tpu.vector_load %arg8[%swap3A_568, %swap3A_569] {strides = array<i32>} : memref<32x768xf32, #tpu.memory_space<vmem>>, vector<1x16xf32>,
        %swap3A_571 = vector.shape_cast %swap3A_570 : vector<1x16xf32> to vector<16xf32>
        %swap3A_572 = vector.shape_cast %add3A_567 : vector<16xf32> to vector<1x16xf32>
        tpu.vector_store %arg8[%swap3A_568, %swap3A_569], %swap3A_572 {strides = array<i32>} : memref<32x768xf32, #tpu.memory_space<vmem>>, vector<1x16xf32>,
        %get3A_573 = arith.index_cast %scan3A_28 : i32 to index
        %get3A_574 = arith.constant 624 : index
        %get3A_575 = tpu.vector_load %arg8[%get3A_573, %get3A_574] {strides = array<i32>} : memref<32x768xf32, #tpu.memory_space<vmem>>, vector<1x16xf32>,
        %get3A_576 = vector.shape_cast %get3A_575 : vector<1x16xf32> to vector<16xf32>
        %get3A_577 = arith.index_cast %scan3A_28 : i32 to index
        %get3A_578 = arith.constant 624 : index
        %get3A_579 = tpu.vector_load %arg9[%get3A_577, %get3A_578] {strides = array<i32>} : memref<32x768xf32, #tpu.memory_space<vmem>>, vector<1x16xf32>,
        %get3A_580 = vector.shape_cast %get3A_579 : vector<1x16xf32> to vector<16xf32>
        %add3A_581 = arith.addf %get3A_576, %get3A_580 : vector<16xf32>
        %swap3A_582 = arith.index_cast %scan3A_28 : i32 to index
        %swap3A_583 = arith.constant 624 : index
        %swap3A_584 = tpu.vector_load %arg8[%swap3A_582, %swap3A_583] {strides = array<i32>} : memref<32x768xf32, #tpu.memory_space<vmem>>, vector<1x16xf32>,
        %swap3A_585 = vector.shape_cast %swap3A_584 : vector<1x16xf32> to vector<16xf32>
        %swap3A_586 = vector.shape_cast %add3A_581 : vector<16xf32> to vector<1x16xf32>
        tpu.vector_store %arg8[%swap3A_582, %swap3A_583], %swap3A_586 {strides = array<i32>} : memref<32x768xf32, #tpu.memory_space<vmem>>, vector<1x16xf32>,
        %get3A_587 = arith.index_cast %scan3A_28 : i32 to index
        %get3A_588 = arith.constant 640 : index
        %get3A_589 = tpu.vector_load %arg8[%get3A_587, %get3A_588] {strides = array<i32>} : memref<32x768xf32, #tpu.memory_space<vmem>>, vector<1x16xf32>,
        %get3A_590 = vector.shape_cast %get3A_589 : vector<1x16xf32> to vector<16xf32>
        %get3A_591 = arith.index_cast %scan3A_28 : i32 to index
        %get3A_592 = arith.constant 640 : index
        %get3A_593 = tpu.vector_load %arg9[%get3A_591, %get3A_592] {strides = array<i32>} : memref<32x768xf32, #tpu.memory_space<vmem>>, vector<1x16xf32>,
        %get3A_594 = vector.shape_cast %get3A_593 : vector<1x16xf32> to vector<16xf32>
        %add3A_595 = arith.addf %get3A_590, %get3A_594 : vector<16xf32>
        %swap3A_596 = arith.index_cast %scan3A_28 : i32 to index
        %swap3A_597 = arith.constant 640 : index
        %swap3A_598 = tpu.vector_load %arg8[%swap3A_596, %swap3A_597] {strides = array<i32>} : memref<32x768xf32, #tpu.memory_space<vmem>>, vector<1x16xf32>,
        %swap3A_599 = vector.shape_cast %swap3A_598 : vector<1x16xf32> to vector<16xf32>
        %swap3A_600 = vector.shape_cast %add3A_595 : vector<16xf32> to vector<1x16xf32>
        tpu.vector_store %arg8[%swap3A_596, %swap3A_597], %swap3A_600 {strides = array<i32>} : memref<32x768xf32, #tpu.memory_space<vmem>>, vector<1x16xf32>,
        %get3A_601 = arith.index_cast %scan3A_28 : i32 to index
        %get3A_602 = arith.constant 656 : index
        %get3A_603 = tpu.vector_load %arg8[%get3A_601, %get3A_602] {strides = array<i32>} : memref<32x768xf32, #tpu.memory_space<vmem>>, vector<1x16xf32>,
        %get3A_604 = vector.shape_cast %get3A_603 : vector<1x16xf32> to vector<16xf32>
        %get3A_605 = arith.index_cast %scan3A_28 : i32 to index
        %get3A_606 = arith.constant 656 : index
        %get3A_607 = tpu.vector_load %arg9[%get3A_605, %get3A_606] {strides = array<i32>} : memref<32x768xf32, #tpu.memory_space<vmem>>, vector<1x16xf32>,
        %get3A_608 = vector.shape_cast %get3A_607 : vector<1x16xf32> to vector<16xf32>
        %add3A_609 = arith.addf %get3A_604, %get3A_608 : vector<16xf32>
        %swap3A_610 = arith.index_cast %scan3A_28 : i32 to index
        %swap3A_611 = arith.constant 656 : index
        %swap3A_612 = tpu.vector_load %arg8[%swap3A_610, %swap3A_611] {strides = array<i32>} : memref<32x768xf32, #tpu.memory_space<vmem>>, vector<1x16xf32>,
        %swap3A_613 = vector.shape_cast %swap3A_612 : vector<1x16xf32> to vector<16xf32>
        %swap3A_614 = vector.shape_cast %add3A_609 : vector<16xf32> to vector<1x16xf32>
        tpu.vector_store %arg8[%swap3A_610, %swap3A_611], %swap3A_614 {strides = array<i32>} : memref<32x768xf32, #tpu.memory_space<vmem>>, vector<1x16xf32>,
        %get3A_615 = arith.index_cast %scan3A_28 : i32 to index
        %get3A_616 = arith.constant 672 : index
        %get3A_617 = tpu.vector_load %arg8[%get3A_615, %get3A_616] {strides = array<i32>} : memref<32x768xf32, #tpu.memory_space<vmem>>, vector<1x16xf32>,
        %get3A_618 = vector.shape_cast %get3A_617 : vector<1x16xf32> to vector<16xf32>
        %get3A_619 = arith.index_cast %scan3A_28 : i32 to index
        %get3A_620 = arith.constant 672 : index
        %get3A_621 = tpu.vector_load %arg9[%get3A_619, %get3A_620] {strides = array<i32>} : memref<32x768xf32, #tpu.memory_space<vmem>>, vector<1x16xf32>,
        %get3A_622 = vector.shape_cast %get3A_621 : vector<1x16xf32> to vector<16xf32>
        %add3A_623 = arith.addf %get3A_618, %get3A_622 : vector<16xf32>
        %swap3A_624 = arith.index_cast %scan3A_28 : i32 to index
        %swap3A_625 = arith.constant 672 : index
        %swap3A_626 = tpu.vector_load %arg8[%swap3A_624, %swap3A_625] {strides = array<i32>} : memref<32x768xf32, #tpu.memory_space<vmem>>, vector<1x16xf32>,
        %swap3A_627 = vector.shape_cast %swap3A_626 : vector<1x16xf32> to vector<16xf32>
        %swap3A_628 = vector.shape_cast %add3A_623 : vector<16xf32> to vector<1x16xf32>
        tpu.vector_store %arg8[%swap3A_624, %swap3A_625], %swap3A_628 {strides = array<i32>} : memref<32x768xf32, #tpu.memory_space<vmem>>, vector<1x16xf32>,
        %get3A_629 = arith.index_cast %scan3A_28 : i32 to index
        %get3A_630 = arith.constant 688 : index
        %get3A_631 = tpu.vector_load %arg8[%get3A_629, %get3A_630] {strides = array<i32>} : memref<32x768xf32, #tpu.memory_space<vmem>>, vector<1x16xf32>,
        %get3A_632 = vector.shape_cast %get3A_631 : vector<1x16xf32> to vector<16xf32>
        %get3A_633 = arith.index_cast %scan3A_28 : i32 to index
        %get3A_634 = arith.constant 688 : index
        %get3A_635 = tpu.vector_load %arg9[%get3A_633, %get3A_634] {strides = array<i32>} : memref<32x768xf32, #tpu.memory_space<vmem>>, vector<1x16xf32>,
        %get3A_636 = vector.shape_cast %get3A_635 : vector<1x16xf32> to vector<16xf32>
        %add3A_637 = arith.addf %get3A_632, %get3A_636 : vector<16xf32>
        %swap3A_638 = arith.index_cast %scan3A_28 : i32 to index
        %swap3A_639 = arith.constant 688 : index
        %swap3A_640 = tpu.vector_load %arg8[%swap3A_638, %swap3A_639] {strides = array<i32>} : memref<32x768xf32, #tpu.memory_space<vmem>>, vector<1x16xf32>,
        %swap3A_641 = vector.shape_cast %swap3A_640 : vector<1x16xf32> to vector<16xf32>
        %swap3A_642 = vector.shape_cast %add3A_637 : vector<16xf32> to vector<1x16xf32>
        tpu.vector_store %arg8[%swap3A_638, %swap3A_639], %swap3A_642 {strides = array<i32>} : memref<32x768xf32, #tpu.memory_space<vmem>>, vector<1x16xf32>,
        %get3A_643 = arith.index_cast %scan3A_28 : i32 to index
        %get3A_644 = arith.constant 704 : index
        %get3A_645 = tpu.vector_load %arg8[%get3A_643, %get3A_644] {strides = array<i32>} : memref<32x768xf32, #tpu.memory_space<vmem>>, vector<1x16xf32>,
        %get3A_646 = vector.shape_cast %get3A_645 : vector<1x16xf32> to vector<16xf32>
        %get3A_647 = arith.index_cast %scan3A_28 : i32 to index
        %get3A_648 = arith.constant 704 : index
        %get3A_649 = tpu.vector_load %arg9[%get3A_647, %get3A_648] {strides = array<i32>} : memref<32x768xf32, #tpu.memory_space<vmem>>, vector<1x16xf32>,
        %get3A_650 = vector.shape_cast %get3A_649 : vector<1x16xf32> to vector<16xf32>
        %add3A_651 = arith.addf %get3A_646, %get3A_650 : vector<16xf32>
        %swap3A_652 = arith.index_cast %scan3A_28 : i32 to index
        %swap3A_653 = arith.constant 704 : index
        %swap3A_654 = tpu.vector_load %arg8[%swap3A_652, %swap3A_653] {strides = array<i32>} : memref<32x768xf32, #tpu.memory_space<vmem>>, vector<1x16xf32>,
        %swap3A_655 = vector.shape_cast %swap3A_654 : vector<1x16xf32> to vector<16xf32>
        %swap3A_656 = vector.shape_cast %add3A_651 : vector<16xf32> to vector<1x16xf32>
        tpu.vector_store %arg8[%swap3A_652, %swap3A_653], %swap3A_656 {strides = array<i32>} : memref<32x768xf32, #tpu.memory_space<vmem>>, vector<1x16xf32>,
        %get3A_657 = arith.index_cast %scan3A_28 : i32 to index
        %get3A_658 = arith.constant 720 : index
        %get3A_659 = tpu.vector_load %arg8[%get3A_657, %get3A_658] {strides = array<i32>} : memref<32x768xf32, #tpu.memory_space<vmem>>, vector<1x16xf32>,
        %get3A_660 = vector.shape_cast %get3A_659 : vector<1x16xf32> to vector<16xf32>
        %get3A_661 = arith.index_cast %scan3A_28 : i32 to index
        %get3A_662 = arith.constant 720 : index
        %get3A_663 = tpu.vector_load %arg9[%get3A_661, %get3A_662] {strides = array<i32>} : memref<32x768xf32, #tpu.memory_space<vmem>>, vector<1x16xf32>,
        %get3A_664 = vector.shape_cast %get3A_663 : vector<1x16xf32> to vector<16xf32>
        %add3A_665 = arith.addf %get3A_660, %get3A_664 : vector<16xf32>
        %swap3A_666 = arith.index_cast %scan3A_28 : i32 to index
        %swap3A_667 = arith.constant 720 : index
        %swap3A_668 = tpu.vector_load %arg8[%swap3A_666, %swap3A_667] {strides = array<i32>} : memref<32x768xf32, #tpu.memory_space<vmem>>, vector<1x16xf32>,
        %swap3A_669 = vector.shape_cast %swap3A_668 : vector<1x16xf32> to vector<16xf32>
        %swap3A_670 = vector.shape_cast %add3A_665 : vector<16xf32> to vector<1x16xf32>
        tpu.vector_store %arg8[%swap3A_666, %swap3A_667], %swap3A_670 {strides = array<i32>} : memref<32x768xf32, #tpu.memory_space<vmem>>, vector<1x16xf32>,
        %get3A_671 = arith.index_cast %scan3A_28 : i32 to index
        %get3A_672 = arith.constant 736 : index
        %get3A_673 = tpu.vector_load %arg8[%get3A_671, %get3A_672] {strides = array<i32>} : memref<32x768xf32, #tpu.memory_space<vmem>>, vector<1x16xf32>,
        %get3A_674 = vector.shape_cast %get3A_673 : vector<1x16xf32> to vector<16xf32>
        %get3A_675 = arith.index_cast %scan3A_28 : i32 to index
        %get3A_676 = arith.constant 736 : index
        %get3A_677 = tpu.vector_load %arg9[%get3A_675, %get3A_676] {strides = array<i32>} : memref<32x768xf32, #tpu.memory_space<vmem>>, vector<1x16xf32>,
        %get3A_678 = vector.shape_cast %get3A_677 : vector<1x16xf32> to vector<16xf32>
        %add3A_679 = arith.addf %get3A_674, %get3A_678 : vector<16xf32>
        %swap3A_680 = arith.index_cast %scan3A_28 : i32 to index
        %swap3A_681 = arith.constant 736 : index
        %swap3A_682 = tpu.vector_load %arg8[%swap3A_680, %swap3A_681] {strides = array<i32>} : memref<32x768xf32, #tpu.memory_space<vmem>>, vector<1x16xf32>,
        %swap3A_683 = vector.shape_cast %swap3A_682 : vector<1x16xf32> to vector<16xf32>
        %swap3A_684 = vector.shape_cast %add3A_679 : vector<16xf32> to vector<1x16xf32>
        tpu.vector_store %arg8[%swap3A_680, %swap3A_681], %swap3A_684 {strides = array<i32>} : memref<32x768xf32, #tpu.memory_space<vmem>>, vector<1x16xf32>,
        %get3A_685 = arith.index_cast %scan3A_28 : i32 to index
        %get3A_686 = arith.constant 752 : index
        %get3A_687 = tpu.vector_load %arg8[%get3A_685, %get3A_686] {strides = array<i32>} : memref<32x768xf32, #tpu.memory_space<vmem>>, vector<1x16xf32>,
        %get3A_688 = vector.shape_cast %get3A_687 : vector<1x16xf32> to vector<16xf32>
        %get3A_689 = arith.index_cast %scan3A_28 : i32 to index
        %get3A_690 = arith.constant 752 : index
        %get3A_691 = tpu.vector_load %arg9[%get3A_689, %get3A_690] {strides = array<i32>} : memref<32x768xf32, #tpu.memory_space<vmem>>, vector<1x16xf32>,
        %get3A_692 = vector.shape_cast %get3A_691 : vector<1x16xf32> to vector<16xf32>
        %add3A_693 = arith.addf %get3A_688, %get3A_692 : vector<16xf32>
        %swap3A_694 = arith.index_cast %scan3A_28 : i32 to index
        %swap3A_695 = arith.constant 752 : index
        %swap3A_696 = tpu.vector_load %arg8[%swap3A_694, %swap3A_695] {strides = array<i32>} : memref<32x768xf32, #tpu.memory_space<vmem>>, vector<1x16xf32>,
        %swap3A_697 = vector.shape_cast %swap3A_696 : vector<1x16xf32> to vector<16xf32>
        %swap3A_698 = vector.shape_cast %add3A_693 : vector<16xf32> to vector<1x16xf32>
        tpu.vector_store %arg8[%swap3A_694, %swap3A_695], %swap3A_698 {strides = array<i32>} : memref<32x768xf32, #tpu.memory_space<vmem>>, vector<1x16xf32>,
      }
      %scan3A_27 = arith.constant 32 : i32
      "tpu.region"() ({
        %run_scoped3A = tpu.sem_alloc : memref<!tpu.dma_semaphore, #tpu.memory_space<semaphore_mem>>
        %dma_start3A_28 = arith.constant 0 : i32
        %dma_start3A_29 = tpu.memref_slice %arg5[%add3A_11, %dma_start3A_28] : memref<2048x768xf32, #tpu.memory_space<hbm>> -> memref<32x768xf32, #tpu.memory_space<hbm>>
        %dma_start3A_30 = arith.constant 0 : i32
        %dma_start3A_31 = tpu.memref_slice %arg5[%add3A_11, %dma_start3A_30] : memref<2048x768xf32, #tpu.memory_space<hbm>> -> memref<32x768xf32, #tpu.memory_space<hbm>>
        tpu.enqueue_dma source(%arg8 : memref<32x768xf32, #tpu.memory_space<vmem>>) target(%dma_start3A_31 : memref<32x768xf32, #tpu.memory_space<hbm>>) target_semaphore(%run_scoped3A : memref<!tpu.dma_semaphore, #tpu.memory_space<semaphore_mem>>)
        %dma_wait3A_32 = arith.constant 0 : i32
        %dma_wait3A_33 = tpu.memref_slice %arg5[%add3A_11, %dma_wait3A_32] : memref<2048x768xf32, #tpu.memory_space<hbm>> -> memref<32x768xf32, #tpu.memory_space<hbm>>
        %dma_wait3A_34 = arith.constant 0 : i32
        %dma_wait3A_35 = tpu.memref_slice %arg5[%add3A_11, %dma_wait3A_34] : memref<2048x768xf32, #tpu.memory_space<hbm>> -> memref<32x768xf32, #tpu.memory_space<hbm>>
        tpu.wait_dma2 semaphore(%run_scoped3A : memref<!tpu.dma_semaphore, #tpu.memory_space<semaphore_mem>>) src(%arg8 : memref<32x768xf32, #tpu.memory_space<vmem>>) dst(%dma_wait3A_35 : memref<32x768xf32, #tpu.memory_space<hbm>>)
        tpu.yield
      }) : () -> ()
    }
    %scan3A_5 = arith.constant 2 : i32
    return
  }
}

#map = affine_map<(d0, d1) -> (0, 0)>
#map1 = affine_map<(d0, d1) -> (0)>
module attributes {stable_mosaic.version = 14 : i64} {
  func.func @sc_gather_x_1(%arg0: i32, %arg1: i32, %arg2: memref<2048x768xf32, #tpu.memory_space<hbm>>, %arg3: memref<8192xi32, #tpu.memory_space<hbm>>, %arg4: memref<6144x768xf32, #tpu.memory_space<hbm>>, %arg5: memref<192xi32, #tpu.memory_space<vmem>>, %arg6: memref<32x768xf32, #tpu.memory_space<vmem>>, %arg7: memref<32x768xf32, #tpu.memory_space<vmem>>, %arg8: memref<32x768xf32, #tpu.memory_space<vmem>>, %arg9: memref<32x768xf32, #tpu.memory_space<vmem>>, %arg10: memref<!tpu.dma_semaphore, #tpu.memory_space<semaphore_mem>>, %arg11: memref<!tpu.dma_semaphore, #tpu.memory_space<semaphore_mem>>, %arg12: memref<!tpu.dma_semaphore, #tpu.memory_space<semaphore_mem>>, %arg13: memref<!tpu.dma_semaphore, #tpu.memory_space<semaphore_mem>>, %arg14: memref<!tpu.dma_semaphore, #tpu.memory_space<semaphore_mem>>, %arg15: memref<!tpu.dma_semaphore, #tpu.memory_space<semaphore_mem>>, %arg16: memref<!tpu.dma_semaphore, #tpu.memory_space<semaphore_mem>>, %arg17: memref<!tpu.dma_semaphore, #tpu.memory_space<semaphore_mem>>) attributes {dimension_semantics = [#tpu.dimension_semantics<core_parallel>, #tpu.dimension_semantics<subcore_parallel>], iteration_bounds = array<i64: 2, 16>, scalar_prefetch = 0 : i64, scratch_operands = 13 : i64, tpu.core_type = #tpu.core_type<sc_vector_subcore>, window_params = [{transform_indices = #map}, {transform_indices = #map1}, {transform_indices = #map}]} {
    %mul3A = arith.constant 2 : i32
    %mul3A_0 = arith.muli %arg1, %mul3A : i32
    %add3A = arith.addi %mul3A_0, %arg0 : i32
    %mul3A_1 = arith.constant 192 : i32
    %mul3A_2 = arith.muli %add3A, %mul3A_1 : i32
    %add3A_3 = arith.constant 2048 : i32
    %add3A_4 = arith.addi %add3A_3, %mul3A_2 : i32
    "tpu.region"() ({
      %run_scoped3A = tpu.sem_alloc : memref<!tpu.dma_semaphore, #tpu.memory_space<semaphore_mem>>
      %dma_start3A_52 = tpu.memref_slice %arg3[%add3A_4] : memref<8192xi32, #tpu.memory_space<hbm>> -> memref<192xi32, #tpu.memory_space<hbm>>
      %dma_start3A_53 = tpu.memref_slice %arg3[%add3A_4] : memref<8192xi32, #tpu.memory_space<hbm>> -> memref<192xi32, #tpu.memory_space<hbm>>
      tpu.enqueue_dma source(%dma_start3A_53 : memref<192xi32, #tpu.memory_space<hbm>>) target(%arg5 : memref<192xi32, #tpu.memory_space<vmem>>) target_semaphore(%run_scoped3A : memref<!tpu.dma_semaphore, #tpu.memory_space<semaphore_mem>>)
      %dma_wait3A_54 = tpu.memref_slice %arg3[%add3A_4] : memref<8192xi32, #tpu.memory_space<hbm>> -> memref<192xi32, #tpu.memory_space<hbm>>
      %dma_wait3A_55 = tpu.memref_slice %arg3[%add3A_4] : memref<8192xi32, #tpu.memory_space<hbm>> -> memref<192xi32, #tpu.memory_space<hbm>>
      tpu.wait_dma2 semaphore(%run_scoped3A : memref<!tpu.dma_semaphore, #tpu.memory_space<semaphore_mem>>) src(%dma_wait3A_55 : memref<192xi32, #tpu.memory_space<hbm>>) dst(%arg5 : memref<192xi32, #tpu.memory_space<vmem>>)
      tpu.yield
    }) : () -> ()
    %dma_start3A = arith.constant 0 : i32
    %dma_start3A_5 = tpu.memref_slice %arg5[%dma_start3A] : memref<192xi32, #tpu.memory_space<vmem>> -> memref<32xi32, #tpu.memory_space<vmem>>
    %dma_start3A_6 = arith.constant 0 : i32
    %dma_start3A_7 = arith.constant 0 : i32
    %dma_start3A_8 = tpu.memref_slice %arg2[%dma_start3A_6, %dma_start3A_7] : memref<2048x768xf32, #tpu.memory_space<hbm>> -> memref<2048x768xf32, #tpu.memory_space<hbm>>
    tpu.enqueue_indirect_dma source(%dma_start3A_8 : memref<2048x768xf32, #tpu.memory_space<hbm>>) target(%arg6 : memref<32x768xf32, #tpu.memory_space<vmem>>) offsets(%dma_start3A_5 : memref<32xi32, #tpu.memory_space<vmem>>) semaphore(%arg10 : memref<!tpu.dma_semaphore, #tpu.memory_space<semaphore_mem>>)
    %dma_start3A_9 = arith.constant 32 : i32
    %dma_start3A_10 = tpu.memref_slice %arg5[%dma_start3A_9] : memref<192xi32, #tpu.memory_space<vmem>> -> memref<32xi32, #tpu.memory_space<vmem>>
    %dma_start3A_11 = arith.constant 0 : i32
    %dma_start3A_12 = arith.constant 0 : i32
    %dma_start3A_13 = tpu.memref_slice %arg2[%dma_start3A_11, %dma_start3A_12] : memref<2048x768xf32, #tpu.memory_space<hbm>> -> memref<2048x768xf32, #tpu.memory_space<hbm>>
    tpu.enqueue_indirect_dma source(%dma_start3A_13 : memref<2048x768xf32, #tpu.memory_space<hbm>>) target(%arg7 : memref<32x768xf32, #tpu.memory_space<vmem>>) offsets(%dma_start3A_10 : memref<32xi32, #tpu.memory_space<vmem>>) semaphore(%arg11 : memref<!tpu.dma_semaphore, #tpu.memory_space<semaphore_mem>>)
    %dma_start3A_14 = arith.constant 64 : i32
    %dma_start3A_15 = tpu.memref_slice %arg5[%dma_start3A_14] : memref<192xi32, #tpu.memory_space<vmem>> -> memref<32xi32, #tpu.memory_space<vmem>>
    %dma_start3A_16 = arith.constant 0 : i32
    %dma_start3A_17 = arith.constant 0 : i32
    %dma_start3A_18 = tpu.memref_slice %arg2[%dma_start3A_16, %dma_start3A_17] : memref<2048x768xf32, #tpu.memory_space<hbm>> -> memref<2048x768xf32, #tpu.memory_space<hbm>>
    tpu.enqueue_indirect_dma source(%dma_start3A_18 : memref<2048x768xf32, #tpu.memory_space<hbm>>) target(%arg8 : memref<32x768xf32, #tpu.memory_space<vmem>>) offsets(%dma_start3A_15 : memref<32xi32, #tpu.memory_space<vmem>>) semaphore(%arg12 : memref<!tpu.dma_semaphore, #tpu.memory_space<semaphore_mem>>)
    %dma_start3A_19 = arith.constant 96 : i32
    %dma_start3A_20 = tpu.memref_slice %arg5[%dma_start3A_19] : memref<192xi32, #tpu.memory_space<vmem>> -> memref<32xi32, #tpu.memory_space<vmem>>
    %dma_start3A_21 = arith.constant 0 : i32
    %dma_start3A_22 = arith.constant 0 : i32
    %dma_start3A_23 = tpu.memref_slice %arg2[%dma_start3A_21, %dma_start3A_22] : memref<2048x768xf32, #tpu.memory_space<hbm>> -> memref<2048x768xf32, #tpu.memory_space<hbm>>
    tpu.enqueue_indirect_dma source(%dma_start3A_23 : memref<2048x768xf32, #tpu.memory_space<hbm>>) target(%arg9 : memref<32x768xf32, #tpu.memory_space<vmem>>) offsets(%dma_start3A_20 : memref<32xi32, #tpu.memory_space<vmem>>) semaphore(%arg13 : memref<!tpu.dma_semaphore, #tpu.memory_space<semaphore_mem>>)
    %scan3A = arith.constant 0 : i32
    %scan3A_24 = arith.constant 0 : i32
    %scan3A_25 = arith.constant 6 : i32
    %scan3A_26 = arith.addi %scan3A_24, %scan3A_25 : i32
    %scan3A_27 = arith.constant 1 : i32
    scf.for %scan3A_52 = %scan3A_24 to %scan3A_26 step %scan3A_27  : i32 {
      %jit3A = arith.constant 4 : i32
      %eq3A = arith.constant 0 : i32
      %eq3A_53 = arith.cmpi eq, %jit3A, %eq3A : i32
      %jit3A_54 = arith.constant 1 : i32
      %select_n3A = arith.select %eq3A_53, %jit3A_54, %jit3A : i32
      %rem3A = arith.remsi %scan3A_52, %select_n3A : i32
      %ne3A = arith.constant 0 : i32
      %ne3A_55 = arith.cmpi ne, %rem3A, %ne3A : i32
      %lt3A = arith.constant 0 : i32
      %lt3A_56 = arith.cmpi slt, %rem3A, %lt3A : i32
      %lt3A_57 = arith.constant 0 : i32
      %lt3A_58 = arith.cmpi slt, %select_n3A, %lt3A_57 : i32
      %ne3A_59 = arith.xori %lt3A_56, %lt3A_58 : i1
      %and3A = arith.andi %ne3A_59, %ne3A_55 : i1
      %add3A_60 = arith.addi %rem3A, %select_n3A : i32
      %select_n3A_61 = arith.select %and3A, %add3A_60, %rem3A : i32
      %eq3A_62 = arith.constant 0 : i32
      %eq3A_63 = arith.cmpi eq, %select_n3A_61, %eq3A_62 : i32
      %convert_element_type3A = arith.extui %eq3A_63 : i1 to i32
      %cond3A = arith.constant 0 : i32
      %cond3A_64 = arith.cmpi ne, %convert_element_type3A, %cond3A : i32
      scf.if %cond3A_64 {
        %dma_wait3A_128 = arith.constant 0 : i32
        %dma_wait3A_129 = tpu.memref_slice %arg5[%dma_wait3A_128] : memref<192xi32, #tpu.memory_space<vmem>> -> memref<32xi32, #tpu.memory_space<vmem>>
        %dma_wait3A_130 = arith.constant 0 : i32
        %dma_wait3A_131 = arith.constant 0 : i32
        %dma_wait3A_132 = tpu.memref_slice %arg2[%dma_wait3A_130, %dma_wait3A_131] : memref<2048x768xf32, #tpu.memory_space<hbm>> -> memref<2048x768xf32, #tpu.memory_space<hbm>>
        tpu.wait_indirect_dma semaphore(%arg10 : memref<!tpu.dma_semaphore, #tpu.memory_space<semaphore_mem>>) src(%dma_wait3A_132 : memref<2048x768xf32, #tpu.memory_space<hbm>>) dst(%arg6 : memref<32x768xf32, #tpu.memory_space<vmem>>)
        %mul3A_133 = arith.constant 32 : i32
        %mul3A_134 = arith.muli %scan3A_52, %mul3A_133 : i32
        %add3A_135 = arith.addi %mul3A_2, %mul3A_134 : i32
        %dma_start3A_136 = arith.constant 0 : i32
        %dma_start3A_137 = tpu.memref_slice %arg4[%add3A_135, %dma_start3A_136] : memref<6144x768xf32, #tpu.memory_space<hbm>> -> memref<32x768xf32, #tpu.memory_space<hbm>>
        %dma_start3A_138 = arith.constant 0 : i32
        %dma_start3A_139 = tpu.memref_slice %arg4[%add3A_135, %dma_start3A_138] : memref<6144x768xf32, #tpu.memory_space<hbm>> -> memref<32x768xf32, #tpu.memory_space<hbm>>
        tpu.enqueue_dma source(%arg6 : memref<32x768xf32, #tpu.memory_space<vmem>>) target(%dma_start3A_139 : memref<32x768xf32, #tpu.memory_space<hbm>>) target_semaphore(%arg14 : memref<!tpu.dma_semaphore, #tpu.memory_space<semaphore_mem>>)
        %add3A_140 = arith.constant 4 : i32
        %add3A_141 = arith.addi %scan3A_52, %add3A_140 : i32
        %lt3A_142 = arith.constant 6 : i32
        %lt3A_143 = arith.cmpi slt, %add3A_141, %lt3A_142 : i32
        %convert_element_type3A_144 = arith.extui %lt3A_143 : i1 to i32
        %cond3A_145 = arith.constant 0 : i32
        %cond3A_146 = arith.cmpi ne, %convert_element_type3A_144, %cond3A_145 : i32
        scf.if %cond3A_146 {
          %dma_wait3A_147 = arith.constant 0 : i32
          %dma_wait3A_148 = tpu.memref_slice %arg4[%mul3A_2, %dma_wait3A_147] : memref<6144x768xf32, #tpu.memory_space<hbm>> -> memref<32x768xf32, #tpu.memory_space<hbm>>
          %dma_wait3A_149 = arith.constant 0 : i32
          %dma_wait3A_150 = tpu.memref_slice %arg4[%mul3A_2, %dma_wait3A_149] : memref<6144x768xf32, #tpu.memory_space<hbm>> -> memref<32x768xf32, #tpu.memory_space<hbm>>
          tpu.wait_dma2 semaphore(%arg14 : memref<!tpu.dma_semaphore, #tpu.memory_space<semaphore_mem>>) src(%arg6 : memref<32x768xf32, #tpu.memory_space<vmem>>) dst(%dma_wait3A_150 : memref<32x768xf32, #tpu.memory_space<hbm>>)
          %add3A_151 = arith.constant 4 : i32
          %add3A_152 = arith.addi %scan3A_52, %add3A_151 : i32
          %mul3A_153 = arith.constant 32 : i32
          %mul3A_154 = arith.muli %add3A_152, %mul3A_153 : i32
          %dma_start3A_155 = tpu.memref_slice %arg5[%mul3A_154] : memref<192xi32, #tpu.memory_space<vmem>> -> memref<32xi32, #tpu.memory_space<vmem>>
          %dma_start3A_156 = arith.constant 0 : i32
          %dma_start3A_157 = arith.constant 0 : i32
          %dma_start3A_158 = tpu.memref_slice %arg2[%dma_start3A_156, %dma_start3A_157] : memref<2048x768xf32, #tpu.memory_space<hbm>> -> memref<2048x768xf32, #tpu.memory_space<hbm>>
          tpu.enqueue_indirect_dma source(%dma_start3A_158 : memref<2048x768xf32, #tpu.memory_space<hbm>>) target(%arg6 : memref<32x768xf32, #tpu.memory_space<vmem>>) offsets(%dma_start3A_155 : memref<32xi32, #tpu.memory_space<vmem>>) semaphore(%arg10 : memref<!tpu.dma_semaphore, #tpu.memory_space<semaphore_mem>>)
        } else {
        }
      } else {
      }
      %jit3A_65 = arith.constant 4 : i32
      %eq3A_66 = arith.constant 0 : i32
      %eq3A_67 = arith.cmpi eq, %jit3A_65, %eq3A_66 : i32
      %jit3A_68 = arith.constant 1 : i32
      %select_n3A_69 = arith.select %eq3A_67, %jit3A_68, %jit3A_65 : i32
      %rem3A_70 = arith.remsi %scan3A_52, %select_n3A_69 : i32
      %ne3A_71 = arith.constant 0 : i32
      %ne3A_72 = arith.cmpi ne, %rem3A_70, %ne3A_71 : i32
      %lt3A_73 = arith.constant 0 : i32
      %lt3A_74 = arith.cmpi slt, %rem3A_70, %lt3A_73 : i32
      %lt3A_75 = arith.constant 0 : i32
      %lt3A_76 = arith.cmpi slt, %select_n3A_69, %lt3A_75 : i32
      %ne3A_77 = arith.xori %lt3A_74, %lt3A_76 : i1
      %and3A_78 = arith.andi %ne3A_77, %ne3A_72 : i1
      %add3A_79 = arith.addi %rem3A_70, %select_n3A_69 : i32
      %select_n3A_80 = arith.select %and3A_78, %add3A_79, %rem3A_70 : i32
      %eq3A_81 = arith.constant 1 : i32
      %eq3A_82 = arith.cmpi eq, %select_n3A_80, %eq3A_81 : i32
      %convert_element_type3A_83 = arith.extui %eq3A_82 : i1 to i32
      %cond3A_84 = arith.constant 0 : i32
      %cond3A_85 = arith.cmpi ne, %convert_element_type3A_83, %cond3A_84 : i32
      scf.if %cond3A_85 {
        %dma_wait3A_128 = arith.constant 0 : i32
        %dma_wait3A_129 = tpu.memref_slice %arg5[%dma_wait3A_128] : memref<192xi32, #tpu.memory_space<vmem>> -> memref<32xi32, #tpu.memory_space<vmem>>
        %dma_wait3A_130 = arith.constant 0 : i32
        %dma_wait3A_131 = arith.constant 0 : i32
        %dma_wait3A_132 = tpu.memref_slice %arg2[%dma_wait3A_130, %dma_wait3A_131] : memref<2048x768xf32, #tpu.memory_space<hbm>> -> memref<2048x768xf32, #tpu.memory_space<hbm>>
        tpu.wait_indirect_dma semaphore(%arg11 : memref<!tpu.dma_semaphore, #tpu.memory_space<semaphore_mem>>) src(%dma_wait3A_132 : memref<2048x768xf32, #tpu.memory_space<hbm>>) dst(%arg7 : memref<32x768xf32, #tpu.memory_space<vmem>>)
        %mul3A_133 = arith.constant 32 : i32
        %mul3A_134 = arith.muli %scan3A_52, %mul3A_133 : i32
        %add3A_135 = arith.addi %mul3A_2, %mul3A_134 : i32
        %dma_start3A_136 = arith.constant 0 : i32
        %dma_start3A_137 = tpu.memref_slice %arg4[%add3A_135, %dma_start3A_136] : memref<6144x768xf32, #tpu.memory_space<hbm>> -> memref<32x768xf32, #tpu.memory_space<hbm>>
        %dma_start3A_138 = arith.constant 0 : i32
        %dma_start3A_139 = tpu.memref_slice %arg4[%add3A_135, %dma_start3A_138] : memref<6144x768xf32, #tpu.memory_space<hbm>> -> memref<32x768xf32, #tpu.memory_space<hbm>>
        tpu.enqueue_dma source(%arg7 : memref<32x768xf32, #tpu.memory_space<vmem>>) target(%dma_start3A_139 : memref<32x768xf32, #tpu.memory_space<hbm>>) target_semaphore(%arg15 : memref<!tpu.dma_semaphore, #tpu.memory_space<semaphore_mem>>)
        %add3A_140 = arith.constant 4 : i32
        %add3A_141 = arith.addi %scan3A_52, %add3A_140 : i32
        %lt3A_142 = arith.constant 6 : i32
        %lt3A_143 = arith.cmpi slt, %add3A_141, %lt3A_142 : i32
        %convert_element_type3A_144 = arith.extui %lt3A_143 : i1 to i32
        %cond3A_145 = arith.constant 0 : i32
        %cond3A_146 = arith.cmpi ne, %convert_element_type3A_144, %cond3A_145 : i32
        scf.if %cond3A_146 {
          %dma_wait3A_147 = arith.constant 0 : i32
          %dma_wait3A_148 = tpu.memref_slice %arg4[%mul3A_2, %dma_wait3A_147] : memref<6144x768xf32, #tpu.memory_space<hbm>> -> memref<32x768xf32, #tpu.memory_space<hbm>>
          %dma_wait3A_149 = arith.constant 0 : i32
          %dma_wait3A_150 = tpu.memref_slice %arg4[%mul3A_2, %dma_wait3A_149] : memref<6144x768xf32, #tpu.memory_space<hbm>> -> memref<32x768xf32, #tpu.memory_space<hbm>>
          tpu.wait_dma2 semaphore(%arg15 : memref<!tpu.dma_semaphore, #tpu.memory_space<semaphore_mem>>) src(%arg7 : memref<32x768xf32, #tpu.memory_space<vmem>>) dst(%dma_wait3A_150 : memref<32x768xf32, #tpu.memory_space<hbm>>)
          %add3A_151 = arith.constant 4 : i32
          %add3A_152 = arith.addi %scan3A_52, %add3A_151 : i32
          %mul3A_153 = arith.constant 32 : i32
          %mul3A_154 = arith.muli %add3A_152, %mul3A_153 : i32
          %dma_start3A_155 = tpu.memref_slice %arg5[%mul3A_154] : memref<192xi32, #tpu.memory_space<vmem>> -> memref<32xi32, #tpu.memory_space<vmem>>
          %dma_start3A_156 = arith.constant 0 : i32
          %dma_start3A_157 = arith.constant 0 : i32
          %dma_start3A_158 = tpu.memref_slice %arg2[%dma_start3A_156, %dma_start3A_157] : memref<2048x768xf32, #tpu.memory_space<hbm>> -> memref<2048x768xf32, #tpu.memory_space<hbm>>
          tpu.enqueue_indirect_dma source(%dma_start3A_158 : memref<2048x768xf32, #tpu.memory_space<hbm>>) target(%arg7 : memref<32x768xf32, #tpu.memory_space<vmem>>) offsets(%dma_start3A_155 : memref<32xi32, #tpu.memory_space<vmem>>) semaphore(%arg11 : memref<!tpu.dma_semaphore, #tpu.memory_space<semaphore_mem>>)
        } else {
        }
      } else {
      }
      %jit3A_86 = arith.constant 4 : i32
      %eq3A_87 = arith.constant 0 : i32
      %eq3A_88 = arith.cmpi eq, %jit3A_86, %eq3A_87 : i32
      %jit3A_89 = arith.constant 1 : i32
      %select_n3A_90 = arith.select %eq3A_88, %jit3A_89, %jit3A_86 : i32
      %rem3A_91 = arith.remsi %scan3A_52, %select_n3A_90 : i32
      %ne3A_92 = arith.constant 0 : i32
      %ne3A_93 = arith.cmpi ne, %rem3A_91, %ne3A_92 : i32
      %lt3A_94 = arith.constant 0 : i32
      %lt3A_95 = arith.cmpi slt, %rem3A_91, %lt3A_94 : i32
      %lt3A_96 = arith.constant 0 : i32
      %lt3A_97 = arith.cmpi slt, %select_n3A_90, %lt3A_96 : i32
      %ne3A_98 = arith.xori %lt3A_95, %lt3A_97 : i1
      %and3A_99 = arith.andi %ne3A_98, %ne3A_93 : i1
      %add3A_100 = arith.addi %rem3A_91, %select_n3A_90 : i32
      %select_n3A_101 = arith.select %and3A_99, %add3A_100, %rem3A_91 : i32
      %eq3A_102 = arith.constant 2 : i32
      %eq3A_103 = arith.cmpi eq, %select_n3A_101, %eq3A_102 : i32
      %convert_element_type3A_104 = arith.extui %eq3A_103 : i1 to i32
      %cond3A_105 = arith.constant 0 : i32
      %cond3A_106 = arith.cmpi ne, %convert_element_type3A_104, %cond3A_105 : i32
      scf.if %cond3A_106 {
        %dma_wait3A_128 = arith.constant 0 : i32
        %dma_wait3A_129 = tpu.memref_slice %arg5[%dma_wait3A_128] : memref<192xi32, #tpu.memory_space<vmem>> -> memref<32xi32, #tpu.memory_space<vmem>>
        %dma_wait3A_130 = arith.constant 0 : i32
        %dma_wait3A_131 = arith.constant 0 : i32
        %dma_wait3A_132 = tpu.memref_slice %arg2[%dma_wait3A_130, %dma_wait3A_131] : memref<2048x768xf32, #tpu.memory_space<hbm>> -> memref<2048x768xf32, #tpu.memory_space<hbm>>
        tpu.wait_indirect_dma semaphore(%arg12 : memref<!tpu.dma_semaphore, #tpu.memory_space<semaphore_mem>>) src(%dma_wait3A_132 : memref<2048x768xf32, #tpu.memory_space<hbm>>) dst(%arg8 : memref<32x768xf32, #tpu.memory_space<vmem>>)
        %mul3A_133 = arith.constant 32 : i32
        %mul3A_134 = arith.muli %scan3A_52, %mul3A_133 : i32
        %add3A_135 = arith.addi %mul3A_2, %mul3A_134 : i32
        %dma_start3A_136 = arith.constant 0 : i32
        %dma_start3A_137 = tpu.memref_slice %arg4[%add3A_135, %dma_start3A_136] : memref<6144x768xf32, #tpu.memory_space<hbm>> -> memref<32x768xf32, #tpu.memory_space<hbm>>
        %dma_start3A_138 = arith.constant 0 : i32
        %dma_start3A_139 = tpu.memref_slice %arg4[%add3A_135, %dma_start3A_138] : memref<6144x768xf32, #tpu.memory_space<hbm>> -> memref<32x768xf32, #tpu.memory_space<hbm>>
        tpu.enqueue_dma source(%arg8 : memref<32x768xf32, #tpu.memory_space<vmem>>) target(%dma_start3A_139 : memref<32x768xf32, #tpu.memory_space<hbm>>) target_semaphore(%arg16 : memref<!tpu.dma_semaphore, #tpu.memory_space<semaphore_mem>>)
        %add3A_140 = arith.constant 4 : i32
        %add3A_141 = arith.addi %scan3A_52, %add3A_140 : i32
        %lt3A_142 = arith.constant 6 : i32
        %lt3A_143 = arith.cmpi slt, %add3A_141, %lt3A_142 : i32
        %convert_element_type3A_144 = arith.extui %lt3A_143 : i1 to i32
        %cond3A_145 = arith.constant 0 : i32
        %cond3A_146 = arith.cmpi ne, %convert_element_type3A_144, %cond3A_145 : i32
        scf.if %cond3A_146 {
          %dma_wait3A_147 = arith.constant 0 : i32
          %dma_wait3A_148 = tpu.memref_slice %arg4[%mul3A_2, %dma_wait3A_147] : memref<6144x768xf32, #tpu.memory_space<hbm>> -> memref<32x768xf32, #tpu.memory_space<hbm>>
          %dma_wait3A_149 = arith.constant 0 : i32
          %dma_wait3A_150 = tpu.memref_slice %arg4[%mul3A_2, %dma_wait3A_149] : memref<6144x768xf32, #tpu.memory_space<hbm>> -> memref<32x768xf32, #tpu.memory_space<hbm>>
          tpu.wait_dma2 semaphore(%arg16 : memref<!tpu.dma_semaphore, #tpu.memory_space<semaphore_mem>>) src(%arg8 : memref<32x768xf32, #tpu.memory_space<vmem>>) dst(%dma_wait3A_150 : memref<32x768xf32, #tpu.memory_space<hbm>>)
          %add3A_151 = arith.constant 4 : i32
          %add3A_152 = arith.addi %scan3A_52, %add3A_151 : i32
          %mul3A_153 = arith.constant 32 : i32
          %mul3A_154 = arith.muli %add3A_152, %mul3A_153 : i32
          %dma_start3A_155 = tpu.memref_slice %arg5[%mul3A_154] : memref<192xi32, #tpu.memory_space<vmem>> -> memref<32xi32, #tpu.memory_space<vmem>>
          %dma_start3A_156 = arith.constant 0 : i32
          %dma_start3A_157 = arith.constant 0 : i32
          %dma_start3A_158 = tpu.memref_slice %arg2[%dma_start3A_156, %dma_start3A_157] : memref<2048x768xf32, #tpu.memory_space<hbm>> -> memref<2048x768xf32, #tpu.memory_space<hbm>>
          tpu.enqueue_indirect_dma source(%dma_start3A_158 : memref<2048x768xf32, #tpu.memory_space<hbm>>) target(%arg8 : memref<32x768xf32, #tpu.memory_space<vmem>>) offsets(%dma_start3A_155 : memref<32xi32, #tpu.memory_space<vmem>>) semaphore(%arg12 : memref<!tpu.dma_semaphore, #tpu.memory_space<semaphore_mem>>)
        } else {
        }
      } else {
      }
      %jit3A_107 = arith.constant 4 : i32
      %eq3A_108 = arith.constant 0 : i32
      %eq3A_109 = arith.cmpi eq, %jit3A_107, %eq3A_108 : i32
      %jit3A_110 = arith.constant 1 : i32
      %select_n3A_111 = arith.select %eq3A_109, %jit3A_110, %jit3A_107 : i32
      %rem3A_112 = arith.remsi %scan3A_52, %select_n3A_111 : i32
      %ne3A_113 = arith.constant 0 : i32
      %ne3A_114 = arith.cmpi ne, %rem3A_112, %ne3A_113 : i32
      %lt3A_115 = arith.constant 0 : i32
      %lt3A_116 = arith.cmpi slt, %rem3A_112, %lt3A_115 : i32
      %lt3A_117 = arith.constant 0 : i32
      %lt3A_118 = arith.cmpi slt, %select_n3A_111, %lt3A_117 : i32
      %ne3A_119 = arith.xori %lt3A_116, %lt3A_118 : i1
      %and3A_120 = arith.andi %ne3A_119, %ne3A_114 : i1
      %add3A_121 = arith.addi %rem3A_112, %select_n3A_111 : i32
      %select_n3A_122 = arith.select %and3A_120, %add3A_121, %rem3A_112 : i32
      %eq3A_123 = arith.constant 3 : i32
      %eq3A_124 = arith.cmpi eq, %select_n3A_122, %eq3A_123 : i32
      %convert_element_type3A_125 = arith.extui %eq3A_124 : i1 to i32
      %cond3A_126 = arith.constant 0 : i32
      %cond3A_127 = arith.cmpi ne, %convert_element_type3A_125, %cond3A_126 : i32
      scf.if %cond3A_127 {
        %dma_wait3A_128 = arith.constant 0 : i32
        %dma_wait3A_129 = tpu.memref_slice %arg5[%dma_wait3A_128] : memref<192xi32, #tpu.memory_space<vmem>> -> memref<32xi32, #tpu.memory_space<vmem>>
        %dma_wait3A_130 = arith.constant 0 : i32
        %dma_wait3A_131 = arith.constant 0 : i32
        %dma_wait3A_132 = tpu.memref_slice %arg2[%dma_wait3A_130, %dma_wait3A_131] : memref<2048x768xf32, #tpu.memory_space<hbm>> -> memref<2048x768xf32, #tpu.memory_space<hbm>>
        tpu.wait_indirect_dma semaphore(%arg13 : memref<!tpu.dma_semaphore, #tpu.memory_space<semaphore_mem>>) src(%dma_wait3A_132 : memref<2048x768xf32, #tpu.memory_space<hbm>>) dst(%arg9 : memref<32x768xf32, #tpu.memory_space<vmem>>)
        %mul3A_133 = arith.constant 32 : i32
        %mul3A_134 = arith.muli %scan3A_52, %mul3A_133 : i32
        %add3A_135 = arith.addi %mul3A_2, %mul3A_134 : i32
        %dma_start3A_136 = arith.constant 0 : i32
        %dma_start3A_137 = tpu.memref_slice %arg4[%add3A_135, %dma_start3A_136] : memref<6144x768xf32, #tpu.memory_space<hbm>> -> memref<32x768xf32, #tpu.memory_space<hbm>>
        %dma_start3A_138 = arith.constant 0 : i32
        %dma_start3A_139 = tpu.memref_slice %arg4[%add3A_135, %dma_start3A_138] : memref<6144x768xf32, #tpu.memory_space<hbm>> -> memref<32x768xf32, #tpu.memory_space<hbm>>
        tpu.enqueue_dma source(%arg9 : memref<32x768xf32, #tpu.memory_space<vmem>>) target(%dma_start3A_139 : memref<32x768xf32, #tpu.memory_space<hbm>>) target_semaphore(%arg17 : memref<!tpu.dma_semaphore, #tpu.memory_space<semaphore_mem>>)
        %add3A_140 = arith.constant 4 : i32
        %add3A_141 = arith.addi %scan3A_52, %add3A_140 : i32
        %lt3A_142 = arith.constant 6 : i32
        %lt3A_143 = arith.cmpi slt, %add3A_141, %lt3A_142 : i32
        %convert_element_type3A_144 = arith.extui %lt3A_143 : i1 to i32
        %cond3A_145 = arith.constant 0 : i32
        %cond3A_146 = arith.cmpi ne, %convert_element_type3A_144, %cond3A_145 : i32
        scf.if %cond3A_146 {
          %dma_wait3A_147 = arith.constant 0 : i32
          %dma_wait3A_148 = tpu.memref_slice %arg4[%mul3A_2, %dma_wait3A_147] : memref<6144x768xf32, #tpu.memory_space<hbm>> -> memref<32x768xf32, #tpu.memory_space<hbm>>
          %dma_wait3A_149 = arith.constant 0 : i32
          %dma_wait3A_150 = tpu.memref_slice %arg4[%mul3A_2, %dma_wait3A_149] : memref<6144x768xf32, #tpu.memory_space<hbm>> -> memref<32x768xf32, #tpu.memory_space<hbm>>
          tpu.wait_dma2 semaphore(%arg17 : memref<!tpu.dma_semaphore, #tpu.memory_space<semaphore_mem>>) src(%arg9 : memref<32x768xf32, #tpu.memory_space<vmem>>) dst(%dma_wait3A_150 : memref<32x768xf32, #tpu.memory_space<hbm>>)
          %add3A_151 = arith.constant 4 : i32
          %add3A_152 = arith.addi %scan3A_52, %add3A_151 : i32
          %mul3A_153 = arith.constant 32 : i32
          %mul3A_154 = arith.muli %add3A_152, %mul3A_153 : i32
          %dma_start3A_155 = tpu.memref_slice %arg5[%mul3A_154] : memref<192xi32, #tpu.memory_space<vmem>> -> memref<32xi32, #tpu.memory_space<vmem>>
          %dma_start3A_156 = arith.constant 0 : i32
          %dma_start3A_157 = arith.constant 0 : i32
          %dma_start3A_158 = tpu.memref_slice %arg2[%dma_start3A_156, %dma_start3A_157] : memref<2048x768xf32, #tpu.memory_space<hbm>> -> memref<2048x768xf32, #tpu.memory_space<hbm>>
          tpu.enqueue_indirect_dma source(%dma_start3A_158 : memref<2048x768xf32, #tpu.memory_space<hbm>>) target(%arg9 : memref<32x768xf32, #tpu.memory_space<vmem>>) offsets(%dma_start3A_155 : memref<32xi32, #tpu.memory_space<vmem>>) semaphore(%arg13 : memref<!tpu.dma_semaphore, #tpu.memory_space<semaphore_mem>>)
        } else {
        }
      } else {
      }
    }
    %scan3A_28 = arith.constant 6 : i32
    %dma_wait3A = arith.constant 0 : i32
    %dma_wait3A_29 = arith.constant 0 : i32
    %dma_wait3A_30 = tpu.memref_slice %arg4[%dma_wait3A, %dma_wait3A_29] : memref<6144x768xf32, #tpu.memory_space<hbm>> -> memref<32x768xf32, #tpu.memory_space<hbm>>
    %dma_wait3A_31 = arith.constant 0 : i32
    %dma_wait3A_32 = arith.constant 0 : i32
    %dma_wait3A_33 = tpu.memref_slice %arg4[%dma_wait3A_31, %dma_wait3A_32] : memref<6144x768xf32, #tpu.memory_space<hbm>> -> memref<32x768xf32, #tpu.memory_space<hbm>>
    tpu.wait_dma2 semaphore(%arg14 : memref<!tpu.dma_semaphore, #tpu.memory_space<semaphore_mem>>) src(%arg6 : memref<32x768xf32, #tpu.memory_space<vmem>>) dst(%dma_wait3A_33 : memref<32x768xf32, #tpu.memory_space<hbm>>)
    %dma_wait3A_34 = arith.constant 0 : i32
    %dma_wait3A_35 = arith.constant 0 : i32
    %dma_wait3A_36 = tpu.memref_slice %arg4[%dma_wait3A_34, %dma_wait3A_35] : memref<6144x768xf32, #tpu.memory_space<hbm>> -> memref<32x768xf32, #tpu.memory_space<hbm>>
    %dma_wait3A_37 = arith.constant 0 : i32
    %dma_wait3A_38 = arith.constant 0 : i32
    %dma_wait3A_39 = tpu.memref_slice %arg4[%dma_wait3A_37, %dma_wait3A_38] : memref<6144x768xf32, #tpu.memory_space<hbm>> -> memref<32x768xf32, #tpu.memory_space<hbm>>
    tpu.wait_dma2 semaphore(%arg15 : memref<!tpu.dma_semaphore, #tpu.memory_space<semaphore_mem>>) src(%arg7 : memref<32x768xf32, #tpu.memory_space<vmem>>) dst(%dma_wait3A_39 : memref<32x768xf32, #tpu.memory_space<hbm>>)
    %dma_wait3A_40 = arith.constant 0 : i32
    %dma_wait3A_41 = arith.constant 0 : i32
    %dma_wait3A_42 = tpu.memref_slice %arg4[%dma_wait3A_40, %dma_wait3A_41] : memref<6144x768xf32, #tpu.memory_space<hbm>> -> memref<32x768xf32, #tpu.memory_space<hbm>>
    %dma_wait3A_43 = arith.constant 0 : i32
    %dma_wait3A_44 = arith.constant 0 : i32
    %dma_wait3A_45 = tpu.memref_slice %arg4[%dma_wait3A_43, %dma_wait3A_44] : memref<6144x768xf32, #tpu.memory_space<hbm>> -> memref<32x768xf32, #tpu.memory_space<hbm>>
    tpu.wait_dma2 semaphore(%arg16 : memref<!tpu.dma_semaphore, #tpu.memory_space<semaphore_mem>>) src(%arg8 : memref<32x768xf32, #tpu.memory_space<vmem>>) dst(%dma_wait3A_45 : memref<32x768xf32, #tpu.memory_space<hbm>>)
    %dma_wait3A_46 = arith.constant 0 : i32
    %dma_wait3A_47 = arith.constant 0 : i32
    %dma_wait3A_48 = tpu.memref_slice %arg4[%dma_wait3A_46, %dma_wait3A_47] : memref<6144x768xf32, #tpu.memory_space<hbm>> -> memref<32x768xf32, #tpu.memory_space<hbm>>
    %dma_wait3A_49 = arith.constant 0 : i32
    %dma_wait3A_50 = arith.constant 0 : i32
    %dma_wait3A_51 = tpu.memref_slice %arg4[%dma_wait3A_49, %dma_wait3A_50] : memref<6144x768xf32, #tpu.memory_space<hbm>> -> memref<32x768xf32, #tpu.memory_space<hbm>>
    tpu.wait_dma2 semaphore(%arg17 : memref<!tpu.dma_semaphore, #tpu.memory_space<semaphore_mem>>) src(%arg9 : memref<32x768xf32, #tpu.memory_space<vmem>>) dst(%dma_wait3A_51 : memref<32x768xf32, #tpu.memory_space<hbm>>)
    return
  }
}

module attributes {stable_mosaic.version = 14 : i64} {
  func.func @_router_plan_body(%arg0: memref<2048x768xf32, #tpu.memory_space<vmem>>, %arg1: memref<1x768xf32, #tpu.memory_space<vmem>>, %arg2: memref<1x64xf32, #tpu.memory_space<vmem>>, %arg3: memref<64x768xf32, #tpu.memory_space<vmem>>, %arg4: memref<2x2048xi32, #tpu.memory_space<vmem>>, %arg5: memref<2x2048xf32, #tpu.memory_space<vmem>>, %arg6: memref<1x128xi32, #tpu.memory_space<vmem>>, %arg7: memref<1x1xi32, #tpu.memory_space<vmem>>) attributes {dimension_semantics = [], scalar_prefetch = 0 : i64, scratch_operands = 0 : i64, tpu.core_type = #tpu.core_type<tc>} {
    %get3A = arith.constant 0 : index
    %get3A_0 = arith.constant 0 : index
    %get3A_1 = vector.load %arg0[%get3A, %get3A_0] : memref<2048x768xf32, #tpu.memory_space<vmem>>, vector<2048x768xf32>
    %mul3A = arith.mulf %get3A_1, %get3A_1 : vector<2048x768xf32>
    %reduce_sum3A = arith.constant dense<0.000000e+00> : vector<2048xf32>
    %reduce_sum3A_2 = vector.multi_reduction <add>, %mul3A, %reduce_sum3A [1] : vector<2048x768xf32> to vector<2048xf32>
    %broadcast_in_dim3A = vector.shape_cast %reduce_sum3A_2 : vector<2048xf32> to vector<2048x1xf32>
    %div3A = arith.constant 7.680000e+02 : f32
    %div3A_3 = vector.broadcast %div3A : f32 to vector<2048x1xf32>
    %div3A_4 = arith.divf %broadcast_in_dim3A, %div3A_3 : vector<2048x1xf32>
    %add3A = arith.constant 9.99999997E-7 : f32
    %add3A_5 = vector.broadcast %add3A : f32 to vector<2048x1xf32>
    %add3A_6 = arith.addf %div3A_4, %add3A_5 : vector<2048x1xf32>
    %rsqrt3A = math.rsqrt %add3A_6 : vector<2048x1xf32>
    %mul3A_7 = vector.broadcast %rsqrt3A : vector<2048x1xf32> to vector<2048x768xf32>
    %mul3A_8 = arith.mulf %get3A_1, %mul3A_7 : vector<2048x768xf32>
    %get3A_9 = arith.constant 0 : index
    %get3A_10 = arith.constant 0 : index
    %get3A_11 = vector.load %arg1[%get3A_9, %get3A_10] : memref<1x768xf32, #tpu.memory_space<vmem>>, vector<1x768xf32>
    %mul3A_12 = vector.broadcast %get3A_11 : vector<1x768xf32> to vector<2048x768xf32>
    %mul3A_13 = arith.mulf %mul3A_8, %mul3A_12 : vector<2048x768xf32>
    %mul3A_14 = arith.constant 0.0360843912 : f32
    %mul3A_15 = vector.broadcast %mul3A_14 : f32 to vector<2048x768xf32>
    %mul3A_16 = arith.mulf %mul3A_13, %mul3A_15 : vector<2048x768xf32>
    %get3A_17 = arith.constant 0 : index
    %get3A_18 = arith.constant 0 : index
    %get3A_19 = vector.load %arg3[%get3A_17, %get3A_18] : memref<64x768xf32, #tpu.memory_space<vmem>>, vector<64x768xf32>
    %dot_general3A = arith.constant dense<0.000000e+00> : vector<2048x64xf32>
    %dot_general3A_20 = tpu.matmul %mul3A_16, %get3A_19, %dot_general3A {dimension_numbers = #tpu.dot_dimension_numbers<[1], [1], [0], [0], [0, 0, 1, 0], [], []>, transpose_lhs_hint = false} : vector<2048x768xf32>, vector<64x768xf32>, vector<2048x64xf32> -> vector<2048x64xf32>
    %reduce_max3A = arith.constant dense<0xFF800000> : vector<2048xf32>
    %reduce_max3A_21 = vector.multi_reduction <maximumf>, %dot_general3A_20, %reduce_max3A [1] : vector<2048x64xf32> to vector<2048xf32>
    %broadcast_in_dim3A_22 = vector.shape_cast %reduce_max3A_21 : vector<2048xf32> to vector<2048x1xf32>
    %sub3A = vector.broadcast %broadcast_in_dim3A_22 : vector<2048x1xf32> to vector<2048x64xf32>
    %sub3A_23 = arith.subf %dot_general3A_20, %sub3A : vector<2048x64xf32>
    %exp3A = math.exp %sub3A_23 : vector<2048x64xf32>
    %reduce_sum3A_24 = arith.constant dense<0.000000e+00> : vector<2048xf32>
    %reduce_sum3A_25 = vector.multi_reduction <add>, %exp3A, %reduce_sum3A_24 [1] : vector<2048x64xf32> to vector<2048xf32>
    %broadcast_in_dim3A_26 = vector.shape_cast %reduce_sum3A_25 : vector<2048xf32> to vector<2048x1xf32>
    %div3A_27 = vector.broadcast %broadcast_in_dim3A_26 : vector<2048x1xf32> to vector<2048x64xf32>
    %div3A_28 = arith.divf %exp3A, %div3A_27 : vector<2048x64xf32>
    %iota3A = tpu.iota {dimensions = array<i32: 1>} : vector<2048x64xi32>
    %reduce_max3A_29 = arith.constant dense<0xFF800000> : vector<2048xf32>
    %reduce_max3A_30 = vector.multi_reduction <maximumf>, %dot_general3A_20, %reduce_max3A_29 [1] : vector<2048x64xf32> to vector<2048xf32>
    %broadcast_in_dim3A_31 = vector.shape_cast %reduce_max3A_30 : vector<2048xf32> to vector<2048x1xf32>
    %eq3A = vector.broadcast %broadcast_in_dim3A_31 : vector<2048x1xf32> to vector<2048x64xf32>
    %eq3A_32 = arith.cmpf oeq, %dot_general3A_20, %eq3A : vector<2048x64xf32>
    %jit3A = arith.constant 64 : i32
    %broadcast_in_dim3A_33 = vector.broadcast %jit3A : i32 to vector<2048x64xi32>
    %select_n3A = arith.select %eq3A_32, %iota3A, %broadcast_in_dim3A_33 : vector<2048x64xi1>, vector<2048x64xi32>
    %reduce_min3A = arith.constant dense<2147483647> : vector<2048xi32>
    %reduce_min3A_34 = vector.multi_reduction <minsi>, %select_n3A, %reduce_min3A [1] : vector<2048x64xi32> to vector<2048xi32>
    %broadcast_in_dim3A_35 = vector.shape_cast %reduce_min3A_34 : vector<2048xi32> to vector<2048x1xi32>
    %eq3A_36 = vector.broadcast %broadcast_in_dim3A_35 : vector<2048x1xi32> to vector<2048x64xi32>
    %eq3A_37 = arith.cmpi eq, %iota3A, %eq3A_36 : vector<2048x64xi32>
    %jit3A_38 = arith.constant 0xFF800000 : f32
    %broadcast_in_dim3A_39 = vector.broadcast %jit3A_38 : f32 to vector<2048x64xf32>
    %select_n3A_40 = arith.select %eq3A_37, %broadcast_in_dim3A_39, %dot_general3A_20 : vector<2048x64xi1>, vector<2048x64xf32>
    %reduce_max3A_41 = arith.constant dense<0xFF800000> : vector<2048xf32>
    %reduce_max3A_42 = vector.multi_reduction <maximumf>, %select_n3A_40, %reduce_max3A_41 [1] : vector<2048x64xf32> to vector<2048xf32>
    %broadcast_in_dim3A_43 = vector.shape_cast %reduce_max3A_42 : vector<2048xf32> to vector<2048x1xf32>
    %eq3A_44 = vector.broadcast %broadcast_in_dim3A_43 : vector<2048x1xf32> to vector<2048x64xf32>
    %eq3A_45 = arith.cmpf oeq, %select_n3A_40, %eq3A_44 : vector<2048x64xf32>
    %jit3A_46 = arith.constant 64 : i32
    %broadcast_in_dim3A_47 = vector.broadcast %jit3A_46 : i32 to vector<2048x64xi32>
    %select_n3A_48 = arith.select %eq3A_45, %iota3A, %broadcast_in_dim3A_47 : vector<2048x64xi1>, vector<2048x64xi32>
    %reduce_min3A_49 = arith.constant dense<2147483647> : vector<2048xi32>
    %reduce_min3A_50 = vector.multi_reduction <minsi>, %select_n3A_48, %reduce_min3A_49 [1] : vector<2048x64xi32> to vector<2048xi32>
    %broadcast_in_dim3A_51 = vector.shape_cast %reduce_min3A_50 : vector<2048xi32> to vector<2048x1xi32>
    %eq3A_52 = vector.broadcast %broadcast_in_dim3A_35 : vector<2048x1xi32> to vector<2048x64xi32>
    %eq3A_53 = arith.cmpi eq, %iota3A, %eq3A_52 : vector<2048x64xi32>
    %convert_element_type3A = arith.extui %eq3A_53 : vector<2048x64xi1> to vector<2048x64xi32>
    %convert_element_type3A_54 = arith.sitofp %convert_element_type3A : vector<2048x64xi32> to vector<2048x64xf32>
    %eq3A_55 = vector.broadcast %broadcast_in_dim3A_51 : vector<2048x1xi32> to vector<2048x64xi32>
    %eq3A_56 = arith.cmpi eq, %iota3A, %eq3A_55 : vector<2048x64xi32>
    %convert_element_type3A_57 = arith.extui %eq3A_56 : vector<2048x64xi1> to vector<2048x64xi32>
    %convert_element_type3A_58 = arith.sitofp %convert_element_type3A_57 : vector<2048x64xi32> to vector<2048x64xf32>
    %get3A_59 = arith.constant 0 : index
    %get3A_60 = arith.constant 0 : index
    %get3A_61 = vector.load %arg2[%get3A_59, %get3A_60] : memref<1x64xf32, #tpu.memory_space<vmem>>, vector<1x64xf32>
    %mul3A_62 = arith.mulf %convert_element_type3A_54, %div3A_28 : vector<2048x64xf32>
    %reduce_sum3A_63 = arith.constant dense<0.000000e+00> : vector<2048xf32>
    %reduce_sum3A_64 = vector.multi_reduction <add>, %mul3A_62, %reduce_sum3A_63 [1] : vector<2048x64xf32> to vector<2048xf32>
    %broadcast_in_dim3A_65 = vector.shape_cast %reduce_sum3A_64 : vector<2048xf32> to vector<2048x1xf32>
    %mul3A_66 = arith.mulf %convert_element_type3A_58, %div3A_28 : vector<2048x64xf32>
    %reduce_sum3A_67 = arith.constant dense<0.000000e+00> : vector<2048xf32>
    %reduce_sum3A_68 = vector.multi_reduction <add>, %mul3A_66, %reduce_sum3A_67 [1] : vector<2048x64xf32> to vector<2048xf32>
    %broadcast_in_dim3A_69 = vector.shape_cast %reduce_sum3A_68 : vector<2048xf32> to vector<2048x1xf32>
    %add3A_70 = arith.addf %broadcast_in_dim3A_65, %broadcast_in_dim3A_69 : vector<2048x1xf32>
    %div3A_71 = arith.divf %broadcast_in_dim3A_65, %add3A_70 : vector<2048x1xf32>
    %mul3A_72 = vector.broadcast %get3A_61 : vector<1x64xf32> to vector<2048x64xf32>
    %mul3A_73 = arith.mulf %convert_element_type3A_54, %mul3A_72 : vector<2048x64xf32>
    %reduce_sum3A_74 = arith.constant dense<0.000000e+00> : vector<2048xf32>
    %reduce_sum3A_75 = vector.multi_reduction <add>, %mul3A_73, %reduce_sum3A_74 [1] : vector<2048x64xf32> to vector<2048xf32>
    %broadcast_in_dim3A_76 = vector.shape_cast %reduce_sum3A_75 : vector<2048xf32> to vector<2048x1xf32>
    %mul3A_77 = arith.mulf %div3A_71, %broadcast_in_dim3A_76 : vector<2048x1xf32>
    %div3A_78 = arith.divf %broadcast_in_dim3A_69, %add3A_70 : vector<2048x1xf32>
    %mul3A_79 = vector.broadcast %get3A_61 : vector<1x64xf32> to vector<2048x64xf32>
    %mul3A_80 = arith.mulf %convert_element_type3A_58, %mul3A_79 : vector<2048x64xf32>
    %reduce_sum3A_81 = arith.constant dense<0.000000e+00> : vector<2048xf32>
    %reduce_sum3A_82 = vector.multi_reduction <add>, %mul3A_80, %reduce_sum3A_81 [1] : vector<2048x64xf32> to vector<2048xf32>
    %broadcast_in_dim3A_83 = vector.shape_cast %reduce_sum3A_82 : vector<2048xf32> to vector<2048x1xf32>
    %mul3A_84 = arith.mulf %div3A_78, %broadcast_in_dim3A_83 : vector<2048x1xf32>
    %concatenate3A = tpu.concatenate %convert_element_type3A_54, %convert_element_type3A_58 in 0 : vector<2048x64xf32>, vector<2048x64xf32> -> vector<4096x64xf32>
    %broadcast_in_dim3A_85 = arith.constant 0.000000e+00 : f32
    %broadcast_in_dim3A_86 = vector.broadcast %broadcast_in_dim3A_85 : f32 to vector<1x64xf32>
    %slice3A = vector.extract_strided_slice %concatenate3A {offsets = [0, 0], sizes = [4095, 64], strides = [1, 1]} : vector<4096x64xf32> to vector<4095x64xf32>
    %concatenate3A_87 = tpu.concatenate %broadcast_in_dim3A_86, %slice3A in 0 : vector<1x64xf32>, vector<4095x64xf32> -> vector<4096x64xf32>
    %add3A_88 = arith.addf %concatenate3A, %concatenate3A_87 : vector<4096x64xf32>
    %broadcast_in_dim3A_89 = arith.constant 0.000000e+00 : f32
    %broadcast_in_dim3A_90 = vector.broadcast %broadcast_in_dim3A_89 : f32 to vector<2x64xf32>
    %slice3A_91 = vector.extract_strided_slice %add3A_88 {offsets = [0, 0], sizes = [4094, 64], strides = [1, 1]} : vector<4096x64xf32> to vector<4094x64xf32>
    %concatenate3A_92 = tpu.concatenate %broadcast_in_dim3A_90, %slice3A_91 in 0 : vector<2x64xf32>, vector<4094x64xf32> -> vector<4096x64xf32>
    %add3A_93 = arith.addf %add3A_88, %concatenate3A_92 : vector<4096x64xf32>
    %broadcast_in_dim3A_94 = arith.constant 0.000000e+00 : f32
    %broadcast_in_dim3A_95 = vector.broadcast %broadcast_in_dim3A_94 : f32 to vector<4x64xf32>
    %slice3A_96 = vector.extract_strided_slice %add3A_93 {offsets = [0, 0], sizes = [4092, 64], strides = [1, 1]} : vector<4096x64xf32> to vector<4092x64xf32>
    %concatenate3A_97 = tpu.concatenate %broadcast_in_dim3A_95, %slice3A_96 in 0 : vector<4x64xf32>, vector<4092x64xf32> -> vector<4096x64xf32>
    %add3A_98 = arith.addf %add3A_93, %concatenate3A_97 : vector<4096x64xf32>
    %broadcast_in_dim3A_99 = arith.constant 0.000000e+00 : f32
    %broadcast_in_dim3A_100 = vector.broadcast %broadcast_in_dim3A_99 : f32 to vector<8x64xf32>
    %slice3A_101 = vector.extract_strided_slice %add3A_98 {offsets = [0, 0], sizes = [4088, 64], strides = [1, 1]} : vector<4096x64xf32> to vector<4088x64xf32>
    %concatenate3A_102 = tpu.concatenate %broadcast_in_dim3A_100, %slice3A_101 in 0 : vector<8x64xf32>, vector<4088x64xf32> -> vector<4096x64xf32>
    %add3A_103 = arith.addf %add3A_98, %concatenate3A_102 : vector<4096x64xf32>
    %broadcast_in_dim3A_104 = arith.constant 0.000000e+00 : f32
    %broadcast_in_dim3A_105 = vector.broadcast %broadcast_in_dim3A_104 : f32 to vector<16x64xf32>
    %slice3A_106 = vector.extract_strided_slice %add3A_103 {offsets = [0, 0], sizes = [4080, 64], strides = [1, 1]} : vector<4096x64xf32> to vector<4080x64xf32>
    %concatenate3A_107 = tpu.concatenate %broadcast_in_dim3A_105, %slice3A_106 in 0 : vector<16x64xf32>, vector<4080x64xf32> -> vector<4096x64xf32>
    %add3A_108 = arith.addf %add3A_103, %concatenate3A_107 : vector<4096x64xf32>
    %broadcast_in_dim3A_109 = arith.constant 0.000000e+00 : f32
    %broadcast_in_dim3A_110 = vector.broadcast %broadcast_in_dim3A_109 : f32 to vector<32x64xf32>
    %slice3A_111 = vector.extract_strided_slice %add3A_108 {offsets = [0, 0], sizes = [4064, 64], strides = [1, 1]} : vector<4096x64xf32> to vector<4064x64xf32>
    %concatenate3A_112 = tpu.concatenate %broadcast_in_dim3A_110, %slice3A_111 in 0 : vector<32x64xf32>, vector<4064x64xf32> -> vector<4096x64xf32>
    %add3A_113 = arith.addf %add3A_108, %concatenate3A_112 : vector<4096x64xf32>
    %broadcast_in_dim3A_114 = arith.constant 0.000000e+00 : f32
    %broadcast_in_dim3A_115 = vector.broadcast %broadcast_in_dim3A_114 : f32 to vector<64x64xf32>
    %slice3A_116 = vector.extract_strided_slice %add3A_113 {offsets = [0, 0], sizes = [4032, 64], strides = [1, 1]} : vector<4096x64xf32> to vector<4032x64xf32>
    %concatenate3A_117 = tpu.concatenate %broadcast_in_dim3A_115, %slice3A_116 in 0 : vector<64x64xf32>, vector<4032x64xf32> -> vector<4096x64xf32>
    %add3A_118 = arith.addf %add3A_113, %concatenate3A_117 : vector<4096x64xf32>
    %broadcast_in_dim3A_119 = arith.constant 0.000000e+00 : f32
    %broadcast_in_dim3A_120 = vector.broadcast %broadcast_in_dim3A_119 : f32 to vector<128x64xf32>
    %slice3A_121 = vector.extract_strided_slice %add3A_118 {offsets = [0, 0], sizes = [3968, 64], strides = [1, 1]} : vector<4096x64xf32> to vector<3968x64xf32>
    %concatenate3A_122 = tpu.concatenate %broadcast_in_dim3A_120, %slice3A_121 in 0 : vector<128x64xf32>, vector<3968x64xf32> -> vector<4096x64xf32>
    %add3A_123 = arith.addf %add3A_118, %concatenate3A_122 : vector<4096x64xf32>
    %broadcast_in_dim3A_124 = arith.constant 0.000000e+00 : f32
    %broadcast_in_dim3A_125 = vector.broadcast %broadcast_in_dim3A_124 : f32 to vector<256x64xf32>
    %slice3A_126 = vector.extract_strided_slice %add3A_123 {offsets = [0, 0], sizes = [3840, 64], strides = [1, 1]} : vector<4096x64xf32> to vector<3840x64xf32>
    %concatenate3A_127 = tpu.concatenate %broadcast_in_dim3A_125, %slice3A_126 in 0 : vector<256x64xf32>, vector<3840x64xf32> -> vector<4096x64xf32>
    %add3A_128 = arith.addf %add3A_123, %concatenate3A_127 : vector<4096x64xf32>
    %broadcast_in_dim3A_129 = arith.constant 0.000000e+00 : f32
    %broadcast_in_dim3A_130 = vector.broadcast %broadcast_in_dim3A_129 : f32 to vector<512x64xf32>
    %slice3A_131 = vector.extract_strided_slice %add3A_128 {offsets = [0, 0], sizes = [3584, 64], strides = [1, 1]} : vector<4096x64xf32> to vector<3584x64xf32>
    %concatenate3A_132 = tpu.concatenate %broadcast_in_dim3A_130, %slice3A_131 in 0 : vector<512x64xf32>, vector<3584x64xf32> -> vector<4096x64xf32>
    %add3A_133 = arith.addf %add3A_128, %concatenate3A_132 : vector<4096x64xf32>
    %broadcast_in_dim3A_134 = arith.constant 0.000000e+00 : f32
    %broadcast_in_dim3A_135 = vector.broadcast %broadcast_in_dim3A_134 : f32 to vector<1024x64xf32>
    %slice3A_136 = vector.extract_strided_slice %add3A_133 {offsets = [0, 0], sizes = [3072, 64], strides = [1, 1]} : vector<4096x64xf32> to vector<3072x64xf32>
    %concatenate3A_137 = tpu.concatenate %broadcast_in_dim3A_135, %slice3A_136 in 0 : vector<1024x64xf32>, vector<3072x64xf32> -> vector<4096x64xf32>
    %add3A_138 = arith.addf %add3A_133, %concatenate3A_137 : vector<4096x64xf32>
    %broadcast_in_dim3A_139 = arith.constant 0.000000e+00 : f32
    %broadcast_in_dim3A_140 = vector.broadcast %broadcast_in_dim3A_139 : f32 to vector<2048x64xf32>
    %slice3A_141 = vector.extract_strided_slice %add3A_138 {offsets = [0, 0], sizes = [2048, 64], strides = [1, 1]} : vector<4096x64xf32> to vector<2048x64xf32>
    %concatenate3A_142 = tpu.concatenate %broadcast_in_dim3A_140, %slice3A_141 in 0 : vector<2048x64xf32>, vector<2048x64xf32> -> vector<4096x64xf32>
    %add3A_143 = arith.addf %add3A_138, %concatenate3A_142 : vector<4096x64xf32>
    %sub3A_144 = arith.subf %add3A_143, %concatenate3A : vector<4096x64xf32>
    %mul3A_145 = arith.mulf %concatenate3A, %sub3A_144 : vector<4096x64xf32>
    %reduce_sum3A_146 = arith.constant dense<0.000000e+00> : vector<4096xf32>
    %reduce_sum3A_147 = vector.multi_reduction <add>, %mul3A_145, %reduce_sum3A_146 [1] : vector<4096x64xf32> to vector<4096xf32>
    %broadcast_in_dim3A_148 = vector.shape_cast %reduce_sum3A_147 : vector<4096xf32> to vector<4096x1xf32>
    %reduce_sum3A_149 = arith.constant dense<0.000000e+00> : vector<64xf32>
    %reduce_sum3A_150 = vector.multi_reduction <add>, %concatenate3A, %reduce_sum3A_149 [0] : vector<4096x64xf32> to vector<64xf32>
    %broadcast_in_dim3A_151 = vector.shape_cast %reduce_sum3A_150 : vector<64xf32> to vector<1x64xf32>
    %add3A_152 = arith.constant 6.300000e+01 : f32
    %add3A_153 = vector.broadcast %add3A_152 : f32 to vector<1x64xf32>
    %add3A_154 = arith.addf %broadcast_in_dim3A_151, %add3A_153 : vector<1x64xf32>
    %mul3A_155 = arith.constant 1.562500e-02 : f32
    %mul3A_156 = vector.broadcast %mul3A_155 : f32 to vector<1x64xf32>
    %mul3A_157 = arith.mulf %add3A_154, %mul3A_156 : vector<1x64xf32>
    %floor3A = math.floor %mul3A_157 : vector<1x64xf32>
    %iota3A_158 = tpu.iota {dimensions = array<i32: 0>} : vector<64x64xi32>
    %iota3A_159 = tpu.iota {dimensions = array<i32: 1>} : vector<64x64xi32>
    %le3A = arith.cmpi sle, %iota3A_158, %iota3A_159 : vector<64x64xi32>
    %convert_element_type3A_160 = arith.extui %le3A : vector<64x64xi1> to vector<64x64xi32>
    %convert_element_type3A_161 = arith.sitofp %convert_element_type3A_160 : vector<64x64xi32> to vector<64x64xf32>
    %dot_general3A_162 = arith.constant dense<0.000000e+00> : vector<1x64xf32>
    %dot_general3A_163 = tpu.matmul %floor3A, %convert_element_type3A_161, %dot_general3A_162 {dimension_numbers = #tpu.dot_dimension_numbers<[1], [0], [0], [1], [0, 0, 1, 1], [], []>, transpose_lhs_hint = false} : vector<1x64xf32>, vector<64x64xf32>, vector<1x64xf32> -> vector<1x64xf32>
    %sub3A_164 = arith.subf %dot_general3A_163, %floor3A : vector<1x64xf32>
    %mul3A_165 = arith.constant 6.400000e+01 : f32
    %mul3A_166 = vector.broadcast %mul3A_165 : f32 to vector<1x64xf32>
    %mul3A_167 = arith.mulf %sub3A_164, %mul3A_166 : vector<1x64xf32>
    %mul3A_168 = vector.broadcast %mul3A_167 : vector<1x64xf32> to vector<4096x64xf32>
    %mul3A_169 = arith.mulf %concatenate3A, %mul3A_168 : vector<4096x64xf32>
    %reduce_sum3A_170 = arith.constant dense<0.000000e+00> : vector<4096xf32>
    %reduce_sum3A_171 = vector.multi_reduction <add>, %mul3A_169, %reduce_sum3A_170 [1] : vector<4096x64xf32> to vector<4096xf32>
    %broadcast_in_dim3A_172 = vector.shape_cast %reduce_sum3A_171 : vector<4096xf32> to vector<4096x1xf32>
    %add3A_173 = arith.addf %broadcast_in_dim3A_172, %broadcast_in_dim3A_148 : vector<4096x1xf32>
    %convert_element_type3A_174 = arith.fptosi %add3A_173 : vector<4096x1xf32> to vector<4096x1xi32>
    %reshape3A = vector.shape_cast %convert_element_type3A_174 : vector<4096x1xi32> to vector<2x2048xi32>
    %swap3A = arith.constant 0 : index
    %swap3A_175 = arith.constant 0 : index
    %swap3A_176 = vector.load %arg4[%swap3A, %swap3A_175] : memref<2x2048xi32, #tpu.memory_space<vmem>>, vector<2x2048xi32>
    tpu.vector_store %arg4[%swap3A, %swap3A_175], %reshape3A {strides = array<i32>} : memref<2x2048xi32, #tpu.memory_space<vmem>>, vector<2x2048xi32>,
    %concatenate3A_177 = tpu.concatenate %mul3A_77, %mul3A_84 in 0 : vector<2048x1xf32>, vector<2048x1xf32> -> vector<4096x1xf32>
    %reshape3A_178 = vector.shape_cast %concatenate3A_177 : vector<4096x1xf32> to vector<2x2048xf32>
    %swap3A_179 = arith.constant 0 : index
    %swap3A_180 = arith.constant 0 : index
    %swap3A_181 = vector.load %arg5[%swap3A_179, %swap3A_180] : memref<2x2048xf32, #tpu.memory_space<vmem>>, vector<2x2048xf32>
    tpu.vector_store %arg5[%swap3A_179, %swap3A_180], %reshape3A_178 {strides = array<i32>} : memref<2x2048xf32, #tpu.memory_space<vmem>>, vector<2x2048xf32>,
    %iota3A_182 = tpu.iota {dimensions = array<i32: 0>} : vector<128x64xi32>
    %convert_element_type3A_183 = arith.fptosi %dot_general3A_163 : vector<1x64xf32> to vector<1x64xi32>
    %le3A_184 = vector.broadcast %convert_element_type3A_183 : vector<1x64xi32> to vector<128x64xi32>
    %le3A_185 = arith.cmpi sle, %le3A_184, %iota3A_182 : vector<128x64xi32>
    %convert_element_type3A_186 = arith.extui %le3A_185 : vector<128x64xi1> to vector<128x64xi32>
    %reduce_sum3A_187 = arith.constant dense<0> : vector<128xi32>
    %reduce_sum3A_188 = vector.multi_reduction <add>, %convert_element_type3A_186, %reduce_sum3A_187 [1] : vector<128x64xi32> to vector<128xi32>
    %broadcast_in_dim3A_189 = vector.shape_cast %reduce_sum3A_188 : vector<128xi32> to vector<128x1xi32>
    %gt3A = arith.constant 0.000000e+00 : f32
    %gt3A_190 = vector.broadcast %gt3A : f32 to vector<1x64xf32>
    %gt3A_191 = arith.cmpf ogt, %broadcast_in_dim3A_151, %gt3A_190 : vector<1x64xf32>
    %iota3A_192 = tpu.iota {dimensions = array<i32: 1>} : vector<1x64xi32>
    %jit3A_193 = arith.constant 0 : i32
    %broadcast_in_dim3A_194 = vector.broadcast %jit3A_193 : i32 to vector<1x64xi32>
    %select_n3A_195 = arith.select %gt3A_191, %iota3A_192, %broadcast_in_dim3A_194 : vector<1x64xi1>, vector<1x64xi32>
    %reduce_max3A_196 = arith.constant dense<-2147483648> : vector<1xi32>
    %reduce_max3A_197 = vector.multi_reduction <maxsi>, %select_n3A_195, %reduce_max3A_196 [1] : vector<1x64xi32> to vector<1xi32>
    %broadcast_in_dim3A_198 = vector.shape_cast %reduce_max3A_197 : vector<1xi32> to vector<1x1xi32>
    %min3A = vector.broadcast %broadcast_in_dim3A_198 : vector<1x1xi32> to vector<128x1xi32>
    %min3A_199 = arith.minsi %broadcast_in_dim3A_189, %min3A : vector<128x1xi32>
    %reshape3A_200 = vector.shape_cast %min3A_199 : vector<128x1xi32> to vector<1x128xi32>
    %swap3A_201 = arith.constant 0 : index
    %swap3A_202 = arith.constant 0 : index
    %swap3A_203 = vector.load %arg6[%swap3A_201, %swap3A_202] : memref<1x128xi32, #tpu.memory_space<vmem>>, vector<1x128xi32>
    tpu.vector_store %arg6[%swap3A_201, %swap3A_202], %reshape3A_200 {strides = array<i32>} : memref<1x128xi32, #tpu.memory_space<vmem>>, vector<1x128xi32>,
    %slice3A_204 = vector.extract_strided_slice %dot_general3A_163 {offsets = [0, 63], sizes = [1, 1], strides = [1, 1]} : vector<1x64xf32> to vector<1x1xf32>
    %convert_element_type3A_205 = arith.fptosi %slice3A_204 : vector<1x1xf32> to vector<1x1xi32>
    %swap3A_206 = arith.constant 0 : index
    %swap3A_207 = arith.constant 0 : index
    %swap3A_208 = vector.load %arg7[%swap3A_206, %swap3A_207] : memref<1x1xi32, #tpu.memory_space<vmem>>, vector<1x1xi32>
    tpu.vector_store %arg7[%swap3A_206, %swap3A_207], %convert_element_type3A_205 {strides = array<i32>} : memref<1x1xi32, #tpu.memory_space<vmem>>, vector<1x1xi32>,
    return
  }
}

module attributes {stable_mosaic.version = 14 : i64} {
  func.func @body(%arg0: i32, %arg1: memref<128xi32, #tpu.memory_space<smem>>, %arg2: memref<1xi32, #tpu.memory_space<smem>>, %arg3: memref<64x768xf32, #tpu.memory_space<vmem>>, %arg4: memref<1x1x512x768xf32, #tpu.memory_space<vmem>>, %arg5: memref<1x1x512x768xf32, #tpu.memory_space<vmem>>, %arg6: memref<1x1x384x512xf32, #tpu.memory_space<vmem>>, %arg7: memref<1x1x384x512xf32, #tpu.memory_space<vmem>>, %arg8: memref<64x1xf32, #tpu.memory_space<vmem>>, %arg9: memref<64x768xf32, #tpu.memory_space<vmem>>) attributes {dimension_semantics = [#tpu.dimension_semantics<arbitrary>], iteration_bounds = array<i64: 32>, scalar_prefetch = 2 : i64, scratch_operands = 0 : i64, tpu.core_type = #tpu.core_type<tc>, window_params = [{transform_indices = @transform_0, window_bounds = array<i64: 64, 768>}, {transform_indices = @transform_1, window_bounds = array<i64: 1, 1, 512, 768>}, {transform_indices = @transform_2, window_bounds = array<i64: 1, 1, 512, 768>}, {transform_indices = @transform_3, window_bounds = array<i64: 1, 1, 384, 512>}, {transform_indices = @transform_4, window_bounds = array<i64: 1, 1, 384, 512>}, {transform_indices = @transform_5, window_bounds = array<i64: 64, 1>}, {transform_indices = @transform_6, window_bounds = array<i64: 64, 768>}]} {
    %add3A = arith.constant 0 : i32
    %add3A_0 = arith.addi %arg0, %add3A : i32
    %get3A = arith.constant 0 : index
    %get3A_1 = memref.load %arg2[%get3A] : memref<1xi32, #tpu.memory_space<smem>>
    %lt3A = arith.cmpi slt, %add3A_0, %get3A_1 : i32
    %convert_element_type3A = arith.extui %lt3A : i1 to i32
    %cond3A = arith.constant 0 : i32
    %cond3A_2 = arith.cmpi ne, %convert_element_type3A, %cond3A : i32
    scf.if %cond3A_2 {
      %get3A_3 = arith.constant 0 : index
      %get3A_4 = arith.constant 0 : index
      %get3A_5 = vector.load %arg3[%get3A_3, %get3A_4] : memref<64x768xf32, #tpu.memory_space<vmem>>, vector<64x768xf32>
      %get3A_6 = arith.constant 0 : index
      %get3A_7 = arith.constant 0 : index
      %get3A_8 = arith.constant 0 : index
      %get3A_9 = arith.constant 0 : index
      %get3A_10 = vector.load %arg4[%get3A_6, %get3A_7, %get3A_8, %get3A_9] : memref<1x1x512x768xf32, #tpu.memory_space<vmem>>, vector<1x1x512x768xf32>
      %get3A_11 = vector.shape_cast %get3A_10 : vector<1x1x512x768xf32> to vector<512x768xf32>
      %dot_general3A = arith.constant dense<0.000000e+00> : vector<64x512xf32>
      %dot_general3A_12 = tpu.matmul %get3A_5, %get3A_11, %dot_general3A {dimension_numbers = #tpu.dot_dimension_numbers<[1], [1], [0], [0], [0, 0, 1, 0], [], []>, transpose_lhs_hint = false} : vector<64x768xf32>, vector<512x768xf32>, vector<64x512xf32> -> vector<64x512xf32>
      %mul3A = arith.constant 5.000000e-01 : f32
      %mul3A_13 = vector.broadcast %mul3A : f32 to vector<64x512xf32>
      %mul3A_14 = arith.mulf %mul3A_13, %dot_general3A_12 : vector<64x512xf32>
      %sqrt3A = arith.constant 0.636619746 : f32
      %sqrt3A_15 = math.sqrt %sqrt3A : f32
      %integer_pow3A = arith.mulf %dot_general3A_12, %dot_general3A_12 : vector<64x512xf32>
      %integer_pow3A_16 = arith.mulf %dot_general3A_12, %integer_pow3A : vector<64x512xf32>
      %mul3A_17 = arith.constant 4.471500e-02 : f32
      %mul3A_18 = vector.broadcast %mul3A_17 : f32 to vector<64x512xf32>
      %mul3A_19 = arith.mulf %mul3A_18, %integer_pow3A_16 : vector<64x512xf32>
      %add3A_20 = arith.addf %dot_general3A_12, %mul3A_19 : vector<64x512xf32>
      %mul3A_21 = vector.broadcast %sqrt3A_15 : f32 to vector<64x512xf32>
      %mul3A_22 = arith.mulf %mul3A_21, %add3A_20 : vector<64x512xf32>
      %tanh3A = math.tanh %mul3A_22 : vector<64x512xf32>
      %add3A_23 = arith.constant 1.000000e+00 : f32
      %add3A_24 = vector.broadcast %add3A_23 : f32 to vector<64x512xf32>
      %add3A_25 = arith.addf %add3A_24, %tanh3A : vector<64x512xf32>
      %mul3A_26 = arith.mulf %mul3A_14, %add3A_25 : vector<64x512xf32>
      %get3A_27 = arith.constant 0 : index
      %get3A_28 = arith.constant 0 : index
      %get3A_29 = arith.constant 0 : index
      %get3A_30 = arith.constant 0 : index
      %get3A_31 = vector.load %arg5[%get3A_27, %get3A_28, %get3A_29, %get3A_30] : memref<1x1x512x768xf32, #tpu.memory_space<vmem>>, vector<1x1x512x768xf32>
      %get3A_32 = vector.shape_cast %get3A_31 : vector<1x1x512x768xf32> to vector<512x768xf32>
      %dot_general3A_33 = arith.constant dense<0.000000e+00> : vector<64x512xf32>
      %dot_general3A_34 = tpu.matmul %get3A_5, %get3A_32, %dot_general3A_33 {dimension_numbers = #tpu.dot_dimension_numbers<[1], [1], [0], [0], [0, 0, 1, 0], [], []>, transpose_lhs_hint = false} : vector<64x768xf32>, vector<512x768xf32>, vector<64x512xf32> -> vector<64x512xf32>
      %mul3A_35 = arith.mulf %mul3A_26, %dot_general3A_34 : vector<64x512xf32>
      %get3A_36 = arith.constant 0 : index
      %get3A_37 = arith.constant 0 : index
      %get3A_38 = vector.load %arg8[%get3A_36, %get3A_37] : memref<64x1xf32, #tpu.memory_space<vmem>>, vector<64x1xf32>
      %get3A_39 = arith.constant 0 : index
      %get3A_40 = arith.constant 0 : index
      %get3A_41 = arith.constant 0 : index
      %get3A_42 = arith.constant 0 : index
      %get3A_43 = vector.load %arg6[%get3A_39, %get3A_40, %get3A_41, %get3A_42] : memref<1x1x384x512xf32, #tpu.memory_space<vmem>>, vector<1x1x384x512xf32>
      %get3A_44 = vector.shape_cast %get3A_43 : vector<1x1x384x512xf32> to vector<384x512xf32>
      %dot_general3A_45 = arith.constant dense<0.000000e+00> : vector<64x384xf32>
      %dot_general3A_46 = tpu.matmul %mul3A_35, %get3A_44, %dot_general3A_45 {dimension_numbers = #tpu.dot_dimension_numbers<[1], [1], [0], [0], [0, 0, 1, 0], [], []>, transpose_lhs_hint = false} : vector<64x512xf32>, vector<384x512xf32>, vector<64x384xf32> -> vector<64x384xf32>
      %mul3A_47 = vector.broadcast %get3A_38 : vector<64x1xf32> to vector<64x384xf32>
      %mul3A_48 = arith.mulf %dot_general3A_46, %mul3A_47 : vector<64x384xf32>
      %swap3A = arith.constant 0 : index
      %swap3A_49 = arith.constant 0 : index
      %swap3A_50 = vector.load %arg9[%swap3A, %swap3A_49] : memref<64x768xf32, #tpu.memory_space<vmem>>, vector<64x384xf32>
      tpu.vector_store %arg9[%swap3A, %swap3A_49], %mul3A_48 {strides = array<i32>} : memref<64x768xf32, #tpu.memory_space<vmem>>, vector<64x384xf32>,
      %get3A_51 = arith.constant 0 : index
      %get3A_52 = arith.constant 0 : index
      %get3A_53 = arith.constant 0 : index
      %get3A_54 = arith.constant 0 : index
      %get3A_55 = vector.load %arg7[%get3A_51, %get3A_52, %get3A_53, %get3A_54] : memref<1x1x384x512xf32, #tpu.memory_space<vmem>>, vector<1x1x384x512xf32>
      %get3A_56 = vector.shape_cast %get3A_55 : vector<1x1x384x512xf32> to vector<384x512xf32>
      %dot_general3A_57 = arith.constant dense<0.000000e+00> : vector<64x384xf32>
      %dot_general3A_58 = tpu.matmul %mul3A_35, %get3A_56, %dot_general3A_57 {dimension_numbers = #tpu.dot_dimension_numbers<[1], [1], [0], [0], [0, 0, 1, 0], [], []>, transpose_lhs_hint = false} : vector<64x512xf32>, vector<384x512xf32>, vector<64x384xf32> -> vector<64x384xf32>
      %mul3A_59 = vector.broadcast %get3A_38 : vector<64x1xf32> to vector<64x384xf32>
      %mul3A_60 = arith.mulf %dot_general3A_58, %mul3A_59 : vector<64x384xf32>
      %swap3A_61 = arith.constant 0 : index
      %swap3A_62 = arith.constant 384 : index
      %swap3A_63 = vector.load %arg9[%swap3A_61, %swap3A_62] : memref<64x768xf32, #tpu.memory_space<vmem>>, vector<64x384xf32>
      tpu.vector_store %arg9[%swap3A_61, %swap3A_62], %mul3A_60 {strides = array<i32>} : memref<64x768xf32, #tpu.memory_space<vmem>>, vector<64x384xf32>,
    } else {
    }
    return
  }
  func.func @transform_0(%arg0: i32, %arg1: memref<128xi32, #tpu.memory_space<smem>>, %arg2: memref<1xi32, #tpu.memory_space<smem>>) -> (i32, i32) {
    %get3A = arith.constant 0 : index
    %get3A_0 = memref.load %arg2[%get3A] : memref<1xi32, #tpu.memory_space<smem>>
    %min3A = arith.constant 32 : i32
    %min3A_1 = arith.minsi %get3A_0, %min3A : i32
    %sub3A = arith.constant 1 : i32
    %sub3A_2 = arith.subi %min3A_1, %sub3A : i32
    %min3A_3 = arith.minsi %arg0, %sub3A_2 : i32
    %sub3A_4 = arith.constant 0 : i32
    %sub3A_5 = arith.subi %min3A_3, %sub3A_4 : i32
    %c0_i32 = arith.constant 0 : i32
    %c0_i32_6 = arith.constant 0 : i32
    return %sub3A_5, %c0_i32 : i32, i32
  }
  func.func @transform_1(%arg0: i32, %arg1: memref<128xi32, #tpu.memory_space<smem>>, %arg2: memref<1xi32, #tpu.memory_space<smem>>) -> (i32, i32, i32, i32) {
    %get3A = arith.constant 0 : index
    %get3A_0 = memref.load %arg2[%get3A] : memref<1xi32, #tpu.memory_space<smem>>
    %min3A = arith.constant 32 : i32
    %min3A_1 = arith.minsi %get3A_0, %min3A : i32
    %sub3A = arith.constant 1 : i32
    %sub3A_2 = arith.subi %min3A_1, %sub3A : i32
    %min3A_3 = arith.minsi %arg0, %sub3A_2 : i32
    %get3A_4 = arith.index_cast %min3A_3 : i32 to index
    %get3A_5 = memref.load %arg1[%get3A_4] : memref<128xi32, #tpu.memory_space<smem>>
    %c0_i32 = arith.constant 0 : i32
    %c0_i32_6 = arith.constant 0 : i32
    %c0_i32_7 = arith.constant 0 : i32
    %c0_i32_8 = arith.constant 0 : i32
    return %get3A_5, %c0_i32, %c0_i32_6, %c0_i32_7 : i32, i32, i32, i32
  }
  func.func @transform_2(%arg0: i32, %arg1: memref<128xi32, #tpu.memory_space<smem>>, %arg2: memref<1xi32, #tpu.memory_space<smem>>) -> (i32, i32, i32, i32) {
    %get3A = arith.constant 0 : index
    %get3A_0 = memref.load %arg2[%get3A] : memref<1xi32, #tpu.memory_space<smem>>
    %min3A = arith.constant 32 : i32
    %min3A_1 = arith.minsi %get3A_0, %min3A : i32
    %sub3A = arith.constant 1 : i32
    %sub3A_2 = arith.subi %min3A_1, %sub3A : i32
    %min3A_3 = arith.minsi %arg0, %sub3A_2 : i32
    %get3A_4 = arith.index_cast %min3A_3 : i32 to index
    %get3A_5 = memref.load %arg1[%get3A_4] : memref<128xi32, #tpu.memory_space<smem>>
    %c1_i32 = arith.constant 1 : i32
    %c0_i32 = arith.constant 0 : i32
    %c0_i32_6 = arith.constant 0 : i32
    %c0_i32_7 = arith.constant 0 : i32
    return %get3A_5, %c1_i32, %c0_i32, %c0_i32_6 : i32, i32, i32, i32
  }
  func.func @transform_3(%arg0: i32, %arg1: memref<128xi32, #tpu.memory_space<smem>>, %arg2: memref<1xi32, #tpu.memory_space<smem>>) -> (i32, i32, i32, i32) {
    %get3A = arith.constant 0 : index
    %get3A_0 = memref.load %arg2[%get3A] : memref<1xi32, #tpu.memory_space<smem>>
    %min3A = arith.constant 32 : i32
    %min3A_1 = arith.minsi %get3A_0, %min3A : i32
    %sub3A = arith.constant 1 : i32
    %sub3A_2 = arith.subi %min3A_1, %sub3A : i32
    %min3A_3 = arith.minsi %arg0, %sub3A_2 : i32
    %get3A_4 = arith.index_cast %min3A_3 : i32 to index
    %get3A_5 = memref.load %arg1[%get3A_4] : memref<128xi32, #tpu.memory_space<smem>>
    %c0_i32 = arith.constant 0 : i32
    %c0_i32_6 = arith.constant 0 : i32
    %c0_i32_7 = arith.constant 0 : i32
    %c0_i32_8 = arith.constant 0 : i32
    return %get3A_5, %c0_i32, %c0_i32_6, %c0_i32_7 : i32, i32, i32, i32
  }
  func.func @transform_4(%arg0: i32, %arg1: memref<128xi32, #tpu.memory_space<smem>>, %arg2: memref<1xi32, #tpu.memory_space<smem>>) -> (i32, i32, i32, i32) {
    %get3A = arith.constant 0 : index
    %get3A_0 = memref.load %arg2[%get3A] : memref<1xi32, #tpu.memory_space<smem>>
    %min3A = arith.constant 32 : i32
    %min3A_1 = arith.minsi %get3A_0, %min3A : i32
    %sub3A = arith.constant 1 : i32
    %sub3A_2 = arith.subi %min3A_1, %sub3A : i32
    %min3A_3 = arith.minsi %arg0, %sub3A_2 : i32
    %get3A_4 = arith.index_cast %min3A_3 : i32 to index
    %get3A_5 = memref.load %arg1[%get3A_4] : memref<128xi32, #tpu.memory_space<smem>>
    %c1_i32 = arith.constant 1 : i32
    %c0_i32 = arith.constant 0 : i32
    %c0_i32_6 = arith.constant 0 : i32
    %c0_i32_7 = arith.constant 0 : i32
    return %get3A_5, %c1_i32, %c0_i32, %c0_i32_6 : i32, i32, i32, i32
  }
  func.func @transform_5(%arg0: i32, %arg1: memref<128xi32, #tpu.memory_space<smem>>, %arg2: memref<1xi32, #tpu.memory_space<smem>>) -> (i32, i32) {
    %get3A = arith.constant 0 : index
    %get3A_0 = memref.load %arg2[%get3A] : memref<1xi32, #tpu.memory_space<smem>>
    %min3A = arith.constant 32 : i32
    %min3A_1 = arith.minsi %get3A_0, %min3A : i32
    %sub3A = arith.constant 1 : i32
    %sub3A_2 = arith.subi %min3A_1, %sub3A : i32
    %min3A_3 = arith.minsi %arg0, %sub3A_2 : i32
    %c0_i32 = arith.constant 0 : i32
    %c0_i32_4 = arith.constant 0 : i32
    return %min3A_3, %c0_i32 : i32, i32
  }
  func.func @transform_6(%arg0: i32, %arg1: memref<128xi32, #tpu.memory_space<smem>>, %arg2: memref<1xi32, #tpu.memory_space<smem>>) -> (i32, i32) {
    %get3A = arith.constant 0 : index
    %get3A_0 = memref.load %arg2[%get3A] : memref<1xi32, #tpu.memory_space<smem>>
    %min3A = arith.constant 32 : i32
    %min3A_1 = arith.minsi %get3A_0, %min3A : i32
    %sub3A = arith.constant 1 : i32
    %sub3A_2 = arith.subi %min3A_1, %sub3A : i32
    %min3A_3 = arith.minsi %arg0, %sub3A_2 : i32
    %c0_i32 = arith.constant 0 : i32
    %c0_i32_4 = arith.constant 0 : i32
    return %min3A_3, %c0_i32 : i32, i32
  }
}

module attributes {stable_mosaic.version = 14 : i64} {
  func.func @body(%arg0: i32, %arg1: memref<128xi32, #tpu.memory_space<smem>>, %arg2: memref<1xi32, #tpu.memory_space<smem>>, %arg3: memref<64x768xf32, #tpu.memory_space<vmem>>, %arg4: memref<1x1x512x768xf32, #tpu.memory_space<vmem>>, %arg5: memref<1x1x512x768xf32, #tpu.memory_space<vmem>>, %arg6: memref<1x1x384x512xf32, #tpu.memory_space<vmem>>, %arg7: memref<1x1x384x512xf32, #tpu.memory_space<vmem>>, %arg8: memref<64x1xf32, #tpu.memory_space<vmem>>, %arg9: memref<8192x768xf32, #tpu.memory_space<any>>, %arg10: memref<64x768xf32, #tpu.memory_space<vmem>>) attributes {dimension_semantics = [#tpu.dimension_semantics<arbitrary>], iteration_bounds = array<i64: 96>, scalar_prefetch = 2 : i64, scratch_operands = 0 : i64, tpu.core_type = #tpu.core_type<tc>, window_params = [{transform_indices = @transform_0, window_bounds = array<i64: 64, 768>}, {transform_indices = @transform_1, window_bounds = array<i64: 1, 1, 512, 768>}, {transform_indices = @transform_2, window_bounds = array<i64: 1, 1, 512, 768>}, {transform_indices = @transform_3, window_bounds = array<i64: 1, 1, 384, 512>}, {transform_indices = @transform_4, window_bounds = array<i64: 1, 1, 384, 512>}, {transform_indices = @transform_5, window_bounds = array<i64: 64, 1>}, {}, {transform_indices = @transform_7, window_bounds = array<i64: 64, 768>}]} {
    %add3A = arith.constant 32 : i32
    %add3A_0 = arith.addi %arg0, %add3A : i32
    %get3A = arith.constant 0 : index
    %get3A_1 = memref.load %arg2[%get3A] : memref<1xi32, #tpu.memory_space<smem>>
    %lt3A = arith.cmpi slt, %add3A_0, %get3A_1 : i32
    %convert_element_type3A = arith.extui %lt3A : i1 to i32
    %cond3A = arith.constant 0 : i32
    %cond3A_2 = arith.cmpi ne, %convert_element_type3A, %cond3A : i32
    scf.if %cond3A_2 {
      %get3A_3 = arith.constant 0 : index
      %get3A_4 = arith.constant 0 : index
      %get3A_5 = vector.load %arg3[%get3A_3, %get3A_4] : memref<64x768xf32, #tpu.memory_space<vmem>>, vector<64x768xf32>
      %get3A_6 = arith.constant 0 : index
      %get3A_7 = arith.constant 0 : index
      %get3A_8 = arith.constant 0 : index
      %get3A_9 = arith.constant 0 : index
      %get3A_10 = vector.load %arg4[%get3A_6, %get3A_7, %get3A_8, %get3A_9] : memref<1x1x512x768xf32, #tpu.memory_space<vmem>>, vector<1x1x512x768xf32>
      %get3A_11 = vector.shape_cast %get3A_10 : vector<1x1x512x768xf32> to vector<512x768xf32>
      %dot_general3A = arith.constant dense<0.000000e+00> : vector<64x512xf32>
      %dot_general3A_12 = tpu.matmul %get3A_5, %get3A_11, %dot_general3A {dimension_numbers = #tpu.dot_dimension_numbers<[1], [1], [0], [0], [0, 0, 1, 0], [], []>, transpose_lhs_hint = false} : vector<64x768xf32>, vector<512x768xf32>, vector<64x512xf32> -> vector<64x512xf32>
      %mul3A = arith.constant 5.000000e-01 : f32
      %mul3A_13 = vector.broadcast %mul3A : f32 to vector<64x512xf32>
      %mul3A_14 = arith.mulf %mul3A_13, %dot_general3A_12 : vector<64x512xf32>
      %sqrt3A = arith.constant 0.636619746 : f32
      %sqrt3A_15 = math.sqrt %sqrt3A : f32
      %integer_pow3A = arith.mulf %dot_general3A_12, %dot_general3A_12 : vector<64x512xf32>
      %integer_pow3A_16 = arith.mulf %dot_general3A_12, %integer_pow3A : vector<64x512xf32>
      %mul3A_17 = arith.constant 4.471500e-02 : f32
      %mul3A_18 = vector.broadcast %mul3A_17 : f32 to vector<64x512xf32>
      %mul3A_19 = arith.mulf %mul3A_18, %integer_pow3A_16 : vector<64x512xf32>
      %add3A_20 = arith.addf %dot_general3A_12, %mul3A_19 : vector<64x512xf32>
      %mul3A_21 = vector.broadcast %sqrt3A_15 : f32 to vector<64x512xf32>
      %mul3A_22 = arith.mulf %mul3A_21, %add3A_20 : vector<64x512xf32>
      %tanh3A = math.tanh %mul3A_22 : vector<64x512xf32>
      %add3A_23 = arith.constant 1.000000e+00 : f32
      %add3A_24 = vector.broadcast %add3A_23 : f32 to vector<64x512xf32>
      %add3A_25 = arith.addf %add3A_24, %tanh3A : vector<64x512xf32>
      %mul3A_26 = arith.mulf %mul3A_14, %add3A_25 : vector<64x512xf32>
      %get3A_27 = arith.constant 0 : index
      %get3A_28 = arith.constant 0 : index
      %get3A_29 = arith.constant 0 : index
      %get3A_30 = arith.constant 0 : index
      %get3A_31 = vector.load %arg5[%get3A_27, %get3A_28, %get3A_29, %get3A_30] : memref<1x1x512x768xf32, #tpu.memory_space<vmem>>, vector<1x1x512x768xf32>
      %get3A_32 = vector.shape_cast %get3A_31 : vector<1x1x512x768xf32> to vector<512x768xf32>
      %dot_general3A_33 = arith.constant dense<0.000000e+00> : vector<64x512xf32>
      %dot_general3A_34 = tpu.matmul %get3A_5, %get3A_32, %dot_general3A_33 {dimension_numbers = #tpu.dot_dimension_numbers<[1], [1], [0], [0], [0, 0, 1, 0], [], []>, transpose_lhs_hint = false} : vector<64x768xf32>, vector<512x768xf32>, vector<64x512xf32> -> vector<64x512xf32>
      %mul3A_35 = arith.mulf %mul3A_26, %dot_general3A_34 : vector<64x512xf32>
      %get3A_36 = arith.constant 0 : index
      %get3A_37 = arith.constant 0 : index
      %get3A_38 = vector.load %arg8[%get3A_36, %get3A_37] : memref<64x1xf32, #tpu.memory_space<vmem>>, vector<64x1xf32>
      %get3A_39 = arith.constant 0 : index
      %get3A_40 = arith.constant 0 : index
      %get3A_41 = arith.constant 0 : index
      %get3A_42 = arith.constant 0 : index
      %get3A_43 = vector.load %arg6[%get3A_39, %get3A_40, %get3A_41, %get3A_42] : memref<1x1x384x512xf32, #tpu.memory_space<vmem>>, vector<1x1x384x512xf32>
      %get3A_44 = vector.shape_cast %get3A_43 : vector<1x1x384x512xf32> to vector<384x512xf32>
      %dot_general3A_45 = arith.constant dense<0.000000e+00> : vector<64x384xf32>
      %dot_general3A_46 = tpu.matmul %mul3A_35, %get3A_44, %dot_general3A_45 {dimension_numbers = #tpu.dot_dimension_numbers<[1], [1], [0], [0], [0, 0, 1, 0], [], []>, transpose_lhs_hint = false} : vector<64x512xf32>, vector<384x512xf32>, vector<64x384xf32> -> vector<64x384xf32>
      %mul3A_47 = vector.broadcast %get3A_38 : vector<64x1xf32> to vector<64x384xf32>
      %mul3A_48 = arith.mulf %dot_general3A_46, %mul3A_47 : vector<64x384xf32>
      %swap3A = arith.constant 0 : index
      %swap3A_49 = arith.constant 0 : index
      %swap3A_50 = vector.load %arg10[%swap3A, %swap3A_49] : memref<64x768xf32, #tpu.memory_space<vmem>>, vector<64x384xf32>
      tpu.vector_store %arg10[%swap3A, %swap3A_49], %mul3A_48 {strides = array<i32>} : memref<64x768xf32, #tpu.memory_space<vmem>>, vector<64x384xf32>,
      %get3A_51 = arith.constant 0 : index
      %get3A_52 = arith.constant 0 : index
      %get3A_53 = arith.constant 0 : index
      %get3A_54 = arith.constant 0 : index
      %get3A_55 = vector.load %arg7[%get3A_51, %get3A_52, %get3A_53, %get3A_54] : memref<1x1x384x512xf32, #tpu.memory_space<vmem>>, vector<1x1x384x512xf32>
      %get3A_56 = vector.shape_cast %get3A_55 : vector<1x1x384x512xf32> to vector<384x512xf32>
      %dot_general3A_57 = arith.constant dense<0.000000e+00> : vector<64x384xf32>
      %dot_general3A_58 = tpu.matmul %mul3A_35, %get3A_56, %dot_general3A_57 {dimension_numbers = #tpu.dot_dimension_numbers<[1], [1], [0], [0], [0, 0, 1, 0], [], []>, transpose_lhs_hint = false} : vector<64x512xf32>, vector<384x512xf32>, vector<64x384xf32> -> vector<64x384xf32>
      %mul3A_59 = vector.broadcast %get3A_38 : vector<64x1xf32> to vector<64x384xf32>
      %mul3A_60 = arith.mulf %dot_general3A_58, %mul3A_59 : vector<64x384xf32>
      %swap3A_61 = arith.constant 0 : index
      %swap3A_62 = arith.constant 384 : index
      %swap3A_63 = vector.load %arg10[%swap3A_61, %swap3A_62] : memref<64x768xf32, #tpu.memory_space<vmem>>, vector<64x384xf32>
      tpu.vector_store %arg10[%swap3A_61, %swap3A_62], %mul3A_60 {strides = array<i32>} : memref<64x768xf32, #tpu.memory_space<vmem>>, vector<64x384xf32>,
    } else {
    }
    return
  }
  func.func @transform_0(%arg0: i32, %arg1: memref<128xi32, #tpu.memory_space<smem>>, %arg2: memref<1xi32, #tpu.memory_space<smem>>) -> (i32, i32) {
    %add3A = arith.constant 32 : i32
    %add3A_0 = arith.addi %arg0, %add3A : i32
    %get3A = arith.constant 0 : index
    %get3A_1 = memref.load %arg2[%get3A] : memref<1xi32, #tpu.memory_space<smem>>
    %sub3A = arith.constant 1 : i32
    %sub3A_2 = arith.subi %get3A_1, %sub3A : i32
    %min3A = arith.minsi %add3A_0, %sub3A_2 : i32
    %jit3A = arith.constant 32 : i32
    %jit3A_3 = arith.constant 127 : i32
    %max3A = arith.maxsi %jit3A, %min3A : i32
    %min3A_4 = arith.minsi %jit3A_3, %max3A : i32
    %sub3A_5 = arith.constant 32 : i32
    %sub3A_6 = arith.subi %min3A_4, %sub3A_5 : i32
    %c0_i32 = arith.constant 0 : i32
    %c0_i32_7 = arith.constant 0 : i32
    return %sub3A_6, %c0_i32 : i32, i32
  }
  func.func @transform_1(%arg0: i32, %arg1: memref<128xi32, #tpu.memory_space<smem>>, %arg2: memref<1xi32, #tpu.memory_space<smem>>) -> (i32, i32, i32, i32) {
    %add3A = arith.constant 32 : i32
    %add3A_0 = arith.addi %arg0, %add3A : i32
    %get3A = arith.constant 0 : index
    %get3A_1 = memref.load %arg2[%get3A] : memref<1xi32, #tpu.memory_space<smem>>
    %sub3A = arith.constant 1 : i32
    %sub3A_2 = arith.subi %get3A_1, %sub3A : i32
    %min3A = arith.minsi %add3A_0, %sub3A_2 : i32
    %jit3A = arith.constant 32 : i32
    %jit3A_3 = arith.constant 127 : i32
    %max3A = arith.maxsi %jit3A, %min3A : i32
    %min3A_4 = arith.minsi %jit3A_3, %max3A : i32
    %get3A_5 = arith.index_cast %min3A_4 : i32 to index
    %get3A_6 = memref.load %arg1[%get3A_5] : memref<128xi32, #tpu.memory_space<smem>>
    %c0_i32 = arith.constant 0 : i32
    %c0_i32_7 = arith.constant 0 : i32
    %c0_i32_8 = arith.constant 0 : i32
    %c0_i32_9 = arith.constant 0 : i32
    return %get3A_6, %c0_i32, %c0_i32_7, %c0_i32_8 : i32, i32, i32, i32
  }
  func.func @transform_2(%arg0: i32, %arg1: memref<128xi32, #tpu.memory_space<smem>>, %arg2: memref<1xi32, #tpu.memory_space<smem>>) -> (i32, i32, i32, i32) {
    %add3A = arith.constant 32 : i32
    %add3A_0 = arith.addi %arg0, %add3A : i32
    %get3A = arith.constant 0 : index
    %get3A_1 = memref.load %arg2[%get3A] : memref<1xi32, #tpu.memory_space<smem>>
    %sub3A = arith.constant 1 : i32
    %sub3A_2 = arith.subi %get3A_1, %sub3A : i32
    %min3A = arith.minsi %add3A_0, %sub3A_2 : i32
    %jit3A = arith.constant 32 : i32
    %jit3A_3 = arith.constant 127 : i32
    %max3A = arith.maxsi %jit3A, %min3A : i32
    %min3A_4 = arith.minsi %jit3A_3, %max3A : i32
    %get3A_5 = arith.index_cast %min3A_4 : i32 to index
    %get3A_6 = memref.load %arg1[%get3A_5] : memref<128xi32, #tpu.memory_space<smem>>
    %c1_i32 = arith.constant 1 : i32
    %c0_i32 = arith.constant 0 : i32
    %c0_i32_7 = arith.constant 0 : i32
    %c0_i32_8 = arith.constant 0 : i32
    return %get3A_6, %c1_i32, %c0_i32, %c0_i32_7 : i32, i32, i32, i32
  }
  func.func @transform_3(%arg0: i32, %arg1: memref<128xi32, #tpu.memory_space<smem>>, %arg2: memref<1xi32, #tpu.memory_space<smem>>) -> (i32, i32, i32, i32) {
    %add3A = arith.constant 32 : i32
    %add3A_0 = arith.addi %arg0, %add3A : i32
    %get3A = arith.constant 0 : index
    %get3A_1 = memref.load %arg2[%get3A] : memref<1xi32, #tpu.memory_space<smem>>
    %sub3A = arith.constant 1 : i32
    %sub3A_2 = arith.subi %get3A_1, %sub3A : i32
    %min3A = arith.minsi %add3A_0, %sub3A_2 : i32
    %jit3A = arith.constant 32 : i32
    %jit3A_3 = arith.constant 127 : i32
    %max3A = arith.maxsi %jit3A, %min3A : i32
    %min3A_4 = arith.minsi %jit3A_3, %max3A : i32
    %get3A_5 = arith.index_cast %min3A_4 : i32 to index
    %get3A_6 = memref.load %arg1[%get3A_5] : memref<128xi32, #tpu.memory_space<smem>>
    %c0_i32 = arith.constant 0 : i32
    %c0_i32_7 = arith.constant 0 : i32
    %c0_i32_8 = arith.constant 0 : i32
    %c0_i32_9 = arith.constant 0 : i32
    return %get3A_6, %c0_i32, %c0_i32_7, %c0_i32_8 : i32, i32, i32, i32
  }
  func.func @transform_4(%arg0: i32, %arg1: memref<128xi32, #tpu.memory_space<smem>>, %arg2: memref<1xi32, #tpu.memory_space<smem>>) -> (i32, i32, i32, i32) {
    %add3A = arith.constant 32 : i32
    %add3A_0 = arith.addi %arg0, %add3A : i32
    %get3A = arith.constant 0 : index
    %get3A_1 = memref.load %arg2[%get3A] : memref<1xi32, #tpu.memory_space<smem>>
    %sub3A = arith.constant 1 : i32
    %sub3A_2 = arith.subi %get3A_1, %sub3A : i32
    %min3A = arith.minsi %add3A_0, %sub3A_2 : i32
    %jit3A = arith.constant 32 : i32
    %jit3A_3 = arith.constant 127 : i32
    %max3A = arith.maxsi %jit3A, %min3A : i32
    %min3A_4 = arith.minsi %jit3A_3, %max3A : i32
    %get3A_5 = arith.index_cast %min3A_4 : i32 to index
    %get3A_6 = memref.load %arg1[%get3A_5] : memref<128xi32, #tpu.memory_space<smem>>
    %c1_i32 = arith.constant 1 : i32
    %c0_i32 = arith.constant 0 : i32
    %c0_i32_7 = arith.constant 0 : i32
    %c0_i32_8 = arith.constant 0 : i32
    return %get3A_6, %c1_i32, %c0_i32, %c0_i32_7 : i32, i32, i32, i32
  }
  func.func @transform_5(%arg0: i32, %arg1: memref<128xi32, #tpu.memory_space<smem>>, %arg2: memref<1xi32, #tpu.memory_space<smem>>) -> (i32, i32) {
    %add3A = arith.constant 32 : i32
    %add3A_0 = arith.addi %arg0, %add3A : i32
    %get3A = arith.constant 0 : index
    %get3A_1 = memref.load %arg2[%get3A] : memref<1xi32, #tpu.memory_space<smem>>
    %sub3A = arith.constant 1 : i32
    %sub3A_2 = arith.subi %get3A_1, %sub3A : i32
    %min3A = arith.minsi %add3A_0, %sub3A_2 : i32
    %jit3A = arith.constant 32 : i32
    %jit3A_3 = arith.constant 127 : i32
    %max3A = arith.maxsi %jit3A, %min3A : i32
    %min3A_4 = arith.minsi %jit3A_3, %max3A : i32
    %c0_i32 = arith.constant 0 : i32
    %c0_i32_5 = arith.constant 0 : i32
    return %min3A_4, %c0_i32 : i32, i32
  }
  func.func @transform_7(%arg0: i32, %arg1: memref<128xi32, #tpu.memory_space<smem>>, %arg2: memref<1xi32, #tpu.memory_space<smem>>) -> (i32, i32) {
    %add3A = arith.constant 32 : i32
    %add3A_0 = arith.addi %arg0, %add3A : i32
    %get3A = arith.constant 0 : index
    %get3A_1 = memref.load %arg2[%get3A] : memref<1xi32, #tpu.memory_space<smem>>
    %sub3A = arith.constant 1 : i32
    %sub3A_2 = arith.subi %get3A_1, %sub3A : i32
    %min3A = arith.minsi %add3A_0, %sub3A_2 : i32
    %jit3A = arith.constant 32 : i32
    %jit3A_3 = arith.constant 127 : i32
    %max3A = arith.maxsi %jit3A, %min3A : i32
    %min3A_4 = arith.minsi %jit3A_3, %max3A : i32
    %c0_i32 = arith.constant 0 : i32
    %c0_i32_5 = arith.constant 0 : i32
    return %min3A_4, %c0_i32 : i32, i32
  }
}

</mosaic_0001>

<sc_bundles>
// kernel: kernel.10.cloned.1.call-start
scs
__scs_entry_jumppad:
0x0: {  	(pc) =	sbr.rel $0x88, $3  }
0x1: {  	(tag) =	ssettag $0x0;
	lr =	simm.s32 $0x1  }
0x2: {  	[smem:$0x3F9B] =	sst lr;
	_ =	strace $0xD0000000  }
0x3: {  	_ = 	snop  }
0x4: {  	_ = 	snop  }
0x5: {  	_ = 	snop  }
0x6: {  	_ = 	snop  }
0x7: {  	_ = 	snop  }
__scs_overlays_trampoline_lowered:
0x8: {  	[smem:$0x3FAA] =	sst s0  }
0x9: {  	[smem:$0x3FAB] =	sst s1  }
0xa: {  	[smem:$0x3FAC] =	sst s2  }
0xb: {  	[smem:$0x3FAD] =	sst s3  }
0xc: {  	[smem:$0x3FAE] =	sst s4  }
0xd: {  	[smem:$0x3FAF] =	sst s5  }
0xe: {  	[smem:$0x3FB0] =	sst s6  }
0xf: {  	[smem:$0x3FB1] =	sst s7  }
0x10: {  	[smem:$0x3FB2] =	sst s8  }
0x11: {  	[smem:$0x3FB3] =	sst s9;
	s0 =	simm.s32 @!p0 $0x0  }
0x12: {  	s1 =	sld [smem:$0x3F99];
	s0 =	simm.s32 @p0 $0x1  }
0x13: {  	[smem:$0x3FB4] =	sst s0;
	s0 =	simm.s32 @!p1 $0x0  }
0x14: {  	s2 =	sld [smem:$0x3F98];
	s0 =	simm.s32 @p1 $0x1  }
0x15: {  	[smem:$0x3FB5] =	sst s0;
	s0 =	simm.s32 @!p2 $0x0  }
0x16: {  	s3 =	sld [smem:$0x3FDB];
	s0 =	simm.s32 @p2 $0x1  }
0x17: {  	s4 =	simm.s32 $0x1BF5;
	[smem:$0x3FB7] =	sst s0  }
0x18: {  	s0 =	sld [smem:$0x3F9A];
	_ =	swait.ge [sflag:s4], $0x0  }
0x19: {  	s7 =	sld [smem:$0x3F9B]  }
0x1a: {  	s8 =	sadd.s32 $0xFFFFE003, lr  }
0x1b: {  	s9 =	sadd.s32 $0xFFFFFEF7, lr;
	s5 =	simm.s32 $0xFFFFFFFF;
	p2 =	slt.u32 s8, $0xFFFFF086  }
0x1c: {  	p1 =	slt.u32 s9, $0xF7A;
	s5 =	simm.s32 @!p2 $0x0  }
0x1d: {  	s5 =	simm.s32 @p1 $0x1;
	p0 =	seq.s32 s7, s2  }
0x1e: {  	s7 =	smul.u32 @!p0 $0xF7A, s2;
	p2 =	seq.s32 @!p0 s5, $0x0  }
0x1f: {  	s9 =	smul.u32 $0xF7A, s1;
	s8 =	simm.s32 @!p0 $0x1BF5;
	p2 =	por !p2, p0  }
0x20: {  	[sflag:s8] =	ssyncset.s32 @!p0 $0xFFFFF086;
	s6 =	sadd.s32 @!p0 s3, s7;
	s7 =	simm.s32 @!p0 $0x108  }
0x21: {  	s3 =	sadd.s32 s3, s9;
	s6 =	sadd.s32 @!p0 $0x88, s6;
	s7 =	simm.s32 @p2 $0x1082  }
0x22: {  	[simem:s7], [sflag:s8] =	dma.local @!p0 [hbm:s6], $0xF7A  }
0x23: {  	s9 =	sor.u32 $0xD0000000, s2;
	s6 =	simm.s32 $0x108;
	_ =	swait.ge @!p0 [sflag:s8], $0x0  }
0x24: {  	s3 =	sadd.s32 $0x88, s3;
	s6 =	simm.s32 @!p1 $0x1082;
	[sflag:s4] =	ssyncset.s32 $0xFFFFF086  }
0x25: {  	[simem:s6], [sflag:s4] =	dma.local [hbm:s3], $0xF7A  }
0x26: {  	[smem:$0x3F9B] =	sst s1;
	(tag) =	ssettag s2;
	_ =	strace s9  }
0x27: {  	s1 =	sld [smem:$0x3FAB]  }
0x28: {  	s2 =	sld [smem:$0x3FAC]  }
0x29: {  	s4 =	sld [smem:$0x3FAE]  }
0x2a: {  	p0 =	seq.s32 s5, $0x0;
	s5 =	sld [smem:$0x3FAF]  }
0x2b: {  	s6 =	sld [smem:$0x3FB0]  }
0x2c: {  	s7 =	sld [smem:$0x3FB1]  }
0x2d: {  	s3 =	simm.s32 $0x108;
	s8 =	sld [smem:$0x3FB2]  }
0x2e: {  	s3 =	simm.s32 @!p0 $0x1082;
	s9 =	sld [smem:$0x3FB3]  }
0x2f: {  	lr =	sadd.s32 s0, s3;
	s0 =	sld [smem:$0x3FAA]  }
0x30: {  	s3 =	sld [smem:$0x3FAD]  }
0x31: {  	[smem:$0x3FB6] =	sst s10  }
0x32: {  	s10 =	sld [smem:$0x3FB4];
	_ =	sdelay $0x3  }
0x33: {  	p0 =	seq.s32 s10, $0x1;
	s10 =	sld [smem:$0x3FB6];
	_ =	sdelay $0x3  }
0x34: {  	[smem:$0x3FB6] =	sst s10  }
0x35: {  	s10 =	sld [smem:$0x3FB5];
	_ =	sdelay $0x3  }
0x36: {  	p1 =	seq.s32 s10, $0x1;
	s10 =	sld [smem:$0x3FB6];
	_ =	sdelay $0x3  }
0x37: {  	[smem:$0x3FB6] =	sst s10  }
0x38: {  	s10 =	sld [smem:$0x3FB7]  }
0x39: {  	_ = 	snop;
	(pc) =	sbr.ind lr, $3  }
0x3a: {  	_ = 	snop  }
0x3b: {  	_ = 	snop  }
0x3c: {  	p2 =	seq.s32 s10, $0x1;
	s10 =	sld [smem:$0x3FB6]  }
0x3d: {  	_ =	shalt  }
0x3e: {  	_ =	shalt  }
0x3f: {  	_ =	shalt  }
0x40: {  	_ =	shalt  }
0x41: {  	_ =	shalt  }
0x42: {  	_ =	shalt  }
0x43: {  	_ =	shalt  }
0x44: {  	_ =	shalt  }
0x45: {  	_ =	shalt  }
0x46: {  	_ =	shalt  }
0x47: {  	_ =	shalt  }
0x48: {  	_ =	shalt  }
0x49: {  	_ =	shalt  }
0x4a: {  	_ =	shalt  }
0x4b: {  	_ =	shalt  }
0x4c: {  	_ =	shalt  }
0x4d: {  	_ =	shalt  }
0x4e: {  	_ =	shalt  }
0x4f: {  	_ =	shalt  }
0x50: {  	_ =	shalt  }
0x51: {  	_ =	shalt  }
0x52: {  	_ =	shalt  }
0x53: {  	_ =	shalt  }
0x54: {  	_ =	shalt  }
0x55: {  	_ =	shalt  }
0x56: {  	_ =	shalt  }
0x57: {  	_ =	shalt  }
0x58: {  	_ =	shalt  }
0x59: {  	_ =	shalt  }
0x5a: {  	_ =	shalt  }
0x5b: {  	_ =	shalt  }
0x5c: {  	_ =	shalt  }
0x5d: {  	_ =	shalt  }
0x5e: {  	_ =	shalt  }
0x5f: {  	_ =	shalt  }
0x60: {  	_ =	shalt  }
0x61: {  	_ =	shalt  }
0x62: {  	_ =	shalt  }
0x63: {  	_ =	shalt  }
0x64: {  	_ =	shalt  }
0x65: {  	_ =	shalt  }
0x66: {  	_ =	shalt  }
0x67: {  	_ =	shalt  }
0x68: {  	_ =	shalt  }
0x69: {  	_ =	shalt  }
0x6a: {  	_ =	shalt  }
0x6b: {  	_ =	shalt  }
0x6c: {  	_ =	shalt  }
0x6d: {  	_ =	shalt  }
0x6e: {  	_ =	shalt  }
0x6f: {  	_ =	shalt  }
0x70: {  	_ =	shalt  }
0x71: {  	_ =	shalt  }
0x72: {  	_ =	shalt  }
0x73: {  	_ =	shalt  }
0x74: {  	_ =	shalt  }
0x75: {  	_ =	shalt  }
0x76: {  	_ =	shalt  }
0x77: {  	_ =	shalt  }
0x78: {  	_ =	shalt  }
0x79: {  	_ =	shalt  }
0x7a: {  	_ =	shalt  }
0x7b: {  	_ =	shalt  }
0x7c: {  	_ =	shalt  }
0x7d: {  	_ =	shalt  }
0x7e: {  	_ =	shalt  }
0x7f: {  	_ =	shalt  }
0x80: {  	_ =	shalt  }
0x81: {  	_ =	shalt  }
0x82: {  	_ =	shalt  }
0x83: {  	_ =	shalt  }
0x84: {  	_ =	shalt  }
0x85: {  	_ =	shalt  }
0x86: {  	_ =	shalt  }
0x87: {  	_ =	shalt  }
.Lfunc_end0:
.L_simem_size_0:
called_computation.3_lowered:
.L_overlay_start_0:
0x88: {  	s2 =	sld [smem:$0x3FD9]  }
0x89: {  	s3 =	sld [smem:$0x3FFE];
	_ =	sdelay $0x1  }
0x8a: {  	s1 =	srdreg.scid  }
0x8b: {  	s0 =	sand.u32 $0x1, s1  }
0x8c: {  	s17 =	sshll.u32 s0, $0xA;
	s2 =	sadd.s32 s3, s2  }
0x8d: {  	s2 =	sadd.s32 s2, s17  }
0x8e: {  	[smem:$0x3FC2] =	sst s2  }
0x8f: {  	_ = 	snop  }
0x90: {  	s2 =	sld [smem:$0x3FD0];
	(tm) =	ssettm $0x1  }
0x91: {  	s18 =	sld [smem:$0x3FFB];
	_ =	sdelay $0x3  }
0x92: {  	_ =	strace s18  }
0x93: {  	s3 =	sld [smem:$0x3FFC];
	_ =	sdelay $0x3  }
0x94: {  	_ =	strace s3  }
0x95: {  	s3 =	sld [smem:$0x3FFD];
	_ =	sdelay $0x3  }
0x96: {  	_ =	strace s3  }
0x97: {  	_ =	strace $0x8FFFFFFF  }
0x98: {  	s19 =	sld [smem:$0x3FDB];
	_ =	sdelay $0x1  }
0x99: {  	s4 =	simm.s32 $_scs_section_size  }
0x9a: {  	s5 =	simm.s32 $_size__tile_overlayer_lowered;
	s6 =	simm.s32 $_tile_overlayer_lowered  }
0x9b: {  	s22 =	simm.s32 $0x1BFF;
	s21 =	sshll.u32 s6, $0x1;
	s3 =	sadd.s32 s4, s19  }
0x9c: {  	s7 =	simm.s32 $0x0;
	s20 =	sshll.u32 s5, $0x1;
	s5 =	sadd.s32 s21, s3  }
0x9d: {  	[timem:s7], [sflag:s22] =	dma.local [hbm:s5], s20  }
0x9e: {  	_ =	swait.ge [sflag:s22], s20  }
0x9f: {  	s4 =	ssub.s32 $0x0, s20;
	[sflag:s22] =	ssyncset.done $0x0  }
0xa0: {  	[sflag:s22] =	ssyncadd.s32 s4;
	_ =	sdelay $0x1  }
0xa1: {  	s23 =	simm.s32 $0x1B8B  }
0xa2: {  	_ =	swait.ge [sflag:s23], $0x1  }
0xa3: {  	[sflag:s23] =	ssyncset.done $0x0  }
0xa4: {  	s25 =	simm.s32 $0x1B8E;
	s24 =	sld [smem:$0x3FFE];
	[sflag:s23] =	ssyncadd.s32 $0xFFFFFFFF  }
0xa5: {  	s26 =	simm.s32 $execute0_lowered;
	[smem:$0x3FD2] =	sst s25  }
0xa6: {  	s5 =	sshll.u32 s26, $0x1;
	_ =	strace $0x8000004F;
	[dreg:$0x1] =	wrdreg $0xFFFFFFFF  }
0xa7: {  	s28 =	simm.s32 $_size_execute0_lowered;
	s3 =	sadd.s32 s3, s5;
	[dreg:$0x0] =	wrdreg $0x0  }
0xa8: {  	s5 =	sshll.u32 s28, $0x1;
	[dreg:$0x2] =	wrdreg s3  }
0xa9: {  	[dreg:$0x3] =	wrdreg s5  }
0xaa: {  	[dreg:$0x4] =	wrdreg $0xC0  }
0xab: {  	_ =	task [dreg:s7], $0x5FFFF  }
0xac: {  	[dreg:$0x1] =	wrdreg $0xFFFFFFFF  }
0xad: {  	[dreg:$0x0] =	wrdreg $0x60  }
0xae: {  	[dreg:$0x2] =	wrdreg s24  }
0xaf: {  	[dreg:$0x3] =	wrdreg s2  }
0xb0: {  	[dreg:$0x4] =	wrdreg $0x9  }
0xb1: {  	_ =	task.clear_ibuf [dreg:s7], $0x5FFFF;
	_ =	strace $0x9000004F  }
0xb2: {  	s29 =	simm.s32 $0x9;
	_ =	strace $0x80000051  }
0xb3: {  	_ =	swait.ge [sflag:s29], $0x1  }
0xb4: {  	[sflag:s29] =	ssyncadd.s32 $0xFFFFFFFF  }
0xb5: {  	_ =	strace $0x90000051  }
0xb6: {  	_ =	sfence  }
0xb7: {  	s30 =	sld [smem:$0x0];
	_ =	sdelay $0x2  }
0xb8: {  	s31 =	sshll.u32 s1, $0xD;
	s1 =	sshrl.u32 s1, $0x2  }
0xb9: {  	s3 =	sand.u32 $0x4000, s31;
	s1 =	sadd.s32 s1, s30  }
0xba: {  	s0 =	sor.u32 s3, s0;
	s1 =	sshll.u32 s1, $0x11  }
0xbb: {  	s0 =	sor.u32 s1, s0  }
0xbc: {  	s0 =	sadd.s32 $0x8F2B, s0  }
0xbd: {  	[sflag:s0] =	ssyncadd.remote.s32 $0x1  }
0xbe: {  	_ =	sfence.sel $0xFFFF  }
0xbf: {  	[dreg:$0x0] =	wrdreg $0xFFFFFFFF;
	(pc) =	sbr.abs _section_cstart, $3  }
0xc0: {  	[dreg:$0x1] =	wrdreg $0xFFFFFFFF  }
0xc1: {  	_ =	task.clear_ibuf [dreg:s7], $0x2FFFF;
	_ =	strace $0x9FFFFFFF  }
0xc2: {  	(tm) =	ssettm $0x7FFFFFFF  }
0xc3: {  	_ =	shalt  }
tec
execute0_lowered:
.L_overlay_start_1:
0x0: {  	(tag) =	ssettag $0x1  }
0x1: {  	s0 =	rddreg [dreg:$0x0]  }
0x2: {  	s1 =	simm.s32 $0x0;
	s24 =	srdreg.scid;
	s7 =	stileid.u32  }
0x3: {  	s11 =	simm.s32 $0x3;
	s13 =	simm.s32 $0x100;
	s22 =	simm.s32 $0x4900  }
0x4: {  	s23 =	simm.s32 $0x5100;
	s28 =	simm.s32 $0x7100;
	s29 =	simm.s32 $0x7900  }
0x5: {  	s30 =	simm.s32 $0x8100;
	s31 =	simm.s32 $0x8900;
	s10 =	simm.s32 $0xA100  }
0x6: {  	s12 =	simm.s32 $0xB900;
	s14 =	simm.s32 $0x1;
	s15 =	simm.s32 $0x2  }
0x7: {  	s17 =	simm.s32 $0x0;
	[smem:$0x7FF] =	sst s1;
	s1 =	sand.u32 $0x1, s24  }
0x8: {  	s4 =	sadd.s32 $0x93000, s0;
	s5 =	sadd.s32 $0x92E00, s0;
	s6 =	sadd.s32 $0x2400, s0  }
0x9: {  	s25 =	sshll.u32 s7, $0x4;
	s8 =	sadd.s32 $0x93100, s0;
	s9 =	sadd.s32 $0x93200, s0  }
0xa: {  	s24 =	simm.s32 $0x5900;
	s0 =	simm.s32 $0x9100;
	s2 =	ssub.s32 $0x2, s1  }
0xb: {  	_ =	strace $0x80000050;
	s1 =	sshll.u32 s1, $0x3;
	s3 =	sshrl.u32 s2, $0x1  }
0xc: {  	v2 =	vlaneseq.u32;
	s7 =	sor.u32 s1, s25;
	s25 =	simm.s32 $0x6100;
	s2 =	ssub.s32 s2, s3  }
0xd: {  	vm0 =	vmmov $0xffff;
	v1 =	vshrl.u32 v2, $0x3;
	s1 =	simm.s32 $0xA900;
	s3 =	simm.s32 $0x9900;
	s26 =	smax.u32 s2, $0x1  }
0xe: {  	v0 =	vand.u32 $0x7, v2;
	v2 =	vor.u32 $0x8, v2;
	v1 =	vmul.u32 $0x8, v1;
	s2 =	simm.s32 $0xB100;
	[dreg:$0x3] =	wrdreg s26;
	s26 =	simm.s32 $0x6900  }
.LBB2_1:
0xf: {  	[dreg:$0x4] =	wrdreg s17;
	p1 =	por $0x1, $0x1;
	s16 =	simm.s32 $0x0  }
.LBB2_2:
0x10: {  	s16 =	sor.u32 s7, s16  }
0x11: {  	s17 =	simm.s32 $0x0;
	s18 =	sadd.s32 s5, s16  }
0x12: {  	[tilespmem:s17], [sflag:$0x3] =	stream.linear.gather [hbm4b:s18+s17], $0x20, $0x38;
	[tilespmem:$0xC100] =	vst v63  }
0x13: {  	_ =	swait.ge [sflag:s11], $0x20  }
0x14: {  	[sflag:s11] =	ssyncset.done $0x0  }
0x15: {  	s19 =	simm.s32 $0x80;
	s20 =	sadd.s32 s6, s16;
	[sflag:s11] =	ssyncadd.s32 $0xFFFFFFE0  }
0x16: {  	[tilespmem:s19], [sflag:$0x3] =	stream.linear.gather [hbm4b:s20+s17], $0x20, $0x38;
	[tilespmem:$0xC100] =	vst v63  }
0x17: {  	_ =	swait.ge [sflag:s11], $0x20  }
0x18: {  	[sflag:s11] =	ssyncset.done $0x0  }
0x19: {  	[sflag:s11] =	ssyncadd.s32 $0xFFFFFFE0  }
0x1a: {  	v3 =	vld [tilespmem:$0x0];
	_ =	sdelay $0x4  }
0x1b: {  	v4 =	vshrl.u32 v3, $0x3  }
0x1c: {  	v4 =	vmul.u32 $0x30, v4  }
0x1d: {  	v3 =	vand.u32 $0x7, v3  }
0x1e: {  	v3 =	vor.u32 v3, v4  }
0x1f: {  	v4 =	vperm.xlane v3, v0;
	_ =	sdelay $0x1  }
0x20: {  	v4 =	vadd.s32 v1, v4;
	_ =	sdelay $0x3  }
0x21: {  	v3 =	vperm.xlane v3, v2  }
0x22: {  	[tilespmem:s13], [sflag:$0x1] =	stream.indirect_vreg.gather [hbm4b:s4+s17], $0x80, v4, vm0, $0xb8;
	[tilespmem:$0xC100] =	vst v63  }
0x23: {  	s21 =	simm.s32 $0x900;
	v3 =	vadd.s32 v1, v3  }
0x24: {  	[tilespmem:s21], [sflag:$0x1] =	stream.indirect_vreg.gather [hbm4b:s8+s17], $0x80, v4, vm0, $0xb8;
	[tilespmem:$0xC100] =	vst v63  }
0x25: {  	s19 =	simm.s32 $0x1100  }
0x26: {  	[tilespmem:s19], [sflag:$0x1] =	stream.indirect_vreg.gather [hbm4b:s9+s17], $0x80, v4, vm0, $0xb8;
	[tilespmem:$0xC100] =	vst v63  }
0x27: {  	s20 =	simm.s32 $0x1900  }
0x28: {  	[tilespmem:s20], [sflag:$0x1] =	stream.indirect_vreg.gather [hbm4b:s4+s17], $0x80, v3, vm0, $0xb8;
	[tilespmem:$0xC100] =	vst v63  }
0x29: {  	s21 =	simm.s32 $0x2100  }
0x2a: {  	[tilespmem:s21], [sflag:$0x1] =	stream.indirect_vreg.gather [hbm4b:s8+s17], $0x80, v3, vm0, $0xb8;
	[tilespmem:$0xC100] =	vst v63  }
0x2b: {  	s19 =	simm.s32 $0x2900  }
0x2c: {  	[tilespmem:s19], [sflag:$0x1] =	stream.indirect_vreg.gather [hbm4b:s9+s17], $0x80, v3, vm0, $0xb8;
	[tilespmem:$0xC100] =	vst v63  }
0x2d: {  	v3 =	vld [tilespmem:$0x10];
	_ =	sdelay $0x4  }
0x2e: {  	v4 =	vshrl.u32 v3, $0x3  }
0x2f: {  	v4 =	vmul.u32 $0x30, v4  }
0x30: {  	v3 =	vand.u32 $0x7, v3  }
0x31: {  	v3 =	vor.u32 v3, v4  }
0x32: {  	v4 =	vperm.xlane v3, v0;
	_ =	sdelay $0x1  }
0x33: {  	v4 =	vadd.s32 v1, v4;
	_ =	sdelay $0x3  }
0x34: {  	s20 =	simm.s32 $0x3100;
	v3 =	vperm.xlane v3, v2  }
0x35: {  	[tilespmem:s20], [sflag:$0x1] =	stream.indirect_vreg.gather [hbm4b:s4+s17], $0x80, v4, vm0, $0xb8;
	[tilespmem:$0xC100] =	vst v63  }
0x36: {  	s21 =	simm.s32 $0x3900;
	v3 =	vadd.s32 v1, v3  }
0x37: {  	[tilespmem:s21], [sflag:$0x1] =	stream.indirect_vreg.gather [hbm4b:s8+s17], $0x80, v4, vm0, $0xb8;
	[tilespmem:$0xC100] =	vst v63  }
0x38: {  	s19 =	simm.s32 $0x4100  }
0x39: {  	[tilespmem:s19], [sflag:$0x1] =	stream.indirect_vreg.gather [hbm4b:s9+s17], $0x80, v4, vm0, $0xb8;
	[tilespmem:$0xC100] =	vst v63  }
0x3a: {  	_ = 	snop  }
0x3b: {  	[tilespmem:s22], [sflag:$0x1] =	stream.indirect_vreg.gather [hbm4b:s4+s17], $0x80, v3, vm0, $0xb8;
	[tilespmem:$0xC100] =	vst v63  }
0x3c: {  	_ = 	snop  }
0x3d: {  	[tilespmem:s23], [sflag:$0x1] =	stream.indirect_vreg.gather [hbm4b:s8+s17], $0x80, v3, vm0, $0xb8;
	[tilespmem:$0xC100] =	vst v63  }
0x3e: {  	_ = 	snop  }
0x3f: {  	[tilespmem:s24], [sflag:$0x1] =	stream.indirect_vreg.gather [hbm4b:s9+s17], $0x80, v3, vm0, $0xb8;
	[tilespmem:$0xC100] =	vst v63  }
0x40: {  	v3 =	vld [tilespmem:$0x80];
	_ =	sdelay $0x4  }
0x41: {  	v4 =	vshrl.u32 v3, $0x3  }
0x42: {  	v4 =	vmul.u32 $0x30, v4  }
0x43: {  	v3 =	vand.u32 $0x7, v3  }
0x44: {  	v3 =	vor.u32 v3, v4  }
0x45: {  	v4 =	vperm.xlane v3, v0;
	_ =	sdelay $0x1  }
0x46: {  	v4 =	vadd.s32 v1, v4;
	_ =	sdelay $0x3  }
0x47: {  	v3 =	vperm.xlane v3, v2  }
0x48: {  	[tilespmem:s25], [sflag:$0x2] =	stream.indirect_vreg.gather [hbm4b:s4+s17], $0x80, v4, vm0, $0xb8;
	[tilespmem:$0xC100] =	vst v63  }
0x49: {  	v3 =	vadd.s32 v1, v3  }
0x4a: {  	[tilespmem:s26], [sflag:$0x2] =	stream.indirect_vreg.gather [hbm4b:s8+s17], $0x80, v4, vm0, $0xb8;
	[tilespmem:$0xC100] =	vst v63  }
0x4b: {  	_ = 	snop  }
0x4c: {  	[tilespmem:s28], [sflag:$0x2] =	stream.indirect_vreg.gather [hbm4b:s9+s17], $0x80, v4, vm0, $0xb8;
	[tilespmem:$0xC100] =	vst v63  }
0x4d: {  	_ = 	snop  }
0x4e: {  	[tilespmem:s29], [sflag:$0x2] =	stream.indirect_vreg.gather [hbm4b:s4+s17], $0x80, v3, vm0, $0xb8;
	[tilespmem:$0xC100] =	vst v63  }
0x4f: {  	_ = 	snop  }
0x50: {  	[tilespmem:s30], [sflag:$0x2] =	stream.indirect_vreg.gather [hbm4b:s8+s17], $0x80, v3, vm0, $0xb8;
	[tilespmem:$0xC100] =	vst v63  }
0x51: {  	_ = 	snop  }
0x52: {  	[tilespmem:s31], [sflag:$0x2] =	stream.indirect_vreg.gather [hbm4b:s9+s17], $0x80, v3, vm0, $0xb8;
	[tilespmem:$0xC100] =	vst v63  }
0x53: {  	v3 =	vld [tilespmem:$0x90];
	_ =	sdelay $0x4  }
0x54: {  	v4 =	vshrl.u32 v3, $0x3  }
0x55: {  	v4 =	vmul.u32 $0x30, v4  }
0x56: {  	v3 =	vand.u32 $0x7, v3  }
0x57: {  	v3 =	vor.u32 v3, v4  }
0x58: {  	v4 =	vperm.xlane v3, v0;
	_ =	sdelay $0x1  }
0x59: {  	v4 =	vadd.s32 v1, v4;
	_ =	sdelay $0x3  }
0x5a: {  	v3 =	vperm.xlane v3, v2  }
0x5b: {  	[tilespmem:s0], [sflag:$0x2] =	stream.indirect_vreg.gather [hbm4b:s4+s17], $0x80, v4, vm0, $0xb8;
	[tilespmem:$0xC100] =	vst v63  }
0x5c: {  	v3 =	vadd.s32 v1, v3  }
0x5d: {  	[tilespmem:s3], [sflag:$0x2] =	stream.indirect_vreg.gather [hbm4b:s8+s17], $0x80, v4, vm0, $0xb8;
	[tilespmem:$0xC100] =	vst v63  }
0x5e: {  	_ = 	snop  }
0x5f: {  	[tilespmem:s10], [sflag:$0x2] =	stream.indirect_vreg.gather [hbm4b:s9+s17], $0x80, v4, vm0, $0xb8;
	[tilespmem:$0xC100] =	vst v63  }
0x60: {  	_ = 	snop  }
0x61: {  	[tilespmem:s1], [sflag:$0x2] =	stream.indirect_vreg.gather [hbm4b:s4+s17], $0x80, v3, vm0, $0xb8;
	[tilespmem:$0xC100] =	vst v63  }
0x62: {  	_ = 	snop  }
0x63: {  	[tilespmem:s2], [sflag:$0x2] =	stream.indirect_vreg.gather [hbm4b:s8+s17], $0x80, v3, vm0, $0xb8;
	[tilespmem:$0xC100] =	vst v63  }
0x64: {  	_ = 	snop  }
0x65: {  	[tilespmem:s12], [sflag:$0x2] =	stream.indirect_vreg.gather [hbm4b:s9+s17], $0x80, v3, vm0, $0xb8;
	[tilespmem:$0xC100] =	vst v63  }
0x66: {  	_ =	swait.ge [sflag:s14], $0x6000  }
0x67: {  	[sflag:s14] =	ssyncset.done $0x0  }
0x68: {  	s20 =	simm.s32 $0x0;
	[sflag:s14] =	ssyncadd.s32 $0xFFFFA000  }
0x69: {  	s18 =	smul.u32 $0x1800, s20;
	_ =	swait.ge [sflag:s15], $0x6000  }
0x6a: {  	s21 =	sand.u32 $0x380, s17;
	[sflag:s15] =	ssyncset.done $0x0  }
0x6b: {  	s18 =	sor.u32 s21, s18;
	[sflag:s15] =	ssyncadd.s32 $0xFFFFA000  }
0x6c: {  	v14 =	vld [tilespmem:s18+$0x6100]  }
0x6d: {  	v15 =	vld [tilespmem:s18+$0x6110]  }
0x6e: {  	v16 =	vld [tilespmem:s18+$0x6120]  }
0x6f: {  	v17 =	vld [tilespmem:s18+$0x6130]  }
0x70: {  	v18 =	vld [tilespmem:s18+$0x6140]  }
0x71: {  	v19 =	vld [tilespmem:s18+$0x6150]  }
0x72: {  	v20 =	vld [tilespmem:s18+$0x6160]  }
0x73: {  	v21 =	vld [tilespmem:s18+$0x6170]  }
0x74: {  	v22 =	vld [tilespmem:s18+$0x6500]  }
0x75: {  	v23 =	vld [tilespmem:s18+$0x6510]  }
0x76: {  	v24 =	vld [tilespmem:s18+$0x6520]  }
0x77: {  	v25 =	vld [tilespmem:s18+$0x6530]  }
0x78: {  	v26 =	vld [tilespmem:s18+$0x6540]  }
0x79: {  	v27 =	vld [tilespmem:s18+$0x6550]  }
0x7a: {  	v28 =	vld [tilespmem:s18+$0x6560]  }
0x7b: {  	v29 =	vld [tilespmem:s18+$0x6570]  }
0x7c: {  	v30 =	vld [tilespmem:s18+$0x6900]  }
0x7d: {  	v31 =	vld [tilespmem:s18+$0x6910]  }
0x7e: {  	v32 =	vld [tilespmem:s18+$0x6920]  }
0x7f: {  	v33 =	vld [tilespmem:s18+$0x6930]  }
0x80: {  	v34 =	vld [tilespmem:s18+$0x6940]  }
0x81: {  	v35 =	vld [tilespmem:s18+$0x6950]  }
0x82: {  	v36 =	vld [tilespmem:s18+$0x6960]  }
0x83: {  	v37 =	vld [tilespmem:s18+$0x6970]  }
0x84: {  	v38 =	vld [tilespmem:s18+$0x6D00]  }
0x85: {  	v39 =	vld [tilespmem:s18+$0x6D10]  }
0x86: {  	v40 =	vld [tilespmem:s18+$0x6D20]  }
0x87: {  	v41 =	vld [tilespmem:s18+$0x6D30]  }
0x88: {  	v42 =	vld [tilespmem:s18+$0x6D40]  }
0x89: {  	v43 =	vld [tilespmem:s18+$0x6D50]  }
0x8a: {  	v44 =	vld [tilespmem:s18+$0x6D60]  }
0x8b: {  	v45 =	vld [tilespmem:s18+$0x6D70]  }
0x8c: {  	v46 =	vld [tilespmem:s18+$0x7100]  }
0x8d: {  	v47 =	vld [tilespmem:s18+$0x7110]  }
0x8e: {  	v48 =	vld [tilespmem:s18+$0x7120]  }
0x8f: {  	v49 =	vld [tilespmem:s18+$0x7130]  }
0x90: {  	v50 =	vld [tilespmem:s18+$0x7140]  }
0x91: {  	v12 =	vld [tilespmem:s18+$0x7150]  }
0x92: {  	v13 =	vld [tilespmem:s18+$0x7160]  }
0x93: {  	v11 =	vld [tilespmem:s18+$0x7170]  }
0x94: {  	v10 =	vld [tilespmem:s18+$0x7500]  }
0x95: {  	v9 =	vld [tilespmem:s18+$0x7510]  }
0x96: {  	v8 =	vld [tilespmem:s18+$0x7520]  }
0x97: {  	v7 =	vld [tilespmem:s18+$0x7530]  }
0x98: {  	v6 =	vld [tilespmem:s18+$0x7540]  }
0x99: {  	v51 =	vld [tilespmem:s18+$0x100]  }
0x9a: {  	v52 =	vld [tilespmem:s18+$0x110]  }
0x9b: {  	v53 =	vld [tilespmem:s18+$0x120]  }
0x9c: {  	v54 =	vld [tilespmem:s18+$0x130]  }
0x9d: {  	v55 =	vld [tilespmem:s18+$0x140]  }
0x9e: {  	v61 =	vld [tilespmem:s18+$0x150];
	v14 =	vadd.f32 v14, v51  }
0x9f: {  	v62 =	vld [tilespmem:s18+$0x160];
	v15 =	vadd.f32 v15, v52  }
0xa0: {  	[tilespmem:s18+$0x100] =	vst v14;
	v14 =	vadd.f32 v16, v53;
	v16 =	vld [tilespmem:s18+$0x170]  }
0xa1: {  	[tilespmem:s18+$0x110] =	vst v15;
	v15 =	vadd.f32 v17, v54;
	v17 =	vld [tilespmem:s18+$0x500]  }
0xa2: {  	[tilespmem:s18+$0x120] =	vst v14;
	v14 =	vadd.f32 v18, v55;
	v18 =	vld [tilespmem:s18+$0x510]  }
0xa3: {  	[tilespmem:s18+$0x130] =	vst v15;
	v15 =	vadd.f32 v19, v61;
	v19 =	vld [tilespmem:s18+$0x520]  }
0xa4: {  	v5 =	vld [tilespmem:s18+$0x7550];
	[tilespmem:s18+$0x140] =	vst v14;
	v14 =	vadd.f32 v20, v62  }
0xa5: {  	[tilespmem:s18+$0x150] =	vst v15;
	v20 =	vld [tilespmem:s18+$0x570];
	v15 =	vadd.f32 v21, v16  }
0xa6: {  	v16 =	vld [tilespmem:s18+$0x530];
	[tilespmem:s18+$0x160] =	vst v14;
	v14 =	vadd.f32 v22, v17  }
0xa7: {  	v17 =	vld [tilespmem:s18+$0x540];
	[tilespmem:s18+$0x170] =	vst v15  }
0xa8: {  	v15 =	vadd.f32 v23, v18;
	v18 =	vadd.f32 v24, v19;
	[tilespmem:s18+$0x500] =	vst v14;
	v14 =	vld [tilespmem:s18+$0x550]  }
0xa9: {  	v19 =	vld [tilespmem:s18+$0x560]  }
0xaa: {  	[tilespmem:s18+$0x520] =	vst v18;
	v18 =	vld [tilespmem:s18+$0x910];
	v20 =	vadd.f32 v29, v20  }
0xab: {  	[tilespmem:s18+$0x510] =	vst v15;
	v15 =	vld [tilespmem:s18+$0x900];
	v16 =	vadd.f32 v25, v16  }
0xac: {  	v4 =	vld [tilespmem:s18+$0x7560];
	v17 =	vadd.f32 v26, v17;
	[tilespmem:s18+$0x570] =	vst v20  }
0xad: {  	[tilespmem:s18+$0x530] =	vst v16;
	v16 =	vld [tilespmem:s18+$0x920];
	v14 =	vadd.f32 v27, v14  }
0xae: {  	v19 =	vadd.f32 v28, v19;
	[tilespmem:s18+$0x540] =	vst v17;
	v17 =	vld [tilespmem:s18+$0x930]  }
0xaf: {  	v18 =	vadd.f32 v31, v18;
	[tilespmem:s18+$0x550] =	vst v14;
	v14 =	vld [tilespmem:s18+$0x940]  }
0xb0: {  	[tilespmem:s18+$0x560] =	vst v19;
	v15 =	vadd.f32 v30, v15;
	v19 =	vld [tilespmem:s18+$0x950]  }
0xb1: {  	[tilespmem:s18+$0x910] =	vst v18;
	v18 =	vld [tilespmem:s18+$0x960]  }
0xb2: {  	v20 =	vld [tilespmem:s18+$0x970];
	[tilespmem:s18+$0x900] =	vst v15;
	v15 =	vadd.f32 v32, v16  }
0xb3: {  	v16 =	vld [tilespmem:s18+$0xD00];
	v17 =	vadd.f32 v33, v17  }
0xb4: {  	[tilespmem:s18+$0x920] =	vst v15;
	v15 =	vld [tilespmem:s18+$0xD10];
	v14 =	vadd.f32 v34, v14  }
0xb5: {  	v19 =	vadd.f32 v35, v19;
	[tilespmem:s18+$0x930] =	vst v17;
	v17 =	vld [tilespmem:s18+$0xD20]  }
0xb6: {  	v18 =	vadd.f32 v36, v18;
	[tilespmem:s18+$0x940] =	vst v14;
	v14 =	vld [tilespmem:s18+$0xD30]  }
0xb7: {  	v20 =	vadd.f32 v37, v20;
	[tilespmem:s18+$0x950] =	vst v19;
	v19 =	vld [tilespmem:s18+$0xD40]  }
0xb8: {  	v16 =	vadd.f32 v38, v16;
	[tilespmem:s18+$0x960] =	vst v18;
	v18 =	vld [tilespmem:s18+$0xD50]  }
0xb9: {  	[tilespmem:s18+$0x970] =	vst v20;
	v20 =	vld [tilespmem:s18+$0xD70];
	v15 =	vadd.f32 v39, v15  }
0xba: {  	[tilespmem:s18+$0xD00] =	vst v16;
	v16 =	vadd.f32 v40, v17;
	v17 =	vld [tilespmem:s18+$0xD60]  }
0xbb: {  	[tilespmem:s18+$0xD10] =	vst v15;
	v15 =	vld [tilespmem:s18+$0x1100];
	v14 =	vadd.f32 v41, v14  }
0xbc: {  	v19 =	vadd.f32 v42, v19;
	[tilespmem:s18+$0xD20] =	vst v16;
	v16 =	vld [tilespmem:s18+$0x1110]  }
0xbd: {  	v18 =	vadd.f32 v43, v18;
	[tilespmem:s18+$0xD30] =	vst v14;
	v14 =	vld [tilespmem:s18+$0x1120]  }
0xbe: {  	v20 =	vadd.f32 v45, v20;
	[tilespmem:s18+$0xD40] =	vst v19;
	v19 =	vld [tilespmem:s18+$0x1130]  }
0xbf: {  	v17 =	vadd.f32 v44, v17;
	[tilespmem:s18+$0xD50] =	vst v18;
	v18 =	vld [tilespmem:s18+$0x1140]  }
0xc0: {  	v3 =	vld [tilespmem:s18+$0x7570];
	[tilespmem:s18+$0xD70] =	vst v20;
	v15 =	vadd.f32 v46, v15  }
0xc1: {  	v63 =	vld [tilespmem:s18+$0x1150];
	[tilespmem:s18+$0xD60] =	vst v17;
	v16 =	vadd.f32 v47, v16  }
0xc2: {  	v20 =	vld [tilespmem:s18+$0x1160];
	[tilespmem:s18+$0x1100] =	vst v15;
	v14 =	vadd.f32 v48, v14  }
0xc3: {  	v17 =	vld [tilespmem:s18+$0x1170];
	[tilespmem:s18+$0x1110] =	vst v16;
	v16 =	vadd.f32 v49, v19  }
0xc4: {  	v15 =	vld [tilespmem:s18+$0x1500];
	v18 =	vadd.f32 v50, v18;
	[tilespmem:s18+$0x1120] =	vst v14  }
0xc5: {  	v14 =	vld [tilespmem:s18+$0x1510];
	[tilespmem:s18+$0x1130] =	vst v16  }
0xc6: {  	v16 =	vld [tilespmem:s18+$0x1520];
	[tilespmem:s18+$0x1140] =	vst v18;
	v18 =	vadd.f32 v12, v63  }
0xc7: {  	p0 =	por p1, p1;
	s19 =	simm.s32 $0x1;
	v13 =	vadd.f32 v13, v20;
	v12 =	vld [tilespmem:s18+$0x1530]  }
.LBB2_3:
0xc8: {  	s20 =	sshrl.u32 s19, $0x3;
	p1 =	sne.s32 s19, $0x1F;
	[tilespmem:s18+$0x1150] =	vst v18;
	v11 =	vadd.f32 v11, v17;
	v17 =	vld [tilespmem:s18+$0x1540]  }
0xc9: {  	s17 =	sadd.s32 $0x80, s17;
	s20 =	smul.u32 $0x1800, s20;
	[tilespmem:s18+$0x1160] =	vst v13;
	v10 =	vadd.f32 v10, v15;
	v13 =	vld [tilespmem:s18+$0x1550]  }
0xca: {  	s21 =	sand.u32 $0x380, s17;
	[tilespmem:s18+$0x1170] =	vst v11;
	v9 =	vadd.f32 v9, v14;
	v11 =	vld [tilespmem:s18+$0x1560]  }
0xcb: {  	s20 =	sor.u32 s21, s20;
	[tilespmem:s18+$0x1500] =	vst v10;
	v8 =	vadd.f32 v8, v16;
	v10 =	vld [tilespmem:s18+$0x1570]  }
0xcc: {  	v39 =	vld [tilespmem:s20+$0x6100];
	[tilespmem:s18+$0x1510] =	vst v9;
	v7 =	vadd.f32 v7, v12  }
0xcd: {  	v40 =	vld [tilespmem:s20+$0x6110];
	[tilespmem:s18+$0x1520] =	vst v8;
	v6 =	vadd.f32 v6, v17  }
0xce: {  	v41 =	vld [tilespmem:s20+$0x6120];
	[tilespmem:s18+$0x1530] =	vst v7;
	v5 =	vadd.f32 v5, v13  }
0xcf: {  	v42 =	vld [tilespmem:s20+$0x6130];
	[tilespmem:s18+$0x1540] =	vst v6;
	v4 =	vadd.f32 v4, v11  }
0xd0: {  	v43 =	vld [tilespmem:s20+$0x6140];
	[tilespmem:s18+$0x1550] =	vst v5;
	v3 =	vadd.f32 v3, v10  }
0xd1: {  	v44 =	vld [tilespmem:s20+$0x6150];
	[tilespmem:s18+$0x1560] =	vst v4  }
0xd2: {  	v45 =	vld [tilespmem:s20+$0x6160];
	[tilespmem:s18+$0x1570] =	vst v3;
	s18 =	smov.u32 s20  }
0xd3: {  	v46 =	vld [tilespmem:s18+$0x6170]  }
0xd4: {  	v47 =	vld [tilespmem:s18+$0x6500]  }
0xd5: {  	v48 =	vld [tilespmem:s18+$0x6510]  }
0xd6: {  	v49 =	vld [tilespmem:s18+$0x6520]  }
0xd7: {  	v50 =	vld [tilespmem:s18+$0x6530]  }
0xd8: {  	v38 =	vld [tilespmem:s18+$0x6540]  }
0xd9: {  	v37 =	vld [tilespmem:s18+$0x6550]  }
0xda: {  	v36 =	vld [tilespmem:s18+$0x6560]  }
0xdb: {  	v35 =	vld [tilespmem:s18+$0x6570]  }
0xdc: {  	v34 =	vld [tilespmem:s18+$0x6900]  }
0xdd: {  	v33 =	vld [tilespmem:s18+$0x6910]  }
0xde: {  	v32 =	vld [tilespmem:s18+$0x6920]  }
0xdf: {  	v31 =	vld [tilespmem:s18+$0x6930]  }
0xe0: {  	v30 =	vld [tilespmem:s18+$0x6940]  }
0xe1: {  	v29 =	vld [tilespmem:s18+$0x6950]  }
0xe2: {  	v28 =	vld [tilespmem:s18+$0x6960]  }
0xe3: {  	v27 =	vld [tilespmem:s18+$0x6970]  }
0xe4: {  	v26 =	vld [tilespmem:s18+$0x6D00]  }
0xe5: {  	v25 =	vld [tilespmem:s18+$0x6D10]  }
0xe6: {  	v24 =	vld [tilespmem:s18+$0x6D20]  }
0xe7: {  	v23 =	vld [tilespmem:s18+$0x6D30]  }
0xe8: {  	v22 =	vld [tilespmem:s18+$0x6D40]  }
0xe9: {  	v21 =	vld [tilespmem:s18+$0x6D50]  }
0xea: {  	v20 =	vld [tilespmem:s18+$0x6D60]  }
0xeb: {  	v19 =	vld [tilespmem:s18+$0x6D70]  }
0xec: {  	v18 =	vld [tilespmem:s18+$0x7100]  }
0xed: {  	v17 =	vld [tilespmem:s18+$0x7110]  }
0xee: {  	v16 =	vld [tilespmem:s18+$0x7120]  }
0xef: {  	v15 =	vld [tilespmem:s18+$0x7130]  }
0xf0: {  	v14 =	vld [tilespmem:s18+$0x7140]  }
0xf1: {  	v13 =	vld [tilespmem:s18+$0x7150]  }
0xf2: {  	v12 =	vld [tilespmem:s18+$0x7160]  }
0xf3: {  	v11 =	vld [tilespmem:s18+$0x7170]  }
0xf4: {  	v10 =	vld [tilespmem:s18+$0x7500]  }
0xf5: {  	v9 =	vld [tilespmem:s18+$0x7510]  }
0xf6: {  	v8 =	vld [tilespmem:s18+$0x7520]  }
0xf7: {  	v7 =	vld [tilespmem:s18+$0x7530]  }
0xf8: {  	v6 =	vld [tilespmem:s18+$0x7540]  }
0xf9: {  	v5 =	vld [tilespmem:s18+$0x7550]  }
0xfa: {  	v4 =	vld [tilespmem:s18+$0x7560]  }
0xfb: {  	v3 =	vld [tilespmem:s18+$0x7570]  }
0xfc: {  	v51 =	vld [tilespmem:s18+$0x100]  }
0xfd: {  	v52 =	vld [tilespmem:s18+$0x110]  }
0xfe: {  	v53 =	vld [tilespmem:s18+$0x120]  }
0xff: {  	v54 =	vld [tilespmem:s18+$0x130]  }
0x100: {  	v55 =	vld [tilespmem:s18+$0x140]  }
0x101: {  	v39 =	vadd.f32 v39, v51;
	v51 =	vld [tilespmem:s18+$0x150]  }
0x102: {  	v40 =	vadd.f32 v40, v52;
	v52 =	vld [tilespmem:s18+$0x160]  }
0x103: {  	[tilespmem:s18+$0x100] =	vst v39;
	v39 =	vadd.f32 v41, v53;
	v41 =	vld [tilespmem:s18+$0x170]  }
0x104: {  	[tilespmem:s18+$0x110] =	vst v40;
	v40 =	vadd.f32 v42, v54;
	v42 =	vld [tilespmem:s18+$0x500]  }
0x105: {  	[tilespmem:s18+$0x120] =	vst v39;
	v39 =	vadd.f32 v43, v55;
	v43 =	vld [tilespmem:s18+$0x510]  }
0x106: {  	[tilespmem:s18+$0x130] =	vst v40;
	v40 =	vadd.f32 v44, v51;
	v44 =	vld [tilespmem:s18+$0x520]  }
0x107: {  	[tilespmem:s18+$0x140] =	vst v39;
	v39 =	vadd.f32 v45, v52;
	v45 =	vld [tilespmem:s18+$0x530]  }
0x108: {  	[tilespmem:s18+$0x150] =	vst v40;
	v40 =	vadd.f32 v46, v41;
	v41 =	vld [tilespmem:s18+$0x540]  }
0x109: {  	[tilespmem:s18+$0x160] =	vst v39;
	v39 =	vadd.f32 v47, v42;
	v42 =	vld [tilespmem:s18+$0x550]  }
0x10a: {  	[tilespmem:s18+$0x170] =	vst v40;
	v40 =	vadd.f32 v48, v43;
	v43 =	vld [tilespmem:s18+$0x560]  }
0x10b: {  	[tilespmem:s18+$0x500] =	vst v39;
	v39 =	vadd.f32 v49, v44;
	v44 =	vld [tilespmem:s18+$0x570]  }
0x10c: {  	[tilespmem:s18+$0x510] =	vst v40;
	v40 =	vadd.f32 v50, v45;
	v45 =	vld [tilespmem:s18+$0x900]  }
0x10d: {  	[tilespmem:s18+$0x520] =	vst v39;
	v38 =	vadd.f32 v38, v41;
	v39 =	vld [tilespmem:s18+$0x910]  }
0x10e: {  	[tilespmem:s18+$0x530] =	vst v40;
	v37 =	vadd.f32 v37, v42;
	v40 =	vld [tilespmem:s18+$0x920]  }
0x10f: {  	[tilespmem:s18+$0x540] =	vst v38;
	v36 =	vadd.f32 v36, v43;
	v38 =	vld [tilespmem:s18+$0x930]  }
0x110: {  	[tilespmem:s18+$0x550] =	vst v37;
	v35 =	vadd.f32 v35, v44;
	v37 =	vld [tilespmem:s18+$0x940]  }
0x111: {  	[tilespmem:s18+$0x560] =	vst v36;
	v34 =	vadd.f32 v34, v45;
	v36 =	vld [tilespmem:s18+$0x950]  }
0x112: {  	[tilespmem:s18+$0x570] =	vst v35;
	v33 =	vadd.f32 v33, v39;
	v35 =	vld [tilespmem:s18+$0x960]  }
0x113: {  	[tilespmem:s18+$0x900] =	vst v34;
	v32 =	vadd.f32 v32, v40;
	v34 =	vld [tilespmem:s18+$0x970]  }
0x114: {  	[tilespmem:s18+$0x910] =	vst v33;
	v31 =	vadd.f32 v31, v38;
	v33 =	vld [tilespmem:s18+$0xD00]  }
0x115: {  	[tilespmem:s18+$0x920] =	vst v32;
	v30 =	vadd.f32 v30, v37;
	v32 =	vld [tilespmem:s18+$0xD10]  }
0x116: {  	[tilespmem:s18+$0x930] =	vst v31;
	v29 =	vadd.f32 v29, v36;
	v31 =	vld [tilespmem:s18+$0xD20]  }
0x117: {  	[tilespmem:s18+$0x940] =	vst v30;
	v28 =	vadd.f32 v28, v35;
	v30 =	vld [tilespmem:s18+$0xD30]  }
0x118: {  	[tilespmem:s18+$0x950] =	vst v29;
	v27 =	vadd.f32 v27, v34;
	v29 =	vld [tilespmem:s18+$0xD40]  }
0x119: {  	[tilespmem:s18+$0x960] =	vst v28;
	v26 =	vadd.f32 v26, v33;
	v28 =	vld [tilespmem:s18+$0xD50]  }
0x11a: {  	[tilespmem:s18+$0x970] =	vst v27;
	v25 =	vadd.f32 v25, v32;
	v27 =	vld [tilespmem:s18+$0xD60]  }
0x11b: {  	[tilespmem:s18+$0xD00] =	vst v26;
	v24 =	vadd.f32 v24, v31;
	v26 =	vld [tilespmem:s18+$0xD70]  }
0x11c: {  	[tilespmem:s18+$0xD10] =	vst v25;
	v23 =	vadd.f32 v23, v30;
	v25 =	vld [tilespmem:s18+$0x1100]  }
0x11d: {  	[tilespmem:s18+$0xD20] =	vst v24;
	v22 =	vadd.f32 v22, v29;
	v24 =	vld [tilespmem:s18+$0x1110]  }
0x11e: {  	[tilespmem:s18+$0xD30] =	vst v23;
	v21 =	vadd.f32 v21, v28;
	v23 =	vld [tilespmem:s18+$0x1120]  }
0x11f: {  	[tilespmem:s18+$0xD40] =	vst v22;
	v20 =	vadd.f32 v20, v27;
	v22 =	vld [tilespmem:s18+$0x1130]  }
0x120: {  	[tilespmem:s18+$0xD50] =	vst v21;
	v19 =	vadd.f32 v19, v26;
	v21 =	vld [tilespmem:s18+$0x1140]  }
0x121: {  	[tilespmem:s18+$0xD60] =	vst v20;
	v18 =	vadd.f32 v18, v25;
	v20 =	vld [tilespmem:s18+$0x1150]  }
0x122: {  	[tilespmem:s18+$0xD70] =	vst v19;
	v19 =	vadd.f32 v17, v24;
	v24 =	vld [tilespmem:s18+$0x1160]  }
.Ltmp0:
0x123: {  	[tilespmem:s18+$0x1100] =	vst v18;
	v16 =	vadd.f32 v16, v23;
	v17 =	vld [tilespmem:s18+$0x1170];
	(pc) =	sbr.rel @p1 .LBB2_3-.Ltmp0, $4  }
0x124: {  	[tilespmem:s18+$0x1110] =	vst v19;
	v18 =	vadd.f32 v15, v22;
	v15 =	vld [tilespmem:s18+$0x1500]  }
0x125: {  	[tilespmem:s18+$0x1120] =	vst v16;
	v19 =	vadd.f32 v14, v21;
	v14 =	vld [tilespmem:s18+$0x1510]  }
0x126: {  	[tilespmem:s18+$0x1130] =	vst v18;
	v18 =	vadd.f32 v13, v20;
	v16 =	vld [tilespmem:s18+$0x1520]  }
0x127: {  	s19 =	sadd.s32 $0x1, s19;
	[tilespmem:s18+$0x1140] =	vst v19;
	v13 =	vadd.f32 v12, v24;
	v12 =	vld [tilespmem:s18+$0x1530]  }
0x128: {  	[tilespmem:s18+$0x1150] =	vst v18;
	v60 =	vld [tilespmem:s18+$0x1540];
	v11 =	vadd.f32 v11, v17  }
0x129: {  	v61 =	vld [tilespmem:s18+$0x1550];
	[tilespmem:s18+$0x1160] =	vst v13;
	v10 =	vadd.f32 v10, v15  }
0x12a: {  	v62 =	vld [tilespmem:s18+$0x1560];
	[tilespmem:s18+$0x1170] =	vst v11;
	v9 =	vadd.f32 v9, v14  }
0x12b: {  	v63 =	vld [tilespmem:s18+$0x1570];
	[tilespmem:s18+$0x1500] =	vst v10;
	v8 =	vadd.f32 v8, v16  }
0x12c: {  	[tilespmem:s18+$0x1510] =	vst v9;
	v7 =	vadd.f32 v7, v12  }
0x12d: {  	[tilespmem:s18+$0x1520] =	vst v8;
	v6 =	vadd.f32 v6, v60  }
0x12e: {  	v5 =	vadd.f32 v5, v61;
	[tilespmem:s18+$0x1530] =	vst v7  }
0x12f: {  	v4 =	vadd.f32 v4, v62;
	[tilespmem:s18+$0x1540] =	vst v6  }
0x130: {  	s16 =	smul.u32 $0x300, s16;
	v3 =	vadd.f32 v3, v63;
	[tilespmem:s18+$0x1550] =	vst v5  }
0x131: {  	s17 =	rddreg [dreg:$0x1];
	[tilespmem:s18+$0x1560] =	vst v4  }
.Ltmp1:
0x132: {  	s21 =	simm.s32 $0x0;
	s16 =	sadd.s32 s17, s16;
	[tilespmem:s18+$0x1570] =	vst v3;
	(pc) =	sbr.rel @p0 .LBB2_2-.Ltmp1, $4  }
0x133: {  	[hbm4b:s16+s21] =	stream.linear.scatter [tilespmem:s13], [sflag:$0x3], $0x6000, $0x38;
	[tilespmem:$0xC100] =	vst v63  }
0x134: {  	_ =	swait.ge [sflag:s11], $0x6000  }
0x135: {  	[sflag:s11] =	ssyncset.done $0x0  }
0x136: {  	p1 =	por $0x0, $0x0;
	s16 =	simm.s32 $0x4;
	[sflag:s11] =	ssyncadd.s32 $0xFFFFA000  }
0x137: {  	s17 =	rddreg [dreg:$0x4]  }
0x138: {  	s16 =	rddreg [dreg:$0x3];
	s17 =	sadd.s32 $0x1, s17  }
0x139: {  	p0 =	sne.s32 s17, s16  }
.Ltmp2:
0x13a: {  	_ = 	snop;
	(pc) =	sbr.rel @p0 .LBB2_1-.Ltmp2, $1  }
0x13b: {  	_ =	sdelay $0x3  }
0x13c: {  	_ =	sfence.sel $0x180000  }
0x13d: {  	[bflag:$0x0] =	sbarrier.arrive $0xFFFF  }
0x13e: {  	_ =	strace $0x90000050  }
0x13f: {  	s0 =	stileid.u32;
	[bflag:$0x2] =	sbarrier.arrive $0xFFFF  }
0x140: {  	p0 =	sne.s32 s0, $0x0;
	s0 =	rddreg [dreg:$0x2]  }
0x141: {  	s0 =	sadd.s32 @!p0 $0x100000, s0  }
0x142: {  	[sflag:s0] =	ssyncadd.tile.s32 @!p0 $0x1;
	_ =	shalt  }
.Lfunc_end2:
_tile_overlayer_lowered:
.L_overlay_start_2:
0x143: {  	(tag) =	ssettag $0x2  }
0x144: {  	s0 =	rddreg [dreg:$0x0];
	s2 =	stileid.u32  }
0x145: {  	s1 =	rddreg [dreg:$0x1];
	p0 =	sne.s32 s2, $0x0  }
0x146: {  	s3 =	rddreg [dreg:$0x2];
	[bflag:$0x3] =	sbarrier.arrive $0xFFFF;
	s2 =	simm.s32 @!p0 $0x1C03  }
0x147: {  	[timem:s3], [sflag:s2] =	dma.local @!p0 [hbm:s0], s1  }
0x148: {  	s0 =	simm.s32 @!p0 $0x3  }
0x149: {  	_ =	swait.ge @!p0 [sflag:s0], s1  }
0x14a: {  	s1 =	ssub.s32 @!p0 $0x0, s1;
	[sflag:s0] =	ssyncset.done @!p0 $0x0  }
0x14b: {  	[sflag:s0] =	ssyncadd.s32 @!p0 s1  }
0x14c: {  	[bflag:$0x3] =	sbarrier.arrive $0xFFFF  }
0x14d: {  	_ =	shalt  }

// kernel: kernel.7.cloned.1.call-start
scs
__scs_entry_jumppad:
0x0: {  	(pc) =	sbr.rel $0x88, $3  }
0x1: {  	(tag) =	ssettag $0x0;
	lr =	simm.s32 $0x1  }
0x2: {  	[smem:$0x3F9B] =	sst lr;
	_ =	strace $0xD0000000  }
0x3: {  	_ = 	snop  }
0x4: {  	_ = 	snop  }
0x5: {  	_ = 	snop  }
0x6: {  	_ = 	snop  }
0x7: {  	_ = 	snop  }
__scs_overlays_trampoline_lowered:
0x8: {  	[smem:$0x3FAA] =	sst s0  }
0x9: {  	[smem:$0x3FAB] =	sst s1  }
0xa: {  	[smem:$0x3FAC] =	sst s2  }
0xb: {  	[smem:$0x3FAD] =	sst s3  }
0xc: {  	[smem:$0x3FAE] =	sst s4  }
0xd: {  	[smem:$0x3FAF] =	sst s5  }
0xe: {  	[smem:$0x3FB0] =	sst s6  }
0xf: {  	[smem:$0x3FB1] =	sst s7  }
0x10: {  	[smem:$0x3FB2] =	sst s8  }
0x11: {  	[smem:$0x3FB3] =	sst s9;
	s0 =	simm.s32 @!p0 $0x0  }
0x12: {  	s1 =	sld [smem:$0x3F99];
	s0 =	simm.s32 @p0 $0x1  }
0x13: {  	[smem:$0x3FB4] =	sst s0;
	s0 =	simm.s32 @!p1 $0x0  }
0x14: {  	s2 =	sld [smem:$0x3F98];
	s0 =	simm.s32 @p1 $0x1  }
0x15: {  	[smem:$0x3FB5] =	sst s0;
	s0 =	simm.s32 @!p2 $0x0  }
0x16: {  	s3 =	sld [smem:$0x3FDB];
	s0 =	simm.s32 @p2 $0x1  }
0x17: {  	s4 =	simm.s32 $0x1BF5;
	[smem:$0x3FB7] =	sst s0  }
0x18: {  	s0 =	sld [smem:$0x3F9A];
	_ =	swait.ge [sflag:s4], $0x0  }
0x19: {  	s7 =	sld [smem:$0x3F9B]  }
0x1a: {  	s8 =	sadd.s32 $0xFFFFE003, lr  }
0x1b: {  	s9 =	sadd.s32 $0xFFFFFEF7, lr;
	s5 =	simm.s32 $0xFFFFFFFF;
	p2 =	slt.u32 s8, $0xFFFFF086  }
0x1c: {  	p1 =	slt.u32 s9, $0xF7A;
	s5 =	simm.s32 @!p2 $0x0  }
0x1d: {  	s5 =	simm.s32 @p1 $0x1;
	p0 =	seq.s32 s7, s2  }
0x1e: {  	s7 =	smul.u32 @!p0 $0xF7A, s2;
	p2 =	seq.s32 @!p0 s5, $0x0  }
0x1f: {  	s9 =	smul.u32 $0xF7A, s1;
	s8 =	simm.s32 @!p0 $0x1BF5;
	p2 =	por !p2, p0  }
0x20: {  	[sflag:s8] =	ssyncset.s32 @!p0 $0xFFFFF086;
	s6 =	sadd.s32 @!p0 s3, s7;
	s7 =	simm.s32 @!p0 $0x108  }
0x21: {  	s3 =	sadd.s32 s3, s9;
	s6 =	sadd.s32 @!p0 $0x88, s6;
	s7 =	simm.s32 @p2 $0x1082  }
0x22: {  	[simem:s7], [sflag:s8] =	dma.local @!p0 [hbm:s6], $0xF7A  }
0x23: {  	s9 =	sor.u32 $0xD0000000, s2;
	s6 =	simm.s32 $0x108;
	_ =	swait.ge @!p0 [sflag:s8], $0x0  }
0x24: {  	s3 =	sadd.s32 $0x88, s3;
	s6 =	simm.s32 @!p1 $0x1082;
	[sflag:s4] =	ssyncset.s32 $0xFFFFF086  }
0x25: {  	[simem:s6], [sflag:s4] =	dma.local [hbm:s3], $0xF7A  }
0x26: {  	[smem:$0x3F9B] =	sst s1;
	(tag) =	ssettag s2;
	_ =	strace s9  }
0x27: {  	s1 =	sld [smem:$0x3FAB]  }
0x28: {  	s2 =	sld [smem:$0x3FAC]  }
0x29: {  	s4 =	sld [smem:$0x3FAE]  }
0x2a: {  	p0 =	seq.s32 s5, $0x0;
	s5 =	sld [smem:$0x3FAF]  }
0x2b: {  	s6 =	sld [smem:$0x3FB0]  }
0x2c: {  	s7 =	sld [smem:$0x3FB1]  }
0x2d: {  	s3 =	simm.s32 $0x108;
	s8 =	sld [smem:$0x3FB2]  }
0x2e: {  	s3 =	simm.s32 @!p0 $0x1082;
	s9 =	sld [smem:$0x3FB3]  }
0x2f: {  	lr =	sadd.s32 s0, s3;
	s0 =	sld [smem:$0x3FAA]  }
0x30: {  	s3 =	sld [smem:$0x3FAD]  }
0x31: {  	[smem:$0x3FB6] =	sst s10  }
0x32: {  	s10 =	sld [smem:$0x3FB4];
	_ =	sdelay $0x3  }
0x33: {  	p0 =	seq.s32 s10, $0x1;
	s10 =	sld [smem:$0x3FB6];
	_ =	sdelay $0x3  }
0x34: {  	[smem:$0x3FB6] =	sst s10  }
0x35: {  	s10 =	sld [smem:$0x3FB5];
	_ =	sdelay $0x3  }
0x36: {  	p1 =	seq.s32 s10, $0x1;
	s10 =	sld [smem:$0x3FB6];
	_ =	sdelay $0x3  }
0x37: {  	[smem:$0x3FB6] =	sst s10  }
0x38: {  	s10 =	sld [smem:$0x3FB7]  }
0x39: {  	_ = 	snop;
	(pc) =	sbr.ind lr, $3  }
0x3a: {  	_ = 	snop  }
0x3b: {  	_ = 	snop  }
0x3c: {  	p2 =	seq.s32 s10, $0x1;
	s10 =	sld [smem:$0x3FB6]  }
0x3d: {  	_ =	shalt  }
0x3e: {  	_ =	shalt  }
0x3f: {  	_ =	shalt  }
0x40: {  	_ =	shalt  }
0x41: {  	_ =	shalt  }
0x42: {  	_ =	shalt  }
0x43: {  	_ =	shalt  }
0x44: {  	_ =	shalt  }
0x45: {  	_ =	shalt  }
0x46: {  	_ =	shalt  }
0x47: {  	_ =	shalt  }
0x48: {  	_ =	shalt  }
0x49: {  	_ =	shalt  }
0x4a: {  	_ =	shalt  }
0x4b: {  	_ =	shalt  }
0x4c: {  	_ =	shalt  }
0x4d: {  	_ =	shalt  }
0x4e: {  	_ =	shalt  }
0x4f: {  	_ =	shalt  }
0x50: {  	_ =	shalt  }
0x51: {  	_ =	shalt  }
0x52: {  	_ =	shalt  }
0x53: {  	_ =	shalt  }
0x54: {  	_ =	shalt  }
0x55: {  	_ =	shalt  }
0x56: {  	_ =	shalt  }
0x57: {  	_ =	shalt  }
0x58: {  	_ =	shalt  }
0x59: {  	_ =	shalt  }
0x5a: {  	_ =	shalt  }
0x5b: {  	_ =	shalt  }
0x5c: {  	_ =	shalt  }
0x5d: {  	_ =	shalt  }
0x5e: {  	_ =	shalt  }
0x5f: {  	_ =	shalt  }
0x60: {  	_ =	shalt  }
0x61: {  	_ =	shalt  }
0x62: {  	_ =	shalt  }
0x63: {  	_ =	shalt  }
0x64: {  	_ =	shalt  }
0x65: {  	_ =	shalt  }
0x66: {  	_ =	shalt  }
0x67: {  	_ =	shalt  }
0x68: {  	_ =	shalt  }
0x69: {  	_ =	shalt  }
0x6a: {  	_ =	shalt  }
0x6b: {  	_ =	shalt  }
0x6c: {  	_ =	shalt  }
0x6d: {  	_ =	shalt  }
0x6e: {  	_ =	shalt  }
0x6f: {  	_ =	shalt  }
0x70: {  	_ =	shalt  }
0x71: {  	_ =	shalt  }
0x72: {  	_ =	shalt  }
0x73: {  	_ =	shalt  }
0x74: {  	_ =	shalt  }
0x75: {  	_ =	shalt  }
0x76: {  	_ =	shalt  }
0x77: {  	_ =	shalt  }
0x78: {  	_ =	shalt  }
0x79: {  	_ =	shalt  }
0x7a: {  	_ =	shalt  }
0x7b: {  	_ =	shalt  }
0x7c: {  	_ =	shalt  }
0x7d: {  	_ =	shalt  }
0x7e: {  	_ =	shalt  }
0x7f: {  	_ =	shalt  }
0x80: {  	_ =	shalt  }
0x81: {  	_ =	shalt  }
0x82: {  	_ =	shalt  }
0x83: {  	_ =	shalt  }
0x84: {  	_ =	shalt  }
0x85: {  	_ =	shalt  }
0x86: {  	_ =	shalt  }
0x87: {  	_ =	shalt  }
.Lfunc_end0:
.L_simem_size_0:
called_computation_lowered:
.L_overlay_start_0:
0x88: {  	s2 =	sld [smem:$0x3FD9]  }
0x89: {  	s3 =	sld [smem:$0x3FFE];
	_ =	sdelay $0x1  }
0x8a: {  	s1 =	srdreg.scid  }
0x8b: {  	s0 =	sand.u32 $0x1, s1  }
0x8c: {  	s17 =	sshll.u32 s0, $0xA;
	s2 =	sadd.s32 s3, s2  }
0x8d: {  	s2 =	sadd.s32 s2, s17  }
0x8e: {  	[smem:$0x3FC2] =	sst s2  }
0x8f: {  	_ = 	snop  }
0x90: {  	s2 =	sld [smem:$0x3FD0];
	(tm) =	ssettm $0x1  }
0x91: {  	s18 =	sld [smem:$0x3FFB];
	_ =	sdelay $0x3  }
0x92: {  	_ =	strace s18  }
0x93: {  	s3 =	sld [smem:$0x3FFC];
	_ =	sdelay $0x3  }
0x94: {  	_ =	strace s3  }
0x95: {  	s3 =	sld [smem:$0x3FFD];
	_ =	sdelay $0x3  }
0x96: {  	_ =	strace s3  }
0x97: {  	_ =	strace $0x8FFFFFFF  }
0x98: {  	s19 =	sld [smem:$0x3FDB];
	_ =	sdelay $0x1  }
0x99: {  	s4 =	simm.s32 $_scs_section_size  }
0x9a: {  	s5 =	simm.s32 $_size__tile_overlayer_lowered;
	s6 =	simm.s32 $_tile_overlayer_lowered  }
0x9b: {  	s22 =	simm.s32 $0x1BFF;
	s21 =	sshll.u32 s6, $0x1;
	s3 =	sadd.s32 s4, s19  }
0x9c: {  	s7 =	simm.s32 $0x0;
	s20 =	sshll.u32 s5, $0x1;
	s5 =	sadd.s32 s21, s3  }
0x9d: {  	[timem:s7], [sflag:s22] =	dma.local [hbm:s5], s20  }
0x9e: {  	_ =	swait.ge [sflag:s22], s20  }
0x9f: {  	s4 =	ssub.s32 $0x0, s20;
	[sflag:s22] =	ssyncset.done $0x0  }
0xa0: {  	[sflag:s22] =	ssyncadd.s32 s4;
	_ =	sdelay $0x1  }
0xa1: {  	s23 =	simm.s32 $0x1B8B  }
0xa2: {  	_ =	swait.ge [sflag:s23], $0x1  }
0xa3: {  	[sflag:s23] =	ssyncset.done $0x0  }
0xa4: {  	s25 =	simm.s32 $0x1B8E;
	s24 =	sld [smem:$0x3FFE];
	[sflag:s23] =	ssyncadd.s32 $0xFFFFFFFF  }
0xa5: {  	s26 =	simm.s32 $execute0_lowered;
	[smem:$0x3FD2] =	sst s25  }
0xa6: {  	s5 =	sshll.u32 s26, $0x1;
	_ =	strace $0x80000046;
	[dreg:$0x1] =	wrdreg $0xFFFFFFFF  }
0xa7: {  	s28 =	simm.s32 $_size_execute0_lowered;
	s3 =	sadd.s32 s3, s5;
	[dreg:$0x0] =	wrdreg $0x0  }
0xa8: {  	s5 =	sshll.u32 s28, $0x1;
	[dreg:$0x2] =	wrdreg s3  }
0xa9: {  	[dreg:$0x3] =	wrdreg s5  }
0xaa: {  	[dreg:$0x4] =	wrdreg $0xC0  }
0xab: {  	_ =	task [dreg:s7], $0x5FFFF  }
0xac: {  	[dreg:$0x1] =	wrdreg $0xFFFFFFFF  }
0xad: {  	[dreg:$0x0] =	wrdreg $0x60  }
0xae: {  	[dreg:$0x2] =	wrdreg s2  }
0xaf: {  	[dreg:$0x3] =	wrdreg s24  }
0xb0: {  	[dreg:$0x4] =	wrdreg $0x9  }
0xb1: {  	_ =	task.clear_ibuf [dreg:s7], $0x5FFFF;
	_ =	strace $0x90000046  }
0xb2: {  	s29 =	simm.s32 $0x9;
	_ =	strace $0x80000048  }
0xb3: {  	_ =	swait.ge [sflag:s29], $0x1  }
0xb4: {  	[sflag:s29] =	ssyncadd.s32 $0xFFFFFFFF  }
0xb5: {  	_ =	strace $0x90000048  }
0xb6: {  	_ =	sfence  }
0xb7: {  	s30 =	sld [smem:$0x0];
	_ =	sdelay $0x2  }
0xb8: {  	s31 =	sshll.u32 s1, $0xD;
	s1 =	sshrl.u32 s1, $0x2  }
0xb9: {  	s3 =	sand.u32 $0x4000, s31;
	s1 =	sadd.s32 s1, s30  }
0xba: {  	s0 =	sor.u32 s3, s0;
	s1 =	sshll.u32 s1, $0x11  }
0xbb: {  	s0 =	sor.u32 s1, s0  }
0xbc: {  	s0 =	sadd.s32 $0x8F2B, s0  }
0xbd: {  	[sflag:s0] =	ssyncadd.remote.s32 $0x1  }
0xbe: {  	_ =	sfence.sel $0xFFFF  }
0xbf: {  	[dreg:$0x0] =	wrdreg $0xFFFFFFFF;
	(pc) =	sbr.abs _section_cstart, $3  }
0xc0: {  	[dreg:$0x1] =	wrdreg $0xFFFFFFFF  }
0xc1: {  	_ =	task.clear_ibuf [dreg:s7], $0x2FFFF;
	_ =	strace $0x9FFFFFFF  }
0xc2: {  	(tm) =	ssettm $0x7FFFFFFF  }
0xc3: {  	_ =	shalt  }
tec
execute0_lowered:
.L_overlay_start_1:
0x0: {  	(tag) =	ssettag $0x1  }
0x1: {  	s0 =	srdreg.scid  }
0x2: {  	s3 =	sand.u32 $0x1, s0;
	s0 =	stileid.u32  }
0x3: {  	s4 =	sshll.u32 s0, $0x1;
	s6 =	ssub.s32 $0x0, s3  }
0x4: {  	p0 =	sne.s32 s4, s6  }
.Ltmp0:
0x5: {  	_ = 	snop;
	(pc) =	sbr.rel @p0 .LBB2_7-.Ltmp0, $4  }
0x6: {  	_ = 	snop  }
0x7: {  	s2 =	rddreg [dreg:$0x0]  }
0x8: {  	s5 =	rddreg [dreg:$0x1]  }
0x9: {  	s1 =	rddreg [dreg:$0x2];
	_ =	strace $0x80000047  }
0xa: {  	s4 =	ssub.s32 $0x2, s3  }
0xb: {  	s3 =	sadd.s32 $0x2400, s5;
	s7 =	simm.s32 $0x0;
	s8 =	simm.s32 $0x1  }
0xc: {  	s9 =	simm.s32 $0x1000;
	s10 =	simm.s32 $0x2000;
	s6 =	sshrl.u32 s4, $0x1  }
0xd: {  	s11 =	simm.s32 $0x4000;
	s12 =	simm.s32 $0x0;
	s6 =	ssub.s32 s4, s6  }
0xe: {  	v0 =	vlaneseq.u32;
	v1 =	vimm.f32 $0.0e+00;
	s4 =	sadd.s32 $0x2A00, s5;
	s5 =	sadd.s32 $0x2600, s5;
	s6 =	smax.u32 s6, $0x1  }
.LBB2_2:
0xf: {  	[tilespmem:s7], [sflag:$0x1] =	stream.linear.gather [hbm4b:s2+s7], $0x1000, $0x38;
	[tilespmem:$0x6000] =	vst v63  }
0x10: {  	_ =	swait.ge [sflag:s8], $0x1000  }
0x11: {  	[sflag:s8] =	ssyncset.done $0x0  }
0x12: {  	[sflag:s8] =	ssyncadd.s32 $0xFFFFF000  }
0x13: {  	[tilespmem:s9], [sflag:$0x1] =	stream.linear.gather [hbm4b:s3+s7], $0x1000, $0x38;
	[tilespmem:$0x6000] =	vst v63  }
0x14: {  	_ =	swait.ge [sflag:s8], $0x1000  }
0x15: {  	s13 =	simm.s32 $0x4000;
	[sflag:s8] =	ssyncset.done $0x0  }
0x16: {  	s14 =	simm.s32 $0x2000;
	s15 =	simm.s32 $0x0;
	[sflag:s8] =	ssyncadd.s32 $0xFFFFF000  }
.LBB2_3:
0x17: {  	p0 =	sne.s32 s15, $0x1FF0  }
.Ltmp1:
0x18: {  	_ = 	snop;
	(pc) =	sbr.rel @p0 .LBB2_3-.Ltmp1, $4  }
0x19: {  	v2 =	vor.u32 s15, v0  }
0x1a: {  	v2 =	vand.u32 $0x7FF, v2  }
0x1b: {  	[tilespmem:s14+$0x0] =	vst v2  }
0x1c: {  	s15 =	sadd.s32 $0x10, s15;
	s14 =	sadd.s32 $0x10, s14;
	[tilespmem:s13+$0x0] =	vst v1;
	s13 =	sadd.s32 $0x10, s13  }
0x1d: {  	s13 =	simm.s32 $0x0  }
0x1e: {  	v2 =	vld [tilespmem:s13+$0x0];
	_ =	sdelay $0x5  }
0x1f: {  	v3 =	vor.u32 s13, v0  }
0x20: {  	v3 =	vand.u32 $0x7FF, v3  }
0x21: {  	s13 =	simm.s32 $0x1000;
	[tilespmem:v2+s10+$0x0] =	vst.idx.msk $0xffff, v3  }
0x22: {  	v3 =	vld [tilespmem:s13+$0x0];
	_ =	sdelay $0x4  }
0x23: {  	s14 =	simm.s32 $0x10;
	[tilespmem:v2+s11+$0x0] =	vst.idx.msk $0xffff, v3  }
0x24: {  	s15 =	simm.s32 $0x20;
	s16 =	simm.s32 $0x10;
	v2 =	vld [tilespmem:s14+$0x0]  }
.LBB2_5:
0x25: {  	p0 =	sne.s32 s15, $0xFF0;
	_ =	sdelay $0x4  }
0x26: {  	v3 =	vor.u32 s14, v0;
	s14 =	smov.u32 s15  }
0x27: {  	v3 =	vand.u32 $0x7FF, v3  }
0x28: {  	s13 =	sadd.s32 $0x10, s13;
	[tilespmem:v2+s10+$0x0] =	vst.idx.msk $0xffff, v3  }
0x29: {  	v3 =	vld [tilespmem:s13+$0x0];
	_ =	sdelay $0x1  }
.Ltmp2:
0x2a: {  	(pc) =	sbr.rel @p0 .LBB2_5-.Ltmp2, $3  }
0x2b: {  	_ =	sdelay $0x1  }
0x2c: {  	s16 =	sadd.s32 $0x10, s16;
	[tilespmem:v2+s11+$0x0] =	vst.idx.msk $0xffff, v3  }
0x2d: {  	s15 =	sadd.s32 $0x10, s15;
	v2 =	vld [tilespmem:s16+$0x0]  }
0x2e: {  	_ =	sdelay $0x5  }
0x2f: {  	v3 =	vor.u32 s14, v0  }
0x30: {  	v3 =	vand.u32 $0x7FF, v3  }
0x31: {  	s13 =	sadd.s32 $0x10, s13;
	[tilespmem:v2+s10+$0x0] =	vst.idx.msk $0xffff, v3  }
0x32: {  	v3 =	vld [tilespmem:s13+$0x0];
	_ =	sdelay $0x4  }
0x33: {  	[tilespmem:v2+s11+$0x0] =	vst.idx.msk $0xffff, v3  }
0x34: {  	[hbm4b:s4+s7] =	stream.linear.scatter [tilespmem:s10], [sflag:$0x1], $0x2000, $0x38;
	[tilespmem:$0x6000] =	vst v63  }
0x35: {  	s12 =	sadd.s32 $0x1, s12;
	_ =	swait.ge [sflag:s8], $0x2000  }
0x36: {  	p0 =	sne.s32 s12, s6;
	[sflag:s8] =	ssyncset.done $0x0  }
.Ltmp3:
0x37: {  	[sflag:s8] =	ssyncadd.s32 $0xFFFFE000;
	(pc) =	sbr.rel @p0 .LBB2_2-.Ltmp3, $4  }
0x38: {  	[hbm4b:s5+s7] =	stream.linear.scatter [tilespmem:s11], [sflag:$0x1], $0x2000, $0x38;
	[tilespmem:$0x6000] =	vst v63  }
0x39: {  	_ =	swait.ge [sflag:s8], $0x2000  }
0x3a: {  	[sflag:s8] =	ssyncset.done $0x0  }
0x3b: {  	[sflag:s8] =	ssyncadd.s32 $0xFFFFE000  }
.LBB2_7:
0x3c: {  	_ =	sfence.sel $0x180000  }
0x3d: {  	[bflag:$0x0] =	sbarrier.arrive $0xFFFF  }
0x3e: {  	p0 =	sne.s32 s0, $0x0;
	_ =	strace $0x90000047  }
0x3f: {  	s0 =	sadd.s32 @!p0 $0x100000, s1;
	[bflag:$0x2] =	sbarrier.arrive $0xFFFF  }
0x40: {  	[sflag:s0] =	ssyncadd.tile.s32 @!p0 $0x1;
	_ =	shalt  }
.Lfunc_end2:
_tile_overlayer_lowered:
.L_overlay_start_2:
0x41: {  	(tag) =	ssettag $0x2  }
0x42: {  	s0 =	rddreg [dreg:$0x0];
	s2 =	stileid.u32  }
0x43: {  	s1 =	rddreg [dreg:$0x1];
	p0 =	sne.s32 s2, $0x0  }
0x44: {  	s3 =	rddreg [dreg:$0x2];
	[bflag:$0x3] =	sbarrier.arrive $0xFFFF;
	s2 =	simm.s32 @!p0 $0x1C01  }
0x45: {  	[timem:s3], [sflag:s2] =	dma.local @!p0 [hbm:s0], s1  }
0x46: {  	s0 =	simm.s32 @!p0 $0x1  }
0x47: {  	_ =	swait.ge @!p0 [sflag:s0], s1  }
0x48: {  	s1 =	ssub.s32 @!p0 $0x0, s1;
	[sflag:s0] =	ssyncset.done @!p0 $0x0  }
0x49: {  	[sflag:s0] =	ssyncadd.s32 @!p0 s1  }
0x4a: {  	[bflag:$0x3] =	sbarrier.arrive $0xFFFF  }
0x4b: {  	_ =	shalt  }

// kernel: sc_gather_x_0.3.cloned.1.call-start
scs
__scs_entry_jumppad:
0x0: {  	(pc) =	sbr.rel $0x88, $3  }
0x1: {  	(tag) =	ssettag $0x0;
	lr =	simm.s32 $0x1  }
0x2: {  	[smem:$0x3F9B] =	sst lr;
	_ =	strace $0xD0000000  }
0x3: {  	_ = 	snop  }
0x4: {  	_ = 	snop  }
0x5: {  	_ = 	snop  }
0x6: {  	_ = 	snop  }
0x7: {  	_ = 	snop  }
__scs_overlays_trampoline_lowered:
0x8: {  	[smem:$0x3FAA] =	sst s0  }
0x9: {  	[smem:$0x3FAB] =	sst s1  }
0xa: {  	[smem:$0x3FAC] =	sst s2  }
0xb: {  	[smem:$0x3FAD] =	sst s3  }
0xc: {  	[smem:$0x3FAE] =	sst s4  }
0xd: {  	[smem:$0x3FAF] =	sst s5  }
0xe: {  	[smem:$0x3FB0] =	sst s6  }
0xf: {  	[smem:$0x3FB1] =	sst s7  }
0x10: {  	[smem:$0x3FB2] =	sst s8  }
0x11: {  	[smem:$0x3FB3] =	sst s9;
	s0 =	simm.s32 @!p0 $0x0  }
0x12: {  	s1 =	sld [smem:$0x3F99];
	s0 =	simm.s32 @p0 $0x1  }
0x13: {  	[smem:$0x3FB4] =	sst s0;
	s0 =	simm.s32 @!p1 $0x0  }
0x14: {  	s2 =	sld [smem:$0x3F98];
	s0 =	simm.s32 @p1 $0x1  }
0x15: {  	[smem:$0x3FB5] =	sst s0;
	s0 =	simm.s32 @!p2 $0x0  }
0x16: {  	s3 =	sld [smem:$0x3FDB];
	s0 =	simm.s32 @p2 $0x1  }
0x17: {  	s4 =	simm.s32 $0x1BF5;
	[smem:$0x3FB7] =	sst s0  }
0x18: {  	s0 =	sld [smem:$0x3F9A];
	_ =	swait.ge [sflag:s4], $0x0  }
0x19: {  	s7 =	sld [smem:$0x3F9B]  }
0x1a: {  	s8 =	sadd.s32 $0xFFFFE003, lr  }
0x1b: {  	s9 =	sadd.s32 $0xFFFFFEF7, lr;
	s5 =	simm.s32 $0xFFFFFFFF;
	p2 =	slt.u32 s8, $0xFFFFF086  }
0x1c: {  	p1 =	slt.u32 s9, $0xF7A;
	s5 =	simm.s32 @!p2 $0x0  }
0x1d: {  	s5 =	simm.s32 @p1 $0x1;
	p0 =	seq.s32 s7, s2  }
0x1e: {  	s7 =	smul.u32 @!p0 $0xF7A, s2;
	p2 =	seq.s32 @!p0 s5, $0x0  }
0x1f: {  	s9 =	smul.u32 $0xF7A, s1;
	s8 =	simm.s32 @!p0 $0x1BF5;
	p2 =	por !p2, p0  }
0x20: {  	[sflag:s8] =	ssyncset.s32 @!p0 $0xFFFFF086;
	s6 =	sadd.s32 @!p0 s3, s7;
	s7 =	simm.s32 @!p0 $0x108  }
0x21: {  	s3 =	sadd.s32 s3, s9;
	s6 =	sadd.s32 @!p0 $0x88, s6;
	s7 =	simm.s32 @p2 $0x1082  }
0x22: {  	[simem:s7], [sflag:s8] =	dma.local @!p0 [hbm:s6], $0xF7A  }
0x23: {  	s9 =	sor.u32 $0xD0000000, s2;
	s6 =	simm.s32 $0x108;
	_ =	swait.ge @!p0 [sflag:s8], $0x0  }
0x24: {  	s3 =	sadd.s32 $0x88, s3;
	s6 =	simm.s32 @!p1 $0x1082;
	[sflag:s4] =	ssyncset.s32 $0xFFFFF086  }
0x25: {  	[simem:s6], [sflag:s4] =	dma.local [hbm:s3], $0xF7A  }
0x26: {  	[smem:$0x3F9B] =	sst s1;
	(tag) =	ssettag s2;
	_ =	strace s9  }
0x27: {  	s1 =	sld [smem:$0x3FAB]  }
0x28: {  	s2 =	sld [smem:$0x3FAC]  }
0x29: {  	s4 =	sld [smem:$0x3FAE]  }
0x2a: {  	p0 =	seq.s32 s5, $0x0;
	s5 =	sld [smem:$0x3FAF]  }
0x2b: {  	s6 =	sld [smem:$0x3FB0]  }
0x2c: {  	s7 =	sld [smem:$0x3FB1]  }
0x2d: {  	s3 =	simm.s32 $0x108;
	s8 =	sld [smem:$0x3FB2]  }
0x2e: {  	s3 =	simm.s32 @!p0 $0x1082;
	s9 =	sld [smem:$0x3FB3]  }
0x2f: {  	lr =	sadd.s32 s0, s3;
	s0 =	sld [smem:$0x3FAA]  }
0x30: {  	s3 =	sld [smem:$0x3FAD]  }
0x31: {  	[smem:$0x3FB6] =	sst s10  }
0x32: {  	s10 =	sld [smem:$0x3FB4];
	_ =	sdelay $0x3  }
0x33: {  	p0 =	seq.s32 s10, $0x1;
	s10 =	sld [smem:$0x3FB6];
	_ =	sdelay $0x3  }
0x34: {  	[smem:$0x3FB6] =	sst s10  }
0x35: {  	s10 =	sld [smem:$0x3FB5];
	_ =	sdelay $0x3  }
0x36: {  	p1 =	seq.s32 s10, $0x1;
	s10 =	sld [smem:$0x3FB6];
	_ =	sdelay $0x3  }
0x37: {  	[smem:$0x3FB6] =	sst s10  }
0x38: {  	s10 =	sld [smem:$0x3FB7]  }
0x39: {  	_ = 	snop;
	(pc) =	sbr.ind lr, $3  }
0x3a: {  	_ = 	snop  }
0x3b: {  	_ = 	snop  }
0x3c: {  	p2 =	seq.s32 s10, $0x1;
	s10 =	sld [smem:$0x3FB6]  }
0x3d: {  	_ =	shalt  }
0x3e: {  	_ =	shalt  }
0x3f: {  	_ =	shalt  }
0x40: {  	_ =	shalt  }
0x41: {  	_ =	shalt  }
0x42: {  	_ =	shalt  }
0x43: {  	_ =	shalt  }
0x44: {  	_ =	shalt  }
0x45: {  	_ =	shalt  }
0x46: {  	_ =	shalt  }
0x47: {  	_ =	shalt  }
0x48: {  	_ =	shalt  }
0x49: {  	_ =	shalt  }
0x4a: {  	_ =	shalt  }
0x4b: {  	_ =	shalt  }
0x4c: {  	_ =	shalt  }
0x4d: {  	_ =	shalt  }
0x4e: {  	_ =	shalt  }
0x4f: {  	_ =	shalt  }
0x50: {  	_ =	shalt  }
0x51: {  	_ =	shalt  }
0x52: {  	_ =	shalt  }
0x53: {  	_ =	shalt  }
0x54: {  	_ =	shalt  }
0x55: {  	_ =	shalt  }
0x56: {  	_ =	shalt  }
0x57: {  	_ =	shalt  }
0x58: {  	_ =	shalt  }
0x59: {  	_ =	shalt  }
0x5a: {  	_ =	shalt  }
0x5b: {  	_ =	shalt  }
0x5c: {  	_ =	shalt  }
0x5d: {  	_ =	shalt  }
0x5e: {  	_ =	shalt  }
0x5f: {  	_ =	shalt  }
0x60: {  	_ =	shalt  }
0x61: {  	_ =	shalt  }
0x62: {  	_ =	shalt  }
0x63: {  	_ =	shalt  }
0x64: {  	_ =	shalt  }
0x65: {  	_ =	shalt  }
0x66: {  	_ =	shalt  }
0x67: {  	_ =	shalt  }
0x68: {  	_ =	shalt  }
0x69: {  	_ =	shalt  }
0x6a: {  	_ =	shalt  }
0x6b: {  	_ =	shalt  }
0x6c: {  	_ =	shalt  }
0x6d: {  	_ =	shalt  }
0x6e: {  	_ =	shalt  }
0x6f: {  	_ =	shalt  }
0x70: {  	_ =	shalt  }
0x71: {  	_ =	shalt  }
0x72: {  	_ =	shalt  }
0x73: {  	_ =	shalt  }
0x74: {  	_ =	shalt  }
0x75: {  	_ =	shalt  }
0x76: {  	_ =	shalt  }
0x77: {  	_ =	shalt  }
0x78: {  	_ =	shalt  }
0x79: {  	_ =	shalt  }
0x7a: {  	_ =	shalt  }
0x7b: {  	_ =	shalt  }
0x7c: {  	_ =	shalt  }
0x7d: {  	_ =	shalt  }
0x7e: {  	_ =	shalt  }
0x7f: {  	_ =	shalt  }
0x80: {  	_ =	shalt  }
0x81: {  	_ =	shalt  }
0x82: {  	_ =	shalt  }
0x83: {  	_ =	shalt  }
0x84: {  	_ =	shalt  }
0x85: {  	_ =	shalt  }
0x86: {  	_ =	shalt  }
0x87: {  	_ =	shalt  }
.Lfunc_end0:
.L_simem_size_0:
called_computation.1_lowered:
.L_overlay_start_0:
0x88: {  	s2 =	sld [smem:$0x3FD9]  }
0x89: {  	s3 =	sld [smem:$0x3FFE];
	_ =	sdelay $0x1  }
0x8a: {  	s1 =	srdreg.scid  }
0x8b: {  	s0 =	sand.u32 $0x1, s1  }
0x8c: {  	s17 =	sshll.u32 s0, $0xA;
	s2 =	sadd.s32 s3, s2  }
0x8d: {  	s2 =	sadd.s32 s2, s17  }
0x8e: {  	[smem:$0x3FC2] =	sst s2  }
0x8f: {  	_ = 	snop  }
0x90: {  	s2 =	sld [smem:$0x3FC9]  }
0x91: {  	s18 =	sld [smem:$0x3FD0];
	(tm) =	ssettm $0x1  }
0x92: {  	s4 =	sld [smem:$0x3FFB];
	_ =	sdelay $0x3  }
0x93: {  	_ =	strace s4  }
0x94: {  	s4 =	sld [smem:$0x3FFC];
	_ =	sdelay $0x3  }
0x95: {  	_ =	strace s4  }
0x96: {  	s4 =	sld [smem:$0x3FFD];
	_ =	sdelay $0x3  }
0x97: {  	_ =	strace s4  }
0x98: {  	_ =	strace $0x8FFFFFFF  }
0x99: {  	s19 =	sld [smem:$0x3FDB];
	_ =	sdelay $0x1  }
0x9a: {  	s5 =	simm.s32 $_scs_section_size  }
0x9b: {  	s6 =	simm.s32 $_size__tile_overlayer_lowered;
	s7 =	simm.s32 $_tile_overlayer_lowered  }
0x9c: {  	s22 =	simm.s32 $0x1BFF;
	s21 =	sshll.u32 s7, $0x1;
	s4 =	sadd.s32 s5, s19  }
0x9d: {  	s8 =	simm.s32 $0x0;
	s20 =	sshll.u32 s6, $0x1;
	s6 =	sadd.s32 s21, s4  }
0x9e: {  	[timem:s8], [sflag:s22] =	dma.local [hbm:s6], s20  }
0x9f: {  	_ =	swait.ge [sflag:s22], s20  }
0xa0: {  	s5 =	ssub.s32 $0x0, s20;
	[sflag:s22] =	ssyncset.done $0x0  }
0xa1: {  	[sflag:s22] =	ssyncadd.s32 s5;
	_ =	sdelay $0x1  }
0xa2: {  	s23 =	simm.s32 $0x1B8B  }
0xa3: {  	_ =	swait.ge [sflag:s23], $0x1  }
0xa4: {  	[sflag:s23] =	ssyncset.done $0x0  }
0xa5: {  	s25 =	simm.s32 $0x1B8E;
	s24 =	sld [smem:$0x3FFE];
	[sflag:s23] =	ssyncadd.s32 $0xFFFFFFFF  }
0xa6: {  	s26 =	simm.s32 $execute0_lowered;
	[smem:$0x3FD2] =	sst s25  }
0xa7: {  	s6 =	sshll.u32 s26, $0x1;
	_ =	strace $0x80000049;
	[dreg:$0x1] =	wrdreg $0xFFFFFFFF  }
0xa8: {  	s28 =	simm.s32 $_size_execute0_lowered;
	s4 =	sadd.s32 s4, s6;
	[dreg:$0x0] =	wrdreg $0x0  }
0xa9: {  	s6 =	sshll.u32 s28, $0x1;
	[dreg:$0x2] =	wrdreg s4  }
0xaa: {  	[dreg:$0x3] =	wrdreg s6  }
0xab: {  	[dreg:$0x4] =	wrdreg $0xC0  }
0xac: {  	_ =	task [dreg:s8], $0x5FFFF  }
0xad: {  	[dreg:$0x1] =	wrdreg $0xFFFFFFFF  }
0xae: {  	[dreg:$0x0] =	wrdreg $0x60  }
0xaf: {  	[dreg:$0x2] =	wrdreg s2  }
0xb0: {  	[dreg:$0x3] =	wrdreg s24  }
0xb1: {  	[dreg:$0x4] =	wrdreg s18  }
0xb2: {  	[dreg:$0x5] =	wrdreg $0x9  }
0xb3: {  	_ =	task.clear_ibuf [dreg:s8], $0x6FFFF;
	_ =	strace $0x90000049  }
0xb4: {  	s29 =	simm.s32 $0x9;
	_ =	strace $0x8000004B  }
0xb5: {  	_ =	swait.ge [sflag:s29], $0x1  }
0xb6: {  	[sflag:s29] =	ssyncadd.s32 $0xFFFFFFFF  }
0xb7: {  	_ =	strace $0x9000004B  }
0xb8: {  	_ =	sfence  }
0xb9: {  	s30 =	sld [smem:$0x0];
	_ =	sdelay $0x2  }
0xba: {  	s31 =	sshll.u32 s1, $0xD;
	s1 =	sshrl.u32 s1, $0x2  }
0xbb: {  	s3 =	sand.u32 $0x4000, s31;
	s1 =	sadd.s32 s1, s30  }
0xbc: {  	s0 =	sor.u32 s3, s0;
	s1 =	sshll.u32 s1, $0x11  }
0xbd: {  	s0 =	sor.u32 s1, s0  }
0xbe: {  	s0 =	sadd.s32 $0x8F2B, s0  }
0xbf: {  	[sflag:s0] =	ssyncadd.remote.s32 $0x1  }
0xc0: {  	_ =	sfence.sel $0xFFFF  }
0xc1: {  	[dreg:$0x0] =	wrdreg $0xFFFFFFFF;
	(pc) =	sbr.abs _section_cstart, $3  }
0xc2: {  	[dreg:$0x1] =	wrdreg $0xFFFFFFFF  }
0xc3: {  	_ =	task.clear_ibuf [dreg:s8], $0x2FFFF;
	_ =	strace $0x9FFFFFFF  }
0xc4: {  	(tm) =	ssettm $0x7FFFFFFF  }
0xc5: {  	_ =	shalt  }
tec
execute0_lowered:
.L_overlay_start_1:
0x0: {  	(tag) =	ssettag $0x1  }
0x1: {  	s1 =	rddreg [dreg:$0x0];
	s2 =	srdreg.scid  }
0x2: {  	s4 =	rddreg [dreg:$0x1];
	s0 =	stileid.u32  }
0x3: {  	s5 =	rddreg [dreg:$0x2];
	s3 =	simm.s32 $0x0;
	s23 =	simm.s32 $0x880  }
0x4: {  	s24 =	simm.s32 $0x1080;
	s8 =	simm.s32 $0x1880;
	s25 =	simm.s32 $0x2080  }
0x5: {  	s26 =	simm.s32 $0x2880;
	s9 =	simm.s32 $0x80;
	s11 =	simm.s32 $0x3880  }
0x6: {  	s12 =	simm.s32 $0x4080;
	s13 =	simm.s32 $0x4880;
	s14 =	simm.s32 $0x5080  }
0x7: {  	s15 =	simm.s32 $0x5880;
	s16 =	simm.s32 $0x6080;
	s17 =	simm.s32 $0x6880  }
0x8: {  	s18 =	simm.s32 $0x7080;
	s19 =	simm.s32 $0x7880;
	s20 =	simm.s32 $0x8080  }
0x9: {  	s28 =	simm.s32 $0xB880;
	s29 =	simm.s32 $0x1;
	[smem:$0x7FF] =	sst s3  }
0xa: {  	s30 =	simm.s32 $0x2;
	_ =	strace $0x8000004A;
	[dreg:$0x6] =	wrdreg s23  }
0xb: {  	s31 =	simm.s32 $0x5;
	s2 =	sand.u32 $0x1, s2;
	[dreg:$0x7] =	wrdreg s24  }
0xc: {  	s6 =	sshll.u32 s0, $0x4;
	s7 =	sshll.u32 s2, $0x3;
	[dreg:$0x8] =	wrdreg s8  }
0xd: {  	s2 =	ssub.s32 $0x2, s2;
	s8 =	simm.s32 $0x9;
	[dreg:$0x9] =	wrdreg s25  }
0xe: {  	[dreg:$0xa] =	wrdreg s26;
	s23 =	simm.s32 $0x9880;
	s24 =	simm.s32 $0xA080  }
0xf: {  	s25 =	simm.s32 $0xA880;
	s26 =	simm.s32 $0xB080;
	s6 =	sor.u32 s7, s6  }
0x10: {  	s21 =	sshrl.u32 s2, $0x1;
	s7 =	smul.u32 $0x300, s6;
	s4 =	sadd.s32 s6, s4  }
0x11: {  	s2 =	ssub.s32 s2, s21;
	s21 =	simm.s32 $0x8880;
	s6 =	sadd.s32 $0x2A00, s4  }
0x12: {  	v2 =	vlaneseq.u32;
	s4 =	sadd.s32 s5, s7;
	[dreg:$0x4] =	wrdreg s6;
	s5 =	sadd.s32 $0x100, s1  }
0x13: {  	vm0 =	vmmov $0xffff;
	v1 =	vshrl.u32 v2, $0x3;
	s6 =	sadd.s32 $0x200, s1;
	s7 =	smax.u32 s2, $0x1;
	s22 =	sadd.s32 $0xC00, s4  }
0x14: {  	v0 =	vand.u32 $0x7, v2;
	v2 =	vor.u32 $0x8, v2;
	v1 =	vmul.u32 $0x8, v1;
	s2 =	simm.s32 $0x6;
	[dreg:$0x5] =	wrdreg s22;
	s22 =	simm.s32 $0x9080  }
.LBB2_1:
0x15: {  	s0 =	rddreg [dreg:$0x4]  }
0x16: {  	[tilespmem:s3], [sflag:$0x9] =	stream.linear.gather [hbm4b:s0+s3], $0x40, $0x38;
	[tilespmem:$0x18080] =	vst v63  }
0x17: {  	_ =	swait.ge [sflag:s8], $0x40  }
0x18: {  	[sflag:s8] =	ssyncset.done $0x0  }
0x19: {  	[sflag:s8] =	ssyncadd.s32 $0xFFFFFFC0  }
0x1a: {  	v3 =	vld [tilespmem:$0x0];
	_ =	sdelay $0x4  }
0x1b: {  	v4 =	vshrl.u32 v3, $0x3  }
0x1c: {  	v4 =	vmul.u32 $0x30, v4  }
0x1d: {  	v3 =	vand.u32 $0x7, v3  }
0x1e: {  	v3 =	vor.u32 v3, v4  }
0x1f: {  	v4 =	vperm.xlane v3, v0;
	_ =	sdelay $0x1  }
0x20: {  	v4 =	vadd.s32 v1, v4;
	_ =	sdelay $0x3  }
0x21: {  	v3 =	vperm.xlane v3, v2  }
0x22: {  	[tilespmem:s9], [sflag:$0x1] =	stream.indirect_vreg.gather [hbm4b:s1+s3], $0x80, v4, vm0, $0xb8;
	[tilespmem:$0x18080] =	vst v63  }
0x23: {  	s0 =	rddreg [dreg:$0x6];
	v3 =	vadd.s32 v1, v3  }
0x24: {  	[tilespmem:s0], [sflag:$0x1] =	stream.indirect_vreg.gather [hbm4b:s5+s3], $0x80, v4, vm0, $0xb8;
	[tilespmem:$0x18080] =	vst v63  }
0x25: {  	s10 =	rddreg [dreg:$0x7]  }
0x26: {  	[tilespmem:s10], [sflag:$0x1] =	stream.indirect_vreg.gather [hbm4b:s6+s3], $0x80, v4, vm0, $0xb8;
	[tilespmem:$0x18080] =	vst v63  }
0x27: {  	s0 =	rddreg [dreg:$0x8]  }
0x28: {  	[tilespmem:s0], [sflag:$0x1] =	stream.indirect_vreg.gather [hbm4b:s1+s3], $0x80, v3, vm0, $0xb8;
	[tilespmem:$0x18080] =	vst v63  }
0x29: {  	s10 =	rddreg [dreg:$0x9]  }
0x2a: {  	[tilespmem:s10], [sflag:$0x1] =	stream.indirect_vreg.gather [hbm4b:s5+s3], $0x80, v3, vm0, $0xb8;
	[tilespmem:$0x18080] =	vst v63  }
0x2b: {  	s0 =	rddreg [dreg:$0xa]  }
0x2c: {  	[tilespmem:s0], [sflag:$0x1] =	stream.indirect_vreg.gather [hbm4b:s6+s3], $0x80, v3, vm0, $0xb8;
	[tilespmem:$0x18080] =	vst v63  }
0x2d: {  	v3 =	vld [tilespmem:$0x10];
	_ =	sdelay $0x4  }
0x2e: {  	v61 =	vshrl.u32 v3, $0x3  }
0x2f: {  	v4 =	vmul.u32 $0x30, v61  }
0x30: {  	v3 =	vand.u32 $0x7, v3  }
0x31: {  	v3 =	vor.u32 v3, v4  }
0x32: {  	v4 =	vperm.xlane v3, v0;
	_ =	sdelay $0x1  }
0x33: {  	v4 =	vadd.s32 v1, v4;
	_ =	sdelay $0x3  }
0x34: {  	s10 =	simm.s32 $0x3080;
	v3 =	vperm.xlane v3, v2  }
0x35: {  	[tilespmem:s10], [sflag:$0x1] =	stream.indirect_vreg.gather [hbm4b:s1+s3], $0x80, v4, vm0, $0xb8;
	[tilespmem:$0x18080] =	vst v63  }
0x36: {  	v3 =	vadd.s32 v1, v3  }
0x37: {  	[tilespmem:s11], [sflag:$0x1] =	stream.indirect_vreg.gather [hbm4b:s5+s3], $0x80, v4, vm0, $0xb8;
	[tilespmem:$0x18080] =	vst v63  }
0x38: {  	_ = 	snop  }
0x39: {  	[tilespmem:s12], [sflag:$0x1] =	stream.indirect_vreg.gather [hbm4b:s6+s3], $0x80, v4, vm0, $0xb8;
	[tilespmem:$0x18080] =	vst v63  }
0x3a: {  	_ = 	snop  }
0x3b: {  	[tilespmem:s13], [sflag:$0x1] =	stream.indirect_vreg.gather [hbm4b:s1+s3], $0x80, v3, vm0, $0xb8;
	[tilespmem:$0x18080] =	vst v63  }
0x3c: {  	_ = 	snop  }
0x3d: {  	[tilespmem:s14], [sflag:$0x1] =	stream.indirect_vreg.gather [hbm4b:s5+s3], $0x80, v3, vm0, $0xb8;
	[tilespmem:$0x18080] =	vst v63  }
0x3e: {  	_ = 	snop  }
0x3f: {  	[tilespmem:s15], [sflag:$0x1] =	stream.indirect_vreg.gather [hbm4b:s6+s3], $0x80, v3, vm0, $0xb8;
	[tilespmem:$0x18080] =	vst v63  }
0x40: {  	v3 =	vld [tilespmem:$0x20];
	_ =	sdelay $0x4  }
0x41: {  	v62 =	vshrl.u32 v3, $0x3  }
0x42: {  	v4 =	vmul.u32 $0x30, v62  }
0x43: {  	v3 =	vand.u32 $0x7, v3  }
0x44: {  	v3 =	vor.u32 v3, v4  }
0x45: {  	v4 =	vperm.xlane v3, v0;
	_ =	sdelay $0x1  }
0x46: {  	v4 =	vadd.s32 v1, v4;
	_ =	sdelay $0x3  }
0x47: {  	v3 =	vperm.xlane v3, v2  }
0x48: {  	[tilespmem:s16], [sflag:$0x2] =	stream.indirect_vreg.gather [hbm4b:s1+s3], $0x80, v4, vm0, $0xb8;
	[tilespmem:$0x18080] =	vst v63  }
0x49: {  	v3 =	vadd.s32 v1, v3  }
0x4a: {  	[tilespmem:s17], [sflag:$0x2] =	stream.indirect_vreg.gather [hbm4b:s5+s3], $0x80, v4, vm0, $0xb8;
	[tilespmem:$0x18080] =	vst v63  }
0x4b: {  	_ = 	snop  }
0x4c: {  	[tilespmem:s18], [sflag:$0x2] =	stream.indirect_vreg.gather [hbm4b:s6+s3], $0x80, v4, vm0, $0xb8;
	[tilespmem:$0x18080] =	vst v63  }
0x4d: {  	_ = 	snop  }
0x4e: {  	[tilespmem:s19], [sflag:$0x2] =	stream.indirect_vreg.gather [hbm4b:s1+s3], $0x80, v3, vm0, $0xb8;
	[tilespmem:$0x18080] =	vst v63  }
0x4f: {  	_ = 	snop  }
0x50: {  	[tilespmem:s20], [sflag:$0x2] =	stream.indirect_vreg.gather [hbm4b:s5+s3], $0x80, v3, vm0, $0xb8;
	[tilespmem:$0x18080] =	vst v63  }
0x51: {  	_ = 	snop  }
0x52: {  	[tilespmem:s21], [sflag:$0x2] =	stream.indirect_vreg.gather [hbm4b:s6+s3], $0x80, v3, vm0, $0xb8;
	[tilespmem:$0x18080] =	vst v63  }
0x53: {  	v3 =	vld [tilespmem:$0x30];
	_ =	sdelay $0x4  }
0x54: {  	v63 =	vshrl.u32 v3, $0x3  }
0x55: {  	v4 =	vmul.u32 $0x30, v63  }
0x56: {  	v3 =	vand.u32 $0x7, v3  }
0x57: {  	v3 =	vor.u32 v3, v4  }
0x58: {  	v4 =	vperm.xlane v3, v0;
	_ =	sdelay $0x1  }
0x59: {  	v4 =	vadd.s32 v1, v4;
	_ =	sdelay $0x3  }
0x5a: {  	v3 =	vperm.xlane v3, v2  }
0x5b: {  	[tilespmem:s22], [sflag:$0x2] =	stream.indirect_vreg.gather [hbm4b:s1+s3], $0x80, v4, vm0, $0xb8;
	[tilespmem:$0x18080] =	vst v63  }
0x5c: {  	v3 =	vadd.s32 v1, v3  }
0x5d: {  	[tilespmem:s23], [sflag:$0x2] =	stream.indirect_vreg.gather [hbm4b:s5+s3], $0x80, v4, vm0, $0xb8;
	[tilespmem:$0x18080] =	vst v63  }
0x5e: {  	_ = 	snop  }
0x5f: {  	[tilespmem:s24], [sflag:$0x2] =	stream.indirect_vreg.gather [hbm4b:s6+s3], $0x80, v4, vm0, $0xb8;
	[tilespmem:$0x18080] =	vst v63  }
0x60: {  	_ = 	snop  }
0x61: {  	[tilespmem:s25], [sflag:$0x2] =	stream.indirect_vreg.gather [hbm4b:s1+s3], $0x80, v3, vm0, $0xb8;
	[tilespmem:$0x18080] =	vst v63  }
0x62: {  	_ = 	snop  }
0x63: {  	[tilespmem:s26], [sflag:$0x2] =	stream.indirect_vreg.gather [hbm4b:s5+s3], $0x80, v3, vm0, $0xb8;
	[tilespmem:$0x18080] =	vst v63  }
0x64: {  	_ = 	snop  }
0x65: {  	[tilespmem:s28], [sflag:$0x2] =	stream.indirect_vreg.gather [hbm4b:s6+s3], $0x80, v3, vm0, $0xb8;
	[tilespmem:$0x18080] =	vst v63  }
0x66: {  	_ =	swait.ge [sflag:s29], $0x6000  }
0x67: {  	[sflag:s29] =	ssyncset.done $0x0  }
0x68: {  	[sflag:s29] =	ssyncadd.s32 $0xFFFFA000  }
0x69: {  	[hbm4b:s4+s3] =	stream.linear.scatter [tilespmem:s9], [sflag:$0x5], $0x6000, $0x38;
	[tilespmem:$0x18080] =	vst v63  }
0x6a: {  	_ =	swait.ge [sflag:s30], $0x6000  }
0x6b: {  	[sflag:s30] =	ssyncset.done $0x0  }
0x6c: {  	s10 =	rddreg [dreg:$0x5];
	[sflag:s30] =	ssyncadd.s32 $0xFFFFA000  }
0x6d: {  	[hbm4b:s10+s3] =	stream.linear.scatter [tilespmem:s16], [sflag:$0x6], $0x6000, $0x38;
	[tilespmem:$0x18080] =	vst v63  }
0x6e: {  	p0 =	sne.s32 s7, $0x1;
	_ =	swait.ge [sflag:s31], $0x6000  }
.Ltmp0:
0x6f: {  	[sflag:s31] =	ssyncset.done $0x0;
	(pc) =	sbr.rel @p0 .LBB2_1-.Ltmp0, $4  }
0x70: {  	[sflag:s31] =	ssyncadd.s32 $0xFFFFA000  }
0x71: {  	_ =	swait.ge [sflag:s2], $0x6000  }
0x72: {  	[sflag:s2] =	ssyncset.done $0x0  }
0x73: {  	s7 =	sadd.s32 $0xFFFFFFFF, s7;
	[sflag:s2] =	ssyncadd.s32 $0xFFFFA000  }
0x74: {  	_ =	sfence.sel $0x180000  }
0x75: {  	[bflag:$0x0] =	sbarrier.arrive $0xFFFF  }
0x76: {  	_ =	strace $0x9000004A  }
0x77: {  	s0 =	stileid.u32;
	[bflag:$0x2] =	sbarrier.arrive $0xFFFF  }
0x78: {  	p0 =	sne.s32 s0, $0x0;
	s0 =	rddreg [dreg:$0x3]  }
0x79: {  	s0 =	sadd.s32 @!p0 $0x100000, s0  }
0x7a: {  	[sflag:s0] =	ssyncadd.tile.s32 @!p0 $0x1;
	_ =	shalt  }
.Lfunc_end2:
_tile_overlayer_lowered:
.L_overlay_start_2:
0x7b: {  	(tag) =	ssettag $0x2  }
0x7c: {  	s0 =	rddreg [dreg:$0x0];
	s2 =	stileid.u32  }
0x7d: {  	s1 =	rddreg [dreg:$0x1];
	p0 =	sne.s32 s2, $0x0  }
0x7e: {  	s3 =	rddreg [dreg:$0x2];
	[bflag:$0x3] =	sbarrier.arrive $0xFFFF;
	s2 =	simm.s32 @!p0 $0x1C09  }
0x7f: {  	[timem:s3], [sflag:s2] =	dma.local @!p0 [hbm:s0], s1  }
0x80: {  	s0 =	simm.s32 @!p0 $0x9  }
0x81: {  	_ =	swait.ge @!p0 [sflag:s0], s1  }
0x82: {  	s1 =	ssub.s32 @!p0 $0x0, s1;
	[sflag:s0] =	ssyncset.done @!p0 $0x0  }
0x83: {  	[sflag:s0] =	ssyncadd.s32 @!p0 s1  }
0x84: {  	[bflag:$0x3] =	sbarrier.arrive $0xFFFF  }
0x85: {  	_ =	shalt  }

// kernel: sc_gather_x_1.3.cloned.1.call-start
scs
__scs_entry_jumppad:
0x0: {  	(pc) =	sbr.rel $0x88, $3  }
0x1: {  	(tag) =	ssettag $0x0;
	lr =	simm.s32 $0x1  }
0x2: {  	[smem:$0x3F9B] =	sst lr;
	_ =	strace $0xD0000000  }
0x3: {  	_ = 	snop  }
0x4: {  	_ = 	snop  }
0x5: {  	_ = 	snop  }
0x6: {  	_ = 	snop  }
0x7: {  	_ = 	snop  }
__scs_overlays_trampoline_lowered:
0x8: {  	[smem:$0x3FAA] =	sst s0  }
0x9: {  	[smem:$0x3FAB] =	sst s1  }
0xa: {  	[smem:$0x3FAC] =	sst s2  }
0xb: {  	[smem:$0x3FAD] =	sst s3  }
0xc: {  	[smem:$0x3FAE] =	sst s4  }
0xd: {  	[smem:$0x3FAF] =	sst s5  }
0xe: {  	[smem:$0x3FB0] =	sst s6  }
0xf: {  	[smem:$0x3FB1] =	sst s7  }
0x10: {  	[smem:$0x3FB2] =	sst s8  }
0x11: {  	[smem:$0x3FB3] =	sst s9;
	s0 =	simm.s32 @!p0 $0x0  }
0x12: {  	s1 =	sld [smem:$0x3F99];
	s0 =	simm.s32 @p0 $0x1  }
0x13: {  	[smem:$0x3FB4] =	sst s0;
	s0 =	simm.s32 @!p1 $0x0  }
0x14: {  	s2 =	sld [smem:$0x3F98];
	s0 =	simm.s32 @p1 $0x1  }
0x15: {  	[smem:$0x3FB5] =	sst s0;
	s0 =	simm.s32 @!p2 $0x0  }
0x16: {  	s3 =	sld [smem:$0x3FDB];
	s0 =	simm.s32 @p2 $0x1  }
0x17: {  	s4 =	simm.s32 $0x1BF5;
	[smem:$0x3FB7] =	sst s0  }
0x18: {  	s0 =	sld [smem:$0x3F9A];
	_ =	swait.ge [sflag:s4], $0x0  }
0x19: {  	s7 =	sld [smem:$0x3F9B]  }
0x1a: {  	s8 =	sadd.s32 $0xFFFFE003, lr  }
0x1b: {  	s9 =	sadd.s32 $0xFFFFFEF7, lr;
	s5 =	simm.s32 $0xFFFFFFFF;
	p2 =	slt.u32 s8, $0xFFFFF086  }
0x1c: {  	p1 =	slt.u32 s9, $0xF7A;
	s5 =	simm.s32 @!p2 $0x0  }
0x1d: {  	s5 =	simm.s32 @p1 $0x1;
	p0 =	seq.s32 s7, s2  }
0x1e: {  	s7 =	smul.u32 @!p0 $0xF7A, s2;
	p2 =	seq.s32 @!p0 s5, $0x0  }
0x1f: {  	s9 =	smul.u32 $0xF7A, s1;
	s8 =	simm.s32 @!p0 $0x1BF5;
	p2 =	por !p2, p0  }
0x20: {  	[sflag:s8] =	ssyncset.s32 @!p0 $0xFFFFF086;
	s6 =	sadd.s32 @!p0 s3, s7;
	s7 =	simm.s32 @!p0 $0x108  }
0x21: {  	s3 =	sadd.s32 s3, s9;
	s6 =	sadd.s32 @!p0 $0x88, s6;
	s7 =	simm.s32 @p2 $0x1082  }
0x22: {  	[simem:s7], [sflag:s8] =	dma.local @!p0 [hbm:s6], $0xF7A  }
0x23: {  	s9 =	sor.u32 $0xD0000000, s2;
	s6 =	simm.s32 $0x108;
	_ =	swait.ge @!p0 [sflag:s8], $0x0  }
0x24: {  	s3 =	sadd.s32 $0x88, s3;
	s6 =	simm.s32 @!p1 $0x1082;
	[sflag:s4] =	ssyncset.s32 $0xFFFFF086  }
0x25: {  	[simem:s6], [sflag:s4] =	dma.local [hbm:s3], $0xF7A  }
0x26: {  	[smem:$0x3F9B] =	sst s1;
	(tag) =	ssettag s2;
	_ =	strace s9  }
0x27: {  	s1 =	sld [smem:$0x3FAB]  }
0x28: {  	s2 =	sld [smem:$0x3FAC]  }
0x29: {  	s4 =	sld [smem:$0x3FAE]  }
0x2a: {  	p0 =	seq.s32 s5, $0x0;
	s5 =	sld [smem:$0x3FAF]  }
0x2b: {  	s6 =	sld [smem:$0x3FB0]  }
0x2c: {  	s7 =	sld [smem:$0x3FB1]  }
0x2d: {  	s3 =	simm.s32 $0x108;
	s8 =	sld [smem:$0x3FB2]  }
0x2e: {  	s3 =	simm.s32 @!p0 $0x1082;
	s9 =	sld [smem:$0x3FB3]  }
0x2f: {  	lr =	sadd.s32 s0, s3;
	s0 =	sld [smem:$0x3FAA]  }
0x30: {  	s3 =	sld [smem:$0x3FAD]  }
0x31: {  	[smem:$0x3FB6] =	sst s10  }
0x32: {  	s10 =	sld [smem:$0x3FB4];
	_ =	sdelay $0x3  }
0x33: {  	p0 =	seq.s32 s10, $0x1;
	s10 =	sld [smem:$0x3FB6];
	_ =	sdelay $0x3  }
0x34: {  	[smem:$0x3FB6] =	sst s10  }
0x35: {  	s10 =	sld [smem:$0x3FB5];
	_ =	sdelay $0x3  }
0x36: {  	p1 =	seq.s32 s10, $0x1;
	s10 =	sld [smem:$0x3FB6];
	_ =	sdelay $0x3  }
0x37: {  	[smem:$0x3FB6] =	sst s10  }
0x38: {  	s10 =	sld [smem:$0x3FB7]  }
0x39: {  	_ = 	snop;
	(pc) =	sbr.ind lr, $3  }
0x3a: {  	_ = 	snop  }
0x3b: {  	_ = 	snop  }
0x3c: {  	p2 =	seq.s32 s10, $0x1;
	s10 =	sld [smem:$0x3FB6]  }
0x3d: {  	_ =	shalt  }
0x3e: {  	_ =	shalt  }
0x3f: {  	_ =	shalt  }
0x40: {  	_ =	shalt  }
0x41: {  	_ =	shalt  }
0x42: {  	_ =	shalt  }
0x43: {  	_ =	shalt  }
0x44: {  	_ =	shalt  }
0x45: {  	_ =	shalt  }
0x46: {  	_ =	shalt  }
0x47: {  	_ =	shalt  }
0x48: {  	_ =	shalt  }
0x49: {  	_ =	shalt  }
0x4a: {  	_ =	shalt  }
0x4b: {  	_ =	shalt  }
0x4c: {  	_ =	shalt  }
0x4d: {  	_ =	shalt  }
0x4e: {  	_ =	shalt  }
0x4f: {  	_ =	shalt  }
0x50: {  	_ =	shalt  }
0x51: {  	_ =	shalt  }
0x52: {  	_ =	shalt  }
0x53: {  	_ =	shalt  }
0x54: {  	_ =	shalt  }
0x55: {  	_ =	shalt  }
0x56: {  	_ =	shalt  }
0x57: {  	_ =	shalt  }
0x58: {  	_ =	shalt  }
0x59: {  	_ =	shalt  }
0x5a: {  	_ =	shalt  }
0x5b: {  	_ =	shalt  }
0x5c: {  	_ =	shalt  }
0x5d: {  	_ =	shalt  }
0x5e: {  	_ =	shalt  }
0x5f: {  	_ =	shalt  }
0x60: {  	_ =	shalt  }
0x61: {  	_ =	shalt  }
0x62: {  	_ =	shalt  }
0x63: {  	_ =	shalt  }
0x64: {  	_ =	shalt  }
0x65: {  	_ =	shalt  }
0x66: {  	_ =	shalt  }
0x67: {  	_ =	shalt  }
0x68: {  	_ =	shalt  }
0x69: {  	_ =	shalt  }
0x6a: {  	_ =	shalt  }
0x6b: {  	_ =	shalt  }
0x6c: {  	_ =	shalt  }
0x6d: {  	_ =	shalt  }
0x6e: {  	_ =	shalt  }
0x6f: {  	_ =	shalt  }
0x70: {  	_ =	shalt  }
0x71: {  	_ =	shalt  }
0x72: {  	_ =	shalt  }
0x73: {  	_ =	shalt  }
0x74: {  	_ =	shalt  }
0x75: {  	_ =	shalt  }
0x76: {  	_ =	shalt  }
0x77: {  	_ =	shalt  }
0x78: {  	_ =	shalt  }
0x79: {  	_ =	shalt  }
0x7a: {  	_ =	shalt  }
0x7b: {  	_ =	shalt  }
0x7c: {  	_ =	shalt  }
0x7d: {  	_ =	shalt  }
0x7e: {  	_ =	shalt  }
0x7f: {  	_ =	shalt  }
0x80: {  	_ =	shalt  }
0x81: {  	_ =	shalt  }
0x82: {  	_ =	shalt  }
0x83: {  	_ =	shalt  }
0x84: {  	_ =	shalt  }
0x85: {  	_ =	shalt  }
0x86: {  	_ =	shalt  }
0x87: {  	_ =	shalt  }
.Lfunc_end0:
.L_simem_size_0:
called_computation.2_lowered:
.L_overlay_start_0:
0x88: {  	s2 =	sld [smem:$0x3FD9]  }
0x89: {  	s3 =	sld [smem:$0x3FFE];
	_ =	sdelay $0x1  }
0x8a: {  	s1 =	srdreg.scid  }
0x8b: {  	s0 =	sand.u32 $0x1, s1  }
0x8c: {  	s17 =	sshll.u32 s0, $0xA;
	s2 =	sadd.s32 s3, s2  }
0x8d: {  	s2 =	sadd.s32 s2, s17  }
0x8e: {  	[smem:$0x3FC2] =	sst s2  }
0x8f: {  	_ = 	snop  }
0x90: {  	s18 =	sld [smem:$0x3FC9];
	(tm) =	ssettm $0x1  }
0x91: {  	s19 =	sld [smem:$0x3FFB];
	_ =	sdelay $0x3  }
0x92: {  	_ =	strace s19  }
0x93: {  	s2 =	sld [smem:$0x3FFC];
	_ =	sdelay $0x3  }
0x94: {  	_ =	strace s2  }
0x95: {  	s2 =	sld [smem:$0x3FFD];
	_ =	sdelay $0x3  }
0x96: {  	_ =	strace s2  }
0x97: {  	_ =	strace $0x8FFFFFFF  }
0x98: {  	s20 =	sld [smem:$0x3FDB];
	_ =	sdelay $0x1  }
0x99: {  	s4 =	simm.s32 $_scs_section_size  }
0x9a: {  	s5 =	simm.s32 $_size__tile_overlayer_lowered;
	s6 =	simm.s32 $_tile_overlayer_lowered  }
0x9b: {  	s7 =	simm.s32 $0x1BFF;
	s21 =	sshll.u32 s6, $0x1;
	s4 =	sadd.s32 s4, s20  }
0x9c: {  	s22 =	simm.s32 $0x0;
	s5 =	sshll.u32 s5, $0x1;
	s6 =	sadd.s32 s21, s4  }
0x9d: {  	[timem:s22], [sflag:s7] =	dma.local [hbm:s6], s5  }
0x9e: {  	_ =	swait.ge [sflag:s7], s5  }
0x9f: {  	s5 =	ssub.s32 $0x0, s5;
	[sflag:s7] =	ssyncset.done $0x0  }
0xa0: {  	[sflag:s7] =	ssyncadd.s32 s5;
	_ =	sdelay $0x1  }
0xa1: {  	s23 =	simm.s32 $0x1B8B  }
0xa2: {  	_ =	swait.ge [sflag:s23], $0x1  }
0xa3: {  	[sflag:s23] =	ssyncset.done $0x0  }
0xa4: {  	[sflag:s23] =	ssyncadd.s32 $0xFFFFFFFF  }
0xa5: {  	s5 =	sld [smem:$0x0]  }
0xa6: {  	s6 =	sand.u32 $0xFFFFFFFE, s1  }
0xa7: {  	p0 =	sne.s32 s1, s6  }
0xa8: {  	s6 =	sshll.u32 @p0 s6, $0xE  }
0xa9: {  	s6 =	sadd.s32 @p0 $0x11B8D, s6;
	s7 =	sshll.u32 @p0 s5, $0x11  }
0xaa: {  	s6 =	sor.u32 @p0 s7, s6  }
0xab: {  	[sflag:s6] =	ssyncadd.remote.s32 @p0 $0x1;
	_ =	sdelay $0x1  }
0xac: {  	s6 =	simm.s32 @p0 $0x1B8D  }
0xad: {  	_ =	swait.eq @p0 [sflag:s6], $0x1  }
0xae: {  	[sflag:s6] =	ssyncadd.s32 @p0 $0xFFFFFFFF  }
0xaf: {  	s7 =	sshll.u32 @!p0 s1, $0xE  }
0xb0: {  	s7 =	sor.u32 @!p0 $0x4000, s7;
	s6 =	simm.s32 @!p0 $0x1B8D  }
0xb1: {  	s5 =	sshll.u32 @!p0 s5, $0x11;
	s7 =	sadd.s32 @!p0 $0x11B8D, s7;
	_ =	swait.eq @!p0 [sflag:s6], $0x1  }
0xb2: {  	s5 =	sor.u32 @!p0 s5, s7;
	[sflag:s6] =	ssyncadd.s32 @!p0 $0xFFFFFFFF  }
0xb3: {  	s25 =	simm.s32 $0x1B8E;
	s24 =	sld [smem:$0x3FFE];
	[sflag:s5] =	ssyncadd.remote.s32 @!p0 $0x1  }
0xb4: {  	s26 =	simm.s32 $execute0_lowered;
	[smem:$0x3FD2] =	sst s25  }
0xb5: {  	s6 =	sshll.u32 s26, $0x1;
	_ =	strace $0x8000004C;
	[dreg:$0x1] =	wrdreg $0xFFFFFFFF  }
0xb6: {  	s28 =	simm.s32 $_size_execute0_lowered;
	s4 =	sadd.s32 s4, s6;
	[dreg:$0x0] =	wrdreg $0x0  }
0xb7: {  	s6 =	sshll.u32 s28, $0x1;
	[dreg:$0x2] =	wrdreg s4  }
0xb8: {  	[dreg:$0x3] =	wrdreg s6  }
0xb9: {  	[dreg:$0x4] =	wrdreg $0xC0  }
0xba: {  	_ =	task [dreg:s22], $0x5FFFF  }
0xbb: {  	[dreg:$0x1] =	wrdreg $0xFFFFFFFF  }
0xbc: {  	[dreg:$0x0] =	wrdreg $0x60  }
0xbd: {  	[dreg:$0x2] =	wrdreg s18  }
0xbe: {  	[dreg:$0x3] =	wrdreg s24  }
0xbf: {  	[dreg:$0x4] =	wrdreg $0xA  }
0xc0: {  	_ =	task.clear_ibuf [dreg:s22], $0x5FFFF;
	_ =	strace $0x9000004C  }
0xc1: {  	s29 =	simm.s32 $0xA;
	_ =	strace $0x8000004E  }
0xc2: {  	_ =	swait.ge [sflag:s29], $0x1  }
0xc3: {  	[sflag:s29] =	ssyncadd.s32 $0xFFFFFFFF  }
0xc4: {  	_ =	strace $0x9000004E  }
0xc5: {  	_ =	sfence  }
0xc6: {  	s30 =	sld [smem:$0x0];
	_ =	sdelay $0x2  }
0xc7: {  	s31 =	sshll.u32 s1, $0xD;
	s1 =	sshrl.u32 s1, $0x2  }
0xc8: {  	s4 =	sand.u32 $0x4000, s31;
	s1 =	sadd.s32 s1, s30  }
0xc9: {  	s0 =	sor.u32 s4, s0;
	s1 =	sshll.u32 s1, $0x11  }
0xca: {  	s0 =	sor.u32 s1, s0  }
0xcb: {  	s0 =	sadd.s32 $0x8F2B, s0  }
0xcc: {  	[sflag:s0] =	ssyncadd.remote.s32 $0x1  }
0xcd: {  	_ =	sfence.sel $0xFFFF  }
0xce: {  	[dreg:$0x0] =	wrdreg $0xFFFFFFFF;
	(pc) =	sbr.abs _section_cstart, $3  }
0xcf: {  	[dreg:$0x1] =	wrdreg $0xFFFFFFFF  }
0xd0: {  	_ =	task.clear_ibuf [dreg:s22], $0x2FFFF;
	_ =	strace $0x9FFFFFFF  }
0xd1: {  	(tm) =	ssettm $0x7FFFFFFF  }
tec
execute0_lowered:
.L_overlay_start_1:
0x0: {  	(tag) =	ssettag $0x1  }
0x1: {  	s2 =	rddreg [dreg:$0x0]  }
0x2: {  	s4 =	rddreg [dreg:$0x1];
	s3 =	simm.s32 $0x0  }
0x3: {  	s6 =	simm.s32 $0xD100;
	[smem:$0x7FF] =	sst s3  }
0x4: {  	s7 =	simm.s32 $0xD900;
	_ =	strace $0x8000004D;
	[dreg:$0xb] =	wrdreg s6  }
0x5: {  	s8 =	simm.s32 $0xE100;
	[dreg:$0xc] =	wrdreg s7  }
0x6: {  	s9 =	simm.s32 $0xE900;
	[dreg:$0xd] =	wrdreg s8  }
0x7: {  	s10 =	simm.s32 $0xF100;
	[dreg:$0xe] =	wrdreg s9  }
0x8: {  	s11 =	simm.s32 $0xF900;
	[dreg:$0xf] =	wrdreg s10  }
0x9: {  	s0 =	srdreg.scid;
	s12 =	simm.s32 $0x10100;
	[dreg:$0x10] =	wrdreg s11  }
0xa: {  	s1 =	stileid.u32;
	s13 =	simm.s32 $0x10900;
	[dreg:$0x11] =	wrdreg s12  }
0xb: {  	s14 =	simm.s32 $0x11100;
	s15 =	simm.s32 $0x11900;
	[dreg:$0x12] =	wrdreg s13  }
0xc: {  	s16 =	simm.s32 $0x12900;
	s17 =	simm.s32 $0x13100;
	[dreg:$0x13] =	wrdreg s14  }
0xd: {  	s18 =	simm.s32 $0x13900;
	s19 =	simm.s32 $0x14100;
	[dreg:$0x14] =	wrdreg s15  }
0xe: {  	s20 =	simm.s32 $0x14900;
	s28 =	simm.s32 $0x3900;
	[dreg:$0x15] =	wrdreg s16  }
0xf: {  	s29 =	simm.s32 $0x4100;
	s30 =	simm.s32 $0x4900;
	[dreg:$0x16] =	wrdreg s17  }
0x10: {  	s0 =	sand.u32 $0x1, s0;
	s1 =	sshll.u32 s1, $0x1;
	[dreg:$0x17] =	wrdreg s18  }
0x11: {  	s31 =	simm.s32 $0x5100;
	s1 =	sor.u32 s0, s1;
	[dreg:$0x18] =	wrdreg s19  }
0x12: {  	s0 =	ssub.s32 $0x2, s0;
	[dreg:$0x19] =	wrdreg s20;
	s1 =	smul.u32 $0xC0, s1  }
0x13: {  	s10 =	simm.s32 $0x1;
	s11 =	simm.s32 $0x5;
	s26 =	sshrl.u32 s0, $0x1  }
0x14: {  	s12 =	simm.s32 $0x2;
	s0 =	ssub.s32 s0, s26;
	s1 =	sshrl.u32 s1, $0x3  }
0x15: {  	s26 =	simm.s32 $0x17900;
	s5 =	smul.u32 $0x300, s1;
	s1 =	sadd.s32 s4, s1  }
0x16: {  	s13 =	simm.s32 $0x6;
	[dreg:$0x1f] =	wrdreg s26;
	s1 =	sadd.s32 $0x2B00, s1  }
0x17: {  	s4 =	sadd.s32 s5, s4;
	[dreg:$0x3] =	wrdreg s1;
	s5 =	simm.s32 $0xC900  }
0x18: {  	s20 =	simm.s32 $0x100;
	s21 =	sadd.s32 $0x2E00, s4;
	[dreg:$0xa] =	wrdreg s5  }
0x19: {  	s9 =	simm.s32 $0x7100;
	s22 =	sadd.s32 $0x3A00, s4;
	[dreg:$0x4] =	wrdreg s21  }
0x1a: {  	s14 =	simm.s32 $0x8100;
	s23 =	sadd.s32 $0x4600, s4;
	[dreg:$0x5] =	wrdreg s22  }
0x1b: {  	s15 =	simm.s32 $0x8900;
	s24 =	sadd.s32 $0x5200, s4;
	[dreg:$0x6] =	wrdreg s23  }
0x1c: {  	s16 =	simm.s32 $0x9100;
	s25 =	sadd.s32 $0x5E00, s4;
	[dreg:$0x7] =	wrdreg s24  }
0x1d: {  	s17 =	simm.s32 $0x9900;
	s4 =	sadd.s32 $0x6A00, s4;
	[dreg:$0x8] =	wrdreg s25  }
0x1e: {  	s8 =	simm.s32 $0xC100;
	[dreg:$0x9] =	wrdreg s4;
	s21 =	simm.s32 $0x15100  }
0x1f: {  	s6 =	smax.u32 s0, $0x1;
	s22 =	simm.s32 $0x15900;
	[dreg:$0x1a] =	wrdreg s21  }
0x20: {  	s26 =	simm.s32 $0x3100;
	s23 =	simm.s32 $0x16100;
	[dreg:$0x1b] =	wrdreg s22  }
0x21: {  	s5 =	sadd.s32 $0x200, s2;
	s24 =	simm.s32 $0x16900;
	[dreg:$0x1c] =	wrdreg s23  }
0x22: {  	v2 =	vlaneseq.u32;
	s4 =	sadd.s32 $0x100, s2;
	s25 =	simm.s32 $0x17100;
	[dreg:$0x1d] =	wrdreg s24  }
0x23: {  	vm0 =	vmmov $0xffff;
	v1 =	vshrl.u32 v2, $0x3;
	[dreg:$0x1e] =	wrdreg s25;
	s21 =	simm.s32 $0x900;
	s22 =	simm.s32 $0x1100  }
0x24: {  	v0 =	vand.u32 $0x7, v2;
	v2 =	vor.u32 $0x8, v2;
	v1 =	vmul.u32 $0x8, v1;
	s23 =	simm.s32 $0x1900;
	s24 =	simm.s32 $0x2100;
	s25 =	simm.s32 $0x2900  }
.LBB2_1:
0x25: {  	s18 =	rddreg [dreg:$0x3];
	s0 =	simm.s32 $0x9  }
0x26: {  	[tilespmem:s3], [sflag:$0x9] =	stream.linear.gather [hbm4b:s18+s3], $0xC0, $0x38;
	[tilespmem:$0x18100] =	vst v63  }
0x27: {  	_ =	swait.ge [sflag:s0], $0xC0  }
0x28: {  	[sflag:s0] =	ssyncset.done $0x0  }
0x29: {  	[sflag:s0] =	ssyncadd.s32 $0xFFFFFF40  }
0x2a: {  	v3 =	vld [tilespmem:$0x0];
	_ =	sdelay $0x4  }
0x2b: {  	v4 =	vshrl.u32 v3, $0x3  }
0x2c: {  	v4 =	vmul.u32 $0x30, v4  }
0x2d: {  	v3 =	vand.u32 $0x7, v3  }
0x2e: {  	v3 =	vor.u32 v3, v4  }
0x2f: {  	v4 =	vperm.xlane v3, v0;
	_ =	sdelay $0x1  }
0x30: {  	v4 =	vadd.s32 v1, v4;
	_ =	sdelay $0x3  }
0x31: {  	v3 =	vperm.xlane v3, v2  }
0x32: {  	[tilespmem:s20], [sflag:$0x1] =	stream.indirect_vreg.gather [hbm4b:s2+s3], $0x80, v4, vm0, $0xb8;
	[tilespmem:$0x18100] =	vst v63  }
0x33: {  	v3 =	vadd.s32 v1, v3  }
0x34: {  	[tilespmem:s21], [sflag:$0x1] =	stream.indirect_vreg.gather [hbm4b:s4+s3], $0x80, v4, vm0, $0xb8;
	[tilespmem:$0x18100] =	vst v63  }
0x35: {  	_ = 	snop  }
0x36: {  	[tilespmem:s22], [sflag:$0x1] =	stream.indirect_vreg.gather [hbm4b:s5+s3], $0x80, v4, vm0, $0xb8;
	[tilespmem:$0x18100] =	vst v63  }
0x37: {  	_ = 	snop  }
0x38: {  	[tilespmem:s23], [sflag:$0x1] =	stream.indirect_vreg.gather [hbm4b:s2+s3], $0x80, v3, vm0, $0xb8;
	[tilespmem:$0x18100] =	vst v63  }
0x39: {  	_ = 	snop  }
0x3a: {  	[tilespmem:s24], [sflag:$0x1] =	stream.indirect_vreg.gather [hbm4b:s4+s3], $0x80, v3, vm0, $0xb8;
	[tilespmem:$0x18100] =	vst v63  }
0x3b: {  	_ = 	snop  }
0x3c: {  	[tilespmem:s25], [sflag:$0x1] =	stream.indirect_vreg.gather [hbm4b:s5+s3], $0x80, v3, vm0, $0xb8;
	[tilespmem:$0x18100] =	vst v63  }
0x3d: {  	v3 =	vld [tilespmem:$0x10];
	_ =	sdelay $0x4  }
0x3e: {  	v53 =	vshrl.u32 v3, $0x3  }
0x3f: {  	v4 =	vmul.u32 $0x30, v53  }
0x40: {  	v3 =	vand.u32 $0x7, v3  }
0x41: {  	v3 =	vor.u32 v3, v4  }
0x42: {  	v4 =	vperm.xlane v3, v0;
	_ =	sdelay $0x1  }
0x43: {  	v4 =	vadd.s32 v1, v4;
	_ =	sdelay $0x3  }
0x44: {  	v3 =	vperm.xlane v3, v2  }
0x45: {  	[tilespmem:s26], [sflag:$0x1] =	stream.indirect_vreg.gather [hbm4b:s2+s3], $0x80, v4, vm0, $0xb8;
	[tilespmem:$0x18100] =	vst v63  }
0x46: {  	v3 =	vadd.s32 v1, v3  }
0x47: {  	[tilespmem:s28], [sflag:$0x1] =	stream.indirect_vreg.gather [hbm4b:s4+s3], $0x80, v4, vm0, $0xb8;
	[tilespmem:$0x18100] =	vst v63  }
0x48: {  	_ = 	snop  }
0x49: {  	[tilespmem:s29], [sflag:$0x1] =	stream.indirect_vreg.gather [hbm4b:s5+s3], $0x80, v4, vm0, $0xb8;
	[tilespmem:$0x18100] =	vst v63  }
0x4a: {  	_ = 	snop  }
0x4b: {  	[tilespmem:s30], [sflag:$0x1] =	stream.indirect_vreg.gather [hbm4b:s2+s3], $0x80, v3, vm0, $0xb8;
	[tilespmem:$0x18100] =	vst v63  }
0x4c: {  	_ = 	snop  }
0x4d: {  	[tilespmem:s31], [sflag:$0x1] =	stream.indirect_vreg.gather [hbm4b:s4+s3], $0x80, v3, vm0, $0xb8;
	[tilespmem:$0x18100] =	vst v63  }
0x4e: {  	s7 =	simm.s32 $0x5900  }
0x4f: {  	[tilespmem:s7], [sflag:$0x1] =	stream.indirect_vreg.gather [hbm4b:s5+s3], $0x80, v3, vm0, $0xb8;
	[tilespmem:$0x18100] =	vst v63  }
0x50: {  	v3 =	vld [tilespmem:$0x20];
	_ =	sdelay $0x4  }
0x51: {  	v54 =	vshrl.u32 v3, $0x3  }
0x52: {  	v4 =	vmul.u32 $0x30, v54  }
0x53: {  	v3 =	vand.u32 $0x7, v3  }
0x54: {  	v3 =	vor.u32 v3, v4  }
0x55: {  	v4 =	vperm.xlane v3, v0;
	_ =	sdelay $0x1  }
0x56: {  	v4 =	vadd.s32 v1, v4;
	_ =	sdelay $0x3  }
0x57: {  	s0 =	simm.s32 $0x6100;
	v3 =	vperm.xlane v3, v2  }
0x58: {  	[tilespmem:s0], [sflag:$0x2] =	stream.indirect_vreg.gather [hbm4b:s2+s3], $0x80, v4, vm0, $0xb8;
	[tilespmem:$0x18100] =	vst v63  }
0x59: {  	s1 =	simm.s32 $0x6900;
	v3 =	vadd.s32 v1, v3  }
0x5a: {  	[tilespmem:s1], [sflag:$0x2] =	stream.indirect_vreg.gather [hbm4b:s4+s3], $0x80, v4, vm0, $0xb8;
	[tilespmem:$0x18100] =	vst v63  }
0x5b: {  	_ = 	snop  }
0x5c: {  	[tilespmem:s9], [sflag:$0x2] =	stream.indirect_vreg.gather [hbm4b:s5+s3], $0x80, v4, vm0, $0xb8;
	[tilespmem:$0x18100] =	vst v63  }
0x5d: {  	s19 =	simm.s32 $0x7900  }
0x5e: {  	[tilespmem:s19], [sflag:$0x2] =	stream.indirect_vreg.gather [hbm4b:s2+s3], $0x80, v3, vm0, $0xb8;
	[tilespmem:$0x18100] =	vst v63  }
0x5f: {  	_ = 	snop  }
0x60: {  	[tilespmem:s14], [sflag:$0x2] =	stream.indirect_vreg.gather [hbm4b:s4+s3], $0x80, v3, vm0, $0xb8;
	[tilespmem:$0x18100] =	vst v63  }
0x61: {  	_ = 	snop  }
0x62: {  	[tilespmem:s15], [sflag:$0x2] =	stream.indirect_vreg.gather [hbm4b:s5+s3], $0x80, v3, vm0, $0xb8;
	[tilespmem:$0x18100] =	vst v63  }
0x63: {  	v3 =	vld [tilespmem:$0x30];
	_ =	sdelay $0x4  }
0x64: {  	v55 =	vshrl.u32 v3, $0x3  }
0x65: {  	v4 =	vmul.u32 $0x30, v55  }
0x66: {  	v3 =	vand.u32 $0x7, v3  }
0x67: {  	v3 =	vor.u32 v3, v4  }
0x68: {  	v4 =	vperm.xlane v3, v0;
	_ =	sdelay $0x1  }
0x69: {  	v4 =	vadd.s32 v1, v4;
	_ =	sdelay $0x3  }
0x6a: {  	v3 =	vperm.xlane v3, v2  }
0x6b: {  	[tilespmem:s16], [sflag:$0x2] =	stream.indirect_vreg.gather [hbm4b:s2+s3], $0x80, v4, vm0, $0xb8;
	[tilespmem:$0x18100] =	vst v63  }
0x6c: {  	v3 =	vadd.s32 v1, v3  }
0x6d: {  	[tilespmem:s17], [sflag:$0x2] =	stream.indirect_vreg.gather [hbm4b:s4+s3], $0x80, v4, vm0, $0xb8;
	[tilespmem:$0x18100] =	vst v63  }
0x6e: {  	s18 =	simm.s32 $0xA100  }
0x6f: {  	[tilespmem:s18], [sflag:$0x2] =	stream.indirect_vreg.gather [hbm4b:s5+s3], $0x80, v4, vm0, $0xb8;
	[tilespmem:$0x18100] =	vst v63  }
0x70: {  	s19 =	simm.s32 $0xA900  }
0x71: {  	[tilespmem:s19], [sflag:$0x2] =	stream.indirect_vreg.gather [hbm4b:s2+s3], $0x80, v3, vm0, $0xb8;
	[tilespmem:$0x18100] =	vst v63  }
0x72: {  	s18 =	simm.s32 $0xB100  }
0x73: {  	[tilespmem:s18], [sflag:$0x2] =	stream.indirect_vreg.gather [hbm4b:s4+s3], $0x80, v3, vm0, $0xb8;
	[tilespmem:$0x18100] =	vst v63  }
0x74: {  	s19 =	simm.s32 $0xB900  }
0x75: {  	[tilespmem:s19], [sflag:$0x2] =	stream.indirect_vreg.gather [hbm4b:s5+s3], $0x80, v3, vm0, $0xb8;
	[tilespmem:$0x18100] =	vst v63  }
0x76: {  	v3 =	vld [tilespmem:$0x40];
	_ =	sdelay $0x4  }
0x77: {  	v56 =	vshrl.u32 v3, $0x3  }
0x78: {  	v4 =	vmul.u32 $0x30, v56  }
0x79: {  	v3 =	vand.u32 $0x7, v3  }
0x7a: {  	v3 =	vor.u32 v3, v4  }
0x7b: {  	v4 =	vperm.xlane v3, v0;
	_ =	sdelay $0x1  }
0x7c: {  	v4 =	vadd.s32 v1, v4;
	_ =	sdelay $0x3  }
0x7d: {  	v3 =	vperm.xlane v3, v2  }
0x7e: {  	[tilespmem:s8], [sflag:$0x3] =	stream.indirect_vreg.gather [hbm4b:s2+s3], $0x80, v4, vm0, $0xb8;
	[tilespmem:$0x18100] =	vst v63  }
0x7f: {  	s1 =	rddreg [dreg:$0xa];
	v3 =	vadd.s32 v1, v3  }
0x80: {  	[tilespmem:s1], [sflag:$0x3] =	stream.indirect_vreg.gather [hbm4b:s4+s3], $0x80, v4, vm0, $0xb8;
	[tilespmem:$0x18100] =	vst v63  }
0x81: {  	s19 =	rddreg [dreg:$0xb]  }
0x82: {  	[tilespmem:s19], [sflag:$0x3] =	stream.indirect_vreg.gather [hbm4b:s5+s3], $0x80, v4, vm0, $0xb8;
	[tilespmem:$0x18100] =	vst v63  }
0x83: {  	s1 =	rddreg [dreg:$0xc]  }
0x84: {  	[tilespmem:s1], [sflag:$0x3] =	stream.indirect_vreg.gather [hbm4b:s2+s3], $0x80, v3, vm0, $0xb8;
	[tilespmem:$0x18100] =	vst v63  }
0x85: {  	s19 =	rddreg [dreg:$0xd]  }
0x86: {  	[tilespmem:s19], [sflag:$0x3] =	stream.indirect_vreg.gather [hbm4b:s4+s3], $0x80, v3, vm0, $0xb8;
	[tilespmem:$0x18100] =	vst v63  }
0x87: {  	s1 =	rddreg [dreg:$0xe]  }
0x88: {  	[tilespmem:s1], [sflag:$0x3] =	stream.indirect_vreg.gather [hbm4b:s5+s3], $0x80, v3, vm0, $0xb8;
	[tilespmem:$0x18100] =	vst v63  }
0x89: {  	v3 =	vld [tilespmem:$0x50];
	_ =	sdelay $0x4  }
0x8a: {  	v57 =	vshrl.u32 v3, $0x3  }
0x8b: {  	v4 =	vmul.u32 $0x30, v57  }
0x8c: {  	v3 =	vand.u32 $0x7, v3  }
0x8d: {  	v3 =	vor.u32 v3, v4  }
0x8e: {  	v4 =	vperm.xlane v3, v0;
	_ =	sdelay $0x1  }
0x8f: {  	v4 =	vadd.s32 v1, v4;
	_ =	sdelay $0x3  }
0x90: {  	s19 =	rddreg [dreg:$0xf];
	v3 =	vperm.xlane v3, v2  }
0x91: {  	[tilespmem:s19], [sflag:$0x3] =	stream.indirect_vreg.gather [hbm4b:s2+s3], $0x80, v4, vm0, $0xb8;
	[tilespmem:$0x18100] =	vst v63  }
0x92: {  	s1 =	rddreg [dreg:$0x10];
	v3 =	vadd.s32 v1, v3  }
0x93: {  	[tilespmem:s1], [sflag:$0x3] =	stream.indirect_vreg.gather [hbm4b:s4+s3], $0x80, v4, vm0, $0xb8;
	[tilespmem:$0x18100] =	vst v63  }
0x94: {  	s18 =	rddreg [dreg:$0x11]  }
0x95: {  	[tilespmem:s18], [sflag:$0x3] =	stream.indirect_vreg.gather [hbm4b:s5+s3], $0x80, v4, vm0, $0xb8;
	[tilespmem:$0x18100] =	vst v63  }
0x96: {  	s1 =	rddreg [dreg:$0x12]  }
0x97: {  	[tilespmem:s1], [sflag:$0x3] =	stream.indirect_vreg.gather [hbm4b:s2+s3], $0x80, v3, vm0, $0xb8;
	[tilespmem:$0x18100] =	vst v63  }
0x98: {  	s18 =	rddreg [dreg:$0x13]  }
0x99: {  	[tilespmem:s18], [sflag:$0x3] =	stream.indirect_vreg.gather [hbm4b:s4+s3], $0x80, v3, vm0, $0xb8;
	[tilespmem:$0x18100] =	vst v63  }
0x9a: {  	s1 =	rddreg [dreg:$0x14]  }
0x9b: {  	[tilespmem:s1], [sflag:$0x3] =	stream.indirect_vreg.gather [hbm4b:s5+s3], $0x80, v3, vm0, $0xb8;
	[tilespmem:$0x18100] =	vst v63  }
0x9c: {  	v3 =	vld [tilespmem:$0x60];
	_ =	sdelay $0x4  }
0x9d: {  	v58 =	vshrl.u32 v3, $0x3  }
0x9e: {  	v4 =	vmul.u32 $0x30, v58  }
0x9f: {  	v3 =	vand.u32 $0x7, v3  }
0xa0: {  	v3 =	vor.u32 v3, v4  }
0xa1: {  	v4 =	vperm.xlane v3, v0;
	_ =	sdelay $0x1  }
0xa2: {  	v4 =	vadd.s32 v1, v4;
	_ =	sdelay $0x3  }
0xa3: {  	s1 =	simm.s32 $0x12100;
	v3 =	vperm.xlane v3, v2  }
0xa4: {  	[tilespmem:s1], [sflag:$0x4] =	stream.indirect_vreg.gather [hbm4b:s2+s3], $0x80, v4, vm0, $0xb8;
	[tilespmem:$0x18100] =	vst v63  }
0xa5: {  	s18 =	rddreg [dreg:$0x15];
	v3 =	vadd.s32 v1, v3  }
0xa6: {  	[tilespmem:s18], [sflag:$0x4] =	stream.indirect_vreg.gather [hbm4b:s4+s3], $0x80, v4, vm0, $0xb8;
	[tilespmem:$0x18100] =	vst v63  }
0xa7: {  	s19 =	rddreg [dreg:$0x16]  }
0xa8: {  	[tilespmem:s19], [sflag:$0x4] =	stream.indirect_vreg.gather [hbm4b:s5+s3], $0x80, v4, vm0, $0xb8;
	[tilespmem:$0x18100] =	vst v63  }
0xa9: {  	s18 =	rddreg [dreg:$0x17]  }
0xaa: {  	[tilespmem:s18], [sflag:$0x4] =	stream.indirect_vreg.gather [hbm4b:s2+s3], $0x80, v3, vm0, $0xb8;
	[tilespmem:$0x18100] =	vst v63  }
0xab: {  	s19 =	rddreg [dreg:$0x18]  }
0xac: {  	[tilespmem:s19], [sflag:$0x4] =	stream.indirect_vreg.gather [hbm4b:s4+s3], $0x80, v3, vm0, $0xb8;
	[tilespmem:$0x18100] =	vst v63  }
0xad: {  	s18 =	rddreg [dreg:$0x19]  }
0xae: {  	[tilespmem:s18], [sflag:$0x4] =	stream.indirect_vreg.gather [hbm4b:s5+s3], $0x80, v3, vm0, $0xb8;
	[tilespmem:$0x18100] =	vst v63  }
0xaf: {  	v3 =	vld [tilespmem:$0x70];
	_ =	sdelay $0x4  }
0xb0: {  	v59 =	vshrl.u32 v3, $0x3  }
0xb1: {  	v4 =	vmul.u32 $0x30, v59  }
0xb2: {  	v3 =	vand.u32 $0x7, v3  }
0xb3: {  	v3 =	vor.u32 v3, v4  }
0xb4: {  	v4 =	vperm.xlane v3, v0;
	_ =	sdelay $0x1  }
0xb5: {  	v4 =	vadd.s32 v1, v4;
	_ =	sdelay $0x3  }
0xb6: {  	s18 =	rddreg [dreg:$0x1a];
	v3 =	vperm.xlane v3, v2  }
0xb7: {  	[tilespmem:s18], [sflag:$0x4] =	stream.indirect_vreg.gather [hbm4b:s2+s3], $0x80, v4, vm0, $0xb8;
	[tilespmem:$0x18100] =	vst v63  }
0xb8: {  	s19 =	rddreg [dreg:$0x1b];
	v3 =	vadd.s32 v1, v3  }
0xb9: {  	[tilespmem:s19], [sflag:$0x4] =	stream.indirect_vreg.gather [hbm4b:s4+s3], $0x80, v4, vm0, $0xb8;
	[tilespmem:$0x18100] =	vst v63  }
0xba: {  	s18 =	rddreg [dreg:$0x1c]  }
0xbb: {  	[tilespmem:s18], [sflag:$0x4] =	stream.indirect_vreg.gather [hbm4b:s5+s3], $0x80, v4, vm0, $0xb8;
	[tilespmem:$0x18100] =	vst v63  }
0xbc: {  	s19 =	rddreg [dreg:$0x1d]  }
0xbd: {  	[tilespmem:s19], [sflag:$0x4] =	stream.indirect_vreg.gather [hbm4b:s2+s3], $0x80, v3, vm0, $0xb8;
	[tilespmem:$0x18100] =	vst v63  }
0xbe: {  	s18 =	rddreg [dreg:$0x1e]  }
0xbf: {  	[tilespmem:s18], [sflag:$0x4] =	stream.indirect_vreg.gather [hbm4b:s4+s3], $0x80, v3, vm0, $0xb8;
	[tilespmem:$0x18100] =	vst v63  }
0xc0: {  	s19 =	rddreg [dreg:$0x1f]  }
0xc1: {  	[tilespmem:s19], [sflag:$0x4] =	stream.indirect_vreg.gather [hbm4b:s5+s3], $0x80, v3, vm0, $0xb8;
	[tilespmem:$0x18100] =	vst v63  }
0xc2: {  	_ =	swait.ge [sflag:s10], $0x6000  }
0xc3: {  	[sflag:s10] =	ssyncset.done $0x0  }
0xc4: {  	s19 =	rddreg [dreg:$0x4];
	[sflag:s10] =	ssyncadd.s32 $0xFFFFA000  }
0xc5: {  	[hbm4b:s19+s3] =	stream.linear.scatter [tilespmem:s20], [sflag:$0x5], $0x6000, $0x38;
	[tilespmem:$0x18100] =	vst v63  }
0xc6: {  	_ =	swait.ge [sflag:s11], $0x6000  }
0xc7: {  	[sflag:s11] =	ssyncset.done $0x0  }
0xc8: {  	[sflag:s11] =	ssyncadd.s32 $0xFFFFA000  }
0xc9: {  	v3 =	vld [tilespmem:$0x80];
	_ =	sdelay $0x4  }
0xca: {  	v60 =	vshrl.u32 v3, $0x3  }
0xcb: {  	v4 =	vmul.u32 $0x30, v60  }
0xcc: {  	v3 =	vand.u32 $0x7, v3  }
0xcd: {  	v3 =	vor.u32 v3, v4  }
0xce: {  	v4 =	vperm.xlane v3, v0;
	_ =	sdelay $0x1  }
0xcf: {  	v4 =	vadd.s32 v1, v4;
	_ =	sdelay $0x3  }
0xd0: {  	v3 =	vperm.xlane v3, v2  }
0xd1: {  	[tilespmem:s20], [sflag:$0x1] =	stream.indirect_vreg.gather [hbm4b:s2+s3], $0x80, v4, vm0, $0xb8;
	[tilespmem:$0x18100] =	vst v63  }
0xd2: {  	v3 =	vadd.s32 v1, v3  }
0xd3: {  	[tilespmem:s21], [sflag:$0x1] =	stream.indirect_vreg.gather [hbm4b:s4+s3], $0x80, v4, vm0, $0xb8;
	[tilespmem:$0x18100] =	vst v63  }
0xd4: {  	_ = 	snop  }
0xd5: {  	[tilespmem:s22], [sflag:$0x1] =	stream.indirect_vreg.gather [hbm4b:s5+s3], $0x80, v4, vm0, $0xb8;
	[tilespmem:$0x18100] =	vst v63  }
0xd6: {  	_ = 	snop  }
0xd7: {  	[tilespmem:s23], [sflag:$0x1] =	stream.indirect_vreg.gather [hbm4b:s2+s3], $0x80, v3, vm0, $0xb8;
	[tilespmem:$0x18100] =	vst v63  }
0xd8: {  	_ = 	snop  }
0xd9: {  	[tilespmem:s24], [sflag:$0x1] =	stream.indirect_vreg.gather [hbm4b:s4+s3], $0x80, v3, vm0, $0xb8;
	[tilespmem:$0x18100] =	vst v63  }
0xda: {  	_ = 	snop  }
0xdb: {  	[tilespmem:s25], [sflag:$0x1] =	stream.indirect_vreg.gather [hbm4b:s5+s3], $0x80, v3, vm0, $0xb8;
	[tilespmem:$0x18100] =	vst v63  }
0xdc: {  	v3 =	vld [tilespmem:$0x90];
	_ =	sdelay $0x4  }
0xdd: {  	v61 =	vshrl.u32 v3, $0x3  }
0xde: {  	v4 =	vmul.u32 $0x30, v61  }
0xdf: {  	v3 =	vand.u32 $0x7, v3  }
0xe0: {  	v3 =	vor.u32 v3, v4  }
0xe1: {  	v4 =	vperm.xlane v3, v0;
	_ =	sdelay $0x1  }
0xe2: {  	v4 =	vadd.s32 v1, v4;
	_ =	sdelay $0x3  }
0xe3: {  	v3 =	vperm.xlane v3, v2  }
0xe4: {  	[tilespmem:s26], [sflag:$0x1] =	stream.indirect_vreg.gather [hbm4b:s2+s3], $0x80, v4, vm0, $0xb8;
	[tilespmem:$0x18100] =	vst v63  }
0xe5: {  	v3 =	vadd.s32 v1, v3  }
0xe6: {  	[tilespmem:s28], [sflag:$0x1] =	stream.indirect_vreg.gather [hbm4b:s4+s3], $0x80, v4, vm0, $0xb8;
	[tilespmem:$0x18100] =	vst v63  }
0xe7: {  	_ = 	snop  }
0xe8: {  	[tilespmem:s29], [sflag:$0x1] =	stream.indirect_vreg.gather [hbm4b:s5+s3], $0x80, v4, vm0, $0xb8;
	[tilespmem:$0x18100] =	vst v63  }
0xe9: {  	_ = 	snop  }
0xea: {  	[tilespmem:s30], [sflag:$0x1] =	stream.indirect_vreg.gather [hbm4b:s2+s3], $0x80, v3, vm0, $0xb8;
	[tilespmem:$0x18100] =	vst v63  }
0xeb: {  	_ = 	snop  }
0xec: {  	[tilespmem:s31], [sflag:$0x1] =	stream.indirect_vreg.gather [hbm4b:s4+s3], $0x80, v3, vm0, $0xb8;
	[tilespmem:$0x18100] =	vst v63  }
0xed: {  	_ = 	snop  }
0xee: {  	[tilespmem:s7], [sflag:$0x1] =	stream.indirect_vreg.gather [hbm4b:s5+s3], $0x80, v3, vm0, $0xb8;
	[tilespmem:$0x18100] =	vst v63  }
0xef: {  	_ =	swait.ge [sflag:s12], $0x6000  }
0xf0: {  	[sflag:s12] =	ssyncset.done $0x0  }
0xf1: {  	s7 =	rddreg [dreg:$0x5];
	[sflag:s12] =	ssyncadd.s32 $0xFFFFA000  }
0xf2: {  	[hbm4b:s7+s3] =	stream.linear.scatter [tilespmem:s0], [sflag:$0x6], $0x6000, $0x38;
	[tilespmem:$0x18100] =	vst v63  }
0xf3: {  	_ =	swait.ge [sflag:s13], $0x6000  }
0xf4: {  	[sflag:s13] =	ssyncset.done $0x0  }
0xf5: {  	[sflag:s13] =	ssyncadd.s32 $0xFFFFA000  }
0xf6: {  	v3 =	vld [tilespmem:$0xA0];
	_ =	sdelay $0x4  }
0xf7: {  	v62 =	vshrl.u32 v3, $0x3  }
0xf8: {  	v4 =	vmul.u32 $0x30, v62  }
0xf9: {  	v3 =	vand.u32 $0x7, v3  }
0xfa: {  	v3 =	vor.u32 v3, v4  }
0xfb: {  	v4 =	vperm.xlane v3, v0;
	_ =	sdelay $0x1  }
0xfc: {  	v4 =	vadd.s32 v1, v4;
	_ =	sdelay $0x3  }
0xfd: {  	v3 =	vperm.xlane v3, v2  }
0xfe: {  	[tilespmem:s0], [sflag:$0x2] =	stream.indirect_vreg.gather [hbm4b:s2+s3], $0x80, v4, vm0, $0xb8;
	[tilespmem:$0x18100] =	vst v63  }
0xff: {  	s18 =	simm.s32 $0x6900;
	v3 =	vadd.s32 v1, v3  }
0x100: {  	[tilespmem:s18], [sflag:$0x2] =	stream.indirect_vreg.gather [hbm4b:s4+s3], $0x80, v4, vm0, $0xb8;
	[tilespmem:$0x18100] =	vst v63  }
0x101: {  	_ = 	snop  }
0x102: {  	[tilespmem:s9], [sflag:$0x2] =	stream.indirect_vreg.gather [hbm4b:s5+s3], $0x80, v4, vm0, $0xb8;
	[tilespmem:$0x18100] =	vst v63  }
0x103: {  	s19 =	simm.s32 $0x7900  }
0x104: {  	[tilespmem:s19], [sflag:$0x2] =	stream.indirect_vreg.gather [hbm4b:s2+s3], $0x80, v3, vm0, $0xb8;
	[tilespmem:$0x18100] =	vst v63  }
0x105: {  	_ = 	snop  }
0x106: {  	[tilespmem:s14], [sflag:$0x2] =	stream.indirect_vreg.gather [hbm4b:s4+s3], $0x80, v3, vm0, $0xb8;
	[tilespmem:$0x18100] =	vst v63  }
0x107: {  	_ = 	snop  }
0x108: {  	[tilespmem:s15], [sflag:$0x2] =	stream.indirect_vreg.gather [hbm4b:s5+s3], $0x80, v3, vm0, $0xb8;
	[tilespmem:$0x18100] =	vst v63  }
0x109: {  	v3 =	vld [tilespmem:$0xB0];
	_ =	sdelay $0x4  }
0x10a: {  	v63 =	vshrl.u32 v3, $0x3  }
0x10b: {  	v4 =	vmul.u32 $0x30, v63  }
0x10c: {  	v3 =	vand.u32 $0x7, v3  }
0x10d: {  	v3 =	vor.u32 v3, v4  }
0x10e: {  	v4 =	vperm.xlane v3, v0;
	_ =	sdelay $0x1  }
0x10f: {  	v4 =	vadd.s32 v1, v4;
	_ =	sdelay $0x3  }
0x110: {  	v3 =	vperm.xlane v3, v2  }
0x111: {  	[tilespmem:s16], [sflag:$0x2] =	stream.indirect_vreg.gather [hbm4b:s2+s3], $0x80, v4, vm0, $0xb8;
	[tilespmem:$0x18100] =	vst v63  }
0x112: {  	v3 =	vadd.s32 v1, v3  }
0x113: {  	[tilespmem:s17], [sflag:$0x2] =	stream.indirect_vreg.gather [hbm4b:s4+s3], $0x80, v4, vm0, $0xb8;
	[tilespmem:$0x18100] =	vst v63  }
0x114: {  	s18 =	simm.s32 $0xA100  }
0x115: {  	[tilespmem:s18], [sflag:$0x2] =	stream.indirect_vreg.gather [hbm4b:s5+s3], $0x80, v4, vm0, $0xb8;
	[tilespmem:$0x18100] =	vst v63  }
0x116: {  	s19 =	simm.s32 $0xA900  }
0x117: {  	[tilespmem:s19], [sflag:$0x2] =	stream.indirect_vreg.gather [hbm4b:s2+s3], $0x80, v3, vm0, $0xb8;
	[tilespmem:$0x18100] =	vst v63  }
0x118: {  	s18 =	simm.s32 $0xB100  }
0x119: {  	[tilespmem:s18], [sflag:$0x2] =	stream.indirect_vreg.gather [hbm4b:s4+s3], $0x80, v3, vm0, $0xb8;
	[tilespmem:$0x18100] =	vst v63  }
0x11a: {  	s19 =	simm.s32 $0xB900;
	s18 =	simm.s32 $0x3  }
0x11b: {  	[tilespmem:s19], [sflag:$0x2] =	stream.indirect_vreg.gather [hbm4b:s5+s3], $0x80, v3, vm0, $0xb8;
	[tilespmem:$0x18100] =	vst v63  }
0x11c: {  	_ =	swait.ge [sflag:s18], $0x6000  }
0x11d: {  	[sflag:s18] =	ssyncset.done $0x0  }
0x11e: {  	s19 =	rddreg [dreg:$0x6];
	[sflag:s18] =	ssyncadd.s32 $0xFFFFA000;
	s18 =	simm.s32 $0x4  }
0x11f: {  	[hbm4b:s19+s3] =	stream.linear.scatter [tilespmem:s8], [sflag:$0x7], $0x6000, $0x38;
	[tilespmem:$0x18100] =	vst v63  }
0x120: {  	_ =	swait.ge [sflag:s18], $0x6000  }
0x121: {  	[sflag:s18] =	ssyncset.done $0x0  }
0x122: {  	s19 =	rddreg [dreg:$0x7];
	[sflag:s18] =	ssyncadd.s32 $0xFFFFA000  }
0x123: {  	[hbm4b:s19+s3] =	stream.linear.scatter [tilespmem:s1], [sflag:$0x8], $0x6000, $0x38;
	[tilespmem:$0x18100] =	vst v63  }
0x124: {  	_ =	swait.ge [sflag:s10], $0x6000  }
0x125: {  	[sflag:s10] =	ssyncset.done $0x0  }
0x126: {  	s1 =	rddreg [dreg:$0x8];
	[sflag:s10] =	ssyncadd.s32 $0xFFFFA000  }
0x127: {  	[hbm4b:s1+s3] =	stream.linear.scatter [tilespmem:s20], [sflag:$0x5], $0x6000, $0x38;
	[tilespmem:$0x18100] =	vst v63  }
0x128: {  	_ =	swait.ge [sflag:s12], $0x6000  }
0x129: {  	[sflag:s12] =	ssyncset.done $0x0  }
0x12a: {  	s7 =	rddreg [dreg:$0x9];
	[sflag:s12] =	ssyncadd.s32 $0xFFFFA000  }
0x12b: {  	[hbm4b:s7+s3] =	stream.linear.scatter [tilespmem:s0], [sflag:$0x6], $0x6000, $0x38;
	[tilespmem:$0x18100] =	vst v63  }
0x12c: {  	_ =	swait.ge [sflag:s11], $0x6000  }
0x12d: {  	[sflag:s11] =	ssyncset.done $0x0  }
0x12e: {  	[sflag:s11] =	ssyncadd.s32 $0xFFFFA000  }
0x12f: {  	_ =	swait.ge [sflag:s13], $0x6000  }
0x130: {  	[sflag:s13] =	ssyncset.done $0x0  }
0x131: {  	s18 =	simm.s32 $0x7;
	[sflag:s13] =	ssyncadd.s32 $0xFFFFA000  }
0x132: {  	p0 =	sne.s32 s6, $0x1;
	_ =	swait.ge [sflag:s18], $0x6000  }
.Ltmp0:
0x133: {  	[sflag:s18] =	ssyncset.done $0x0;
	(pc) =	sbr.rel @p0 .LBB2_1-.Ltmp0, $4  }
0x134: {  	s19 =	simm.s32 $0x8;
	[sflag:s18] =	ssyncadd.s32 $0xFFFFA000  }
0x135: {  	_ =	swait.ge [sflag:s19], $0x6000  }
0x136: {  	[sflag:s19] =	ssyncset.done $0x0  }
0x137: {  	s6 =	sadd.s32 $0xFFFFFFFF, s6;
	[sflag:s19] =	ssyncadd.s32 $0xFFFFA000  }
0x138: {  	_ =	sfence.sel $0x180000  }
0x139: {  	[bflag:$0x0] =	sbarrier.arrive $0xFFFF  }
0x13a: {  	_ =	strace $0x9000004D  }
0x13b: {  	s0 =	stileid.u32;
	[bflag:$0x2] =	sbarrier.arrive $0xFFFF  }
0x13c: {  	p0 =	sne.s32 s0, $0x0;
	s0 =	rddreg [dreg:$0x2]  }
0x13d: {  	s0 =	sadd.s32 @!p0 $0x100000, s0  }
0x13e: {  	[sflag:s0] =	ssyncadd.tile.s32 @!p0 $0x1;
	_ =	shalt  }
.Lfunc_end2:
_tile_overlayer_lowered:
.L_overlay_start_2:
0x13f: {  	(tag) =	ssettag $0x2  }
0x140: {  	s0 =	rddreg [dreg:$0x0];
	s2 =	stileid.u32  }
0x141: {  	s1 =	rddreg [dreg:$0x1];
	p0 =	sne.s32 s2, $0x0  }
0x142: {  	s3 =	rddreg [dreg:$0x2];
	[bflag:$0x3] =	sbarrier.arrive $0xFFFF;
	s2 =	simm.s32 @!p0 $0x1C09  }
0x143: {  	[timem:s3], [sflag:s2] =	dma.local @!p0 [hbm:s0], s1  }
0x144: {  	s0 =	simm.s32 @!p0 $0x9  }
0x145: {  	_ =	swait.ge @!p0 [sflag:s0], s1  }
0x146: {  	s1 =	ssub.s32 @!p0 $0x0, s1;
	[sflag:s0] =	ssyncset.done @!p0 $0x0  }
0x147: {  	[sflag:s0] =	ssyncadd.s32 @!p0 s1  }
0x148: {  	[bflag:$0x3] =	sbarrier.arrive $0xFFFF  }
0x149: {  	_ =	shalt  }

</sc_bundles>
